<compile_context>
chip_gen: v7x
topology: tpu7x:2x2x1
jax: 0.10.2.dev20260603
libtpu: 0.0.44.dev20260713+nightly
codegen_flags: <defaults>
</compile_context>

<pallas_src>
import functools

import jax
import jax.numpy as jnp
from jax import lax
from jax.experimental import pallas as pl
from jax.experimental.pallas import tpu as pltpu
from jax.experimental.pallas import tpu_sc as plsc

N = 10000
E = 320000
D_IN = 128
H1 = 128
H2 = 64
D_OUT = 128

NC = 2
NS = 16
NW = NC * NS
EPW = E // NW
CH = 125
NCHUNK = EPW // CH
N_PAD = 10240
STRIPE = N_PAD // NS
ZCH = 5


BLK = 2000


def _sc_mesh():
    return plsc.VectorSubcoreMesh(core_axis_name="c", subcore_axis_name="s")


def _sc_degree(dst3):

    @functools.partial(
        pl.kernel,
        out_type=jax.ShapeDtypeStruct((NC, N_PAD), jnp.float32),
        mesh=_sc_mesh(),
        scratch_types=[
            pltpu.VMEM((NCHUNK, CH), jnp.int32),
            pltpu.VMEM((128,), jnp.float32),
            pltpu.VMEM((128,), jnp.float32),
            pltpu.VMEM_SHARED((N_PAD,), jnp.float32),
        ],
    )
    def k(dst_hbm, out_hbm, idx_v, ones_v, tmp_v, deg_sh):
        c = lax.axis_index("c")
        s = lax.axis_index("s")
        wid = c * NS + s
        for j in range(8):
            ones_v[pl.ds(j * 16, 16)] = jnp.full((16,), 1.0, jnp.float32)
            tmp_v[pl.ds(j * 16, 16)] = jnp.zeros((16,), jnp.float32)
        base = s * STRIPE
        for t in range(ZCH):
            pltpu.sync_copy(tmp_v, deg_sh.at[pl.ds(base + t * 128, 128)])
        plsc.subcore_barrier()
        pltpu.sync_copy(dst_hbm.at[wid], idx_v)

        def body(ch, carry):
            pltpu.sync_copy(ones_v.at[pl.ds(0, CH)],
                            deg_sh.at[idx_v.at[ch]], add=True)
            return carry

        lax.fori_loop(0, NCHUNK, body, 0)
        plsc.subcore_barrier()
        for t in range(ZCH):
            off = base + t * 128
            pltpu.sync_copy(deg_sh.at[pl.ds(off, 128)],
                            out_hbm.at[c, pl.ds(off, 128)])

    return k(dst3)


def _sc_scatter(hwp, src3, dst3, feat):

    @functools.partial(
        pl.kernel,
        out_type=jax.ShapeDtypeStruct((NC, N_PAD, feat), jnp.float32),
        mesh=_sc_mesh(),
        scratch_types=[
            pltpu.VMEM((NCHUNK, CH), jnp.int32),
            pltpu.VMEM((NCHUNK, CH), jnp.int32),
            pltpu.VMEM((128, feat), jnp.float32),
            pltpu.VMEM_SHARED((N_PAD, feat), jnp.float32),
            pltpu.SemaphoreType.DMA,
        ],
    )
    def k(hwp_hbm, src_hbm, dst_hbm, out_hbm, src_v, dst_v, rows_v,
          acc_sh, sem):
        c = lax.axis_index("c")
        s = lax.axis_index("s")
        wid = c * NS + s

        def zbody(r, carry):
            for j in range(feat // 16):
                rows_v[r, pl.ds(j * 16, 16)] = jnp.zeros((16,), jnp.float32)
            return carry

        lax.fori_loop(0, 128, zbody, 0)
        base = s * STRIPE
        for t in range(ZCH):
            pltpu.sync_copy(rows_v, acc_sh.at[pl.ds(base + t * 128, 128)])
        plsc.subcore_barrier()
        pltpu.sync_copy(src_hbm.at[wid], src_v)
        pltpu.sync_copy(dst_hbm.at[wid], dst_v)

        def body(ch, carry):
            pltpu.async_copy(hwp_hbm.at[src_v.at[ch]],
                             rows_v.at[pl.ds(0, CH)], sem).wait()
            pltpu.sync_copy(rows_v.at[pl.ds(0, CH)],
                            acc_sh.at[dst_v.at[ch]], add=True)
            return carry

        lax.fori_loop(0, NCHUNK, body, 0)
        plsc.subcore_barrier()
        for t in range(ZCH):
            off = base + t * 128
            pltpu.sync_copy(acc_sh.at[pl.ds(off, 128)],
                            out_hbm.at[c, pl.ds(off, 128)])

    return k(hwp, src3, dst3)


def _dot(a, b, dims):
    return lax.dot_general(a, b, (dims, ((), ())),
                           preferred_element_type=jnp.float32,
                           precision=lax.Precision.HIGHEST)


def _tc_pre(x, W1, degp):

    def body(x_ref, w_ref, degp_ref, hwp_ref, dinv_ref):
        deg = degp_ref[:, 0] + degp_ref[:, 1] + 1.0
        dinv = lax.rsqrt(deg)
        hw = _dot(x_ref[...], w_ref[...], ((1,), (0,)))
        hwp_ref[...] = hw * dinv[:, None]
        dinv_ref[...] = dinv[:, None]

    return pl.pallas_call(
        body,
        grid=(N // BLK,),
        in_specs=[
            pl.BlockSpec((BLK, D_IN), lambda i: (i, 0)),
            pl.BlockSpec((D_IN, H1), lambda i: (0, 0)),
            pl.BlockSpec((BLK, NC), lambda i: (i, 0)),
        ],
        out_specs=[
            pl.BlockSpec((BLK, H1), lambda i: (i, 0)),
            pl.BlockSpec((BLK, 1), lambda i: (i, 0)),
        ],
        out_shape=[
            jax.ShapeDtypeStruct((N, H1), jnp.float32),
            jax.ShapeDtypeStruct((N, 1), jnp.float32),
        ],
    )(x, W1, degp)


def _tc_post(acc, hwp, dinv, b2d, Wres, Wnext):
    feat = hwp.shape[1]
    nxt = Wnext.shape[1]

    def body(acc_ref, hwp_ref, dinv_ref, b_ref, wr_ref, wn_ref, out_ref):
        dinv = dinv_ref[...]
        z = (acc_ref[0] + acc_ref[1] + hwp_ref[...]) * dinv + b_ref[...]
        z = jnp.maximum(z, 0.0)
        z = jnp.maximum(z + _dot(z, wr_ref[...], ((1,), (1,))), 0.0)
        out_ref[...] = _dot(z, wn_ref[...], ((1,), (0,))) * dinv

    return pl.pallas_call(
        body,
        grid=(N // BLK,),
        in_specs=[
            pl.BlockSpec((NC, BLK, feat), lambda i: (0, i, 0)),
            pl.BlockSpec((BLK, feat), lambda i: (i, 0)),
            pl.BlockSpec((BLK, 1), lambda i: (i, 0)),
            pl.BlockSpec((1, feat), lambda i: (0, 0)),
            pl.BlockSpec((feat, feat), lambda i: (0, 0)),
            pl.BlockSpec((feat, nxt), lambda i: (0, 0)),
        ],
        out_specs=pl.BlockSpec((BLK, nxt), lambda i: (i, 0)),
        out_shape=jax.ShapeDtypeStruct((N, nxt), jnp.float32),
    )(acc, hwp, dinv, b2d, Wres, Wnext)


def _tc_final(acc, hwp, dinv, b2d, Wres):
    feat = hwp.shape[1]

    def body(acc_ref, hwp_ref, dinv_ref, b_ref, wr_ref, out_ref):
        dinv = dinv_ref[...]
        z = (acc_ref[0] + acc_ref[1] + hwp_ref[...]) * dinv + b_ref[...]
        z = jnp.maximum(z, 0.0)
        out_ref[...] = jnp.maximum(z + _dot(z, wr_ref[...], ((1,), (1,))), 0.0)

    return pl.pallas_call(
        body,
        grid=(N // BLK,),
        in_specs=[
            pl.BlockSpec((NC, BLK, feat), lambda i: (0, i, 0)),
            pl.BlockSpec((BLK, feat), lambda i: (i, 0)),
            pl.BlockSpec((BLK, 1), lambda i: (i, 0)),
            pl.BlockSpec((1, feat), lambda i: (0, 0)),
            pl.BlockSpec((feat, feat), lambda i: (0, 0)),
        ],
        out_specs=pl.BlockSpec((BLK, feat), lambda i: (i, 0)),
        out_shape=jax.ShapeDtypeStruct((N, feat), jnp.float32),
    )(acc, hwp, dinv, b2d, Wres)


def kernel(x, edge_index, W1, b1, W2, W3, b3, W4, W5, b5, W6):
    src3 = edge_index[0].reshape(NW, NCHUNK, CH)
    dst3 = edge_index[1].reshape(NW, NCHUNK, CH)

    W3p = jnp.zeros((H1, 128), jnp.float32).at[:, :H2].set(W3)
    b3p = jnp.zeros((128,), jnp.float32).at[:H2].set(b3)
    W4p = jnp.zeros((128, 128), jnp.float32).at[:H2, :H2].set(W4)
    W5p = jnp.zeros((128, D_OUT), jnp.float32).at[:H2, :].set(W5)

    degp = _sc_degree(dst3)[:, :N].T
    hw1p, dinv = _tc_pre(x, W1, degp)

    acc1 = _sc_scatter(hw1p, src3, dst3, H1)[:, :N]
    hw2p = _tc_post(acc1, hw1p, dinv, b1.reshape(1, H1), W2, W3p)

    acc2 = _sc_scatter(hw2p, src3, dst3, 128)[:, :N]
    hw3p = _tc_post(acc2, hw2p, dinv, b3p.reshape(1, 128), W4p, W5p)

    acc3 = _sc_scatter(hw3p, src3, dst3, D_OUT)[:, :N]
    return _tc_final(acc3, hw3p, dinv, b5.reshape(1, D_OUT), W6)

# --- scband reference (transcript-rebuilt; emitter-appended) ---
"""Pipeline reference for scband-gcn-encoder-66898410602721 (READ-ONLY COPY).

The authoritative reference and input builder live on the scoring server;
editing this copy changes nothing except your own understanding.
"""

import jax, jax.numpy as jnp
import numpy as np

N = 10000
E = 320000
D_IN = 128
H1 = 128  # (128+128)//2
H2 = 64   # (128+128)//4
D_OUT = 128


def setup_inputs(seed: int = 0) -> dict:
    key = jax.random.key(seed)
    ks = jax.random.split(key, 12)
    x = jax.random.normal(ks[0], (N, D_IN), dtype=jnp.float32)
    edge_index = jax.random.randint(ks[1], (2, E), 0, N, dtype=jnp.int32)
    W1 = jax.random.normal(ks[2], (D_IN, H1), dtype=jnp.float32) * 0.05
    b1 = jnp.zeros((H1,), dtype=jnp.float32)
    W2 = jax.random.normal(ks[3], (H1, H1), dtype=jnp.float32) * 0.05
    W3 = jax.random.normal(ks[4], (H1, H2), dtype=jnp.float32) * 0.05
    b3 = jnp.zeros((H2,), dtype=jnp.float32)
    W4 = jax.random.normal(ks[5], (H2, H2), dtype=jnp.float32) * 0.05
    W5 = jax.random.normal(ks[6], (H2, D_OUT), dtype=jnp.float32) * 0.05
    b5 = jnp.zeros((D_OUT,), dtype=jnp.float32)
    W6 = jax.random.normal(ks[7], (D_OUT, D_OUT), dtype=jnp.float32) * 0.05
    return {"x": x, "edge_index": edge_index, "W1": W1, "b1": b1, "W2": W2,
            "W3": W3, "b3": b3, "W4": W4, "W5": W5, "b5": b5, "W6": W6}


def reference(x, edge_index, W1, b1, W2, W3, b3, W4, W5, b5, W6):
    # PyG GCNConv semantics: add self-loops, symmetric D^-1/2 (A+I) D^-1/2 normalization
    loop = jnp.arange(N, dtype=edge_index.dtype)
    src = jnp.concatenate([edge_index[0], loop])
    dst = jnp.concatenate([edge_index[1], loop])

    def gcn(h, W, b):
        hw = h @ W
        deg = jnp.zeros((N,), dtype=hw.dtype).at[dst].add(1.0)
        dinv = jnp.where(deg > 0, jax.lax.rsqrt(deg), 0.0)
        norm = dinv[src] * dinv[dst]
        msgs = hw[src] * norm[:, None]
        out = jnp.zeros((N, W.shape[1]), dtype=hw.dtype).at[dst].add(msgs)
        return out + b

    relu = jax.nn.relu
    z1 = relu(gcn(x, W1, b1))
    z1 = relu(z1 + z1 @ W2.T)
    z2 = relu(gcn(z1, W3, b3))
    z2 = relu(z2 + z2 @ W4.T)
    z3 = relu(gcn(z2, W5, b5))
    z3 = relu(z3 + z3 @ W6.T)
    return z3

if __name__ == "__main__":
    import jax
    _d = setup_inputs()
    print(jax.jit(kernel)(*tuple(_d.values())))

</pallas_src>

<mosaic_0001>
#map = affine_map<(d0, d1) -> (0, 0)>
#map1 = affine_map<(d0, d1) -> (0, 0, 0)>
module attributes {stable_mosaic.version = 14 : i64} {
  func.func @k(%arg0: i32, %arg1: i32, %arg2: memref<10000x128xf32, #tpu.memory_space<hbm>>, %arg3: memref<32x80x125xi32, #tpu.memory_space<hbm>>, %arg4: memref<32x80x125xi32, #tpu.memory_space<hbm>>, %arg5: memref<2x10240x128xf32, #tpu.memory_space<hbm>>, %arg6: memref<80x125xi32, #tpu.memory_space<vmem>>, %arg7: memref<80x125xi32, #tpu.memory_space<vmem>>, %arg8: memref<128x128xf32, #tpu.memory_space<vmem>>, %arg9: memref<10240x128xf32, #tpu.memory_space<vmem_shared>>, %arg10: memref<!tpu.dma_semaphore, #tpu.memory_space<semaphore_mem>>) attributes {dimension_semantics = [#tpu.dimension_semantics<core_parallel>, #tpu.dimension_semantics<subcore_parallel>], iteration_bounds = array<i64: 2, 16>, scalar_prefetch = 0 : i64, scratch_operands = 5 : i64, tpu.core_type = #tpu.core_type<sc_vector_subcore>, window_params = [{transform_indices = #map}, {transform_indices = #map1}, {transform_indices = #map1}, {transform_indices = #map1}]} {
    %mul3A = arith.constant 16 : i32
    %mul3A_0 = arith.muli %arg0, %mul3A : i32
    %add3A = arith.addi %mul3A_0, %arg1 : i32
    %scan3A = arith.constant 0 : i32
    %scan3A_1 = arith.constant 0 : i32
    %scan3A_2 = arith.constant 128 : i32
    %scan3A_3 = arith.addi %scan3A_1, %scan3A_2 : i32
    %scan3A_4 = arith.constant 1 : i32
    scf.for %scan3A_35 = %scan3A_1 to %scan3A_3 step %scan3A_4  : i32 {
      %broadcast_in_dim3A = arith.constant 0.000000e+00 : f32
      %broadcast_in_dim3A_36 = vector.broadcast %broadcast_in_dim3A : f32 to vector<16xf32>
      %swap3A = arith.index_cast %scan3A_35 : i32 to index
      %swap3A_37 = arith.constant 0 : index
      %swap3A_38 = tpu.vector_load %arg8[%swap3A, %swap3A_37] {strides = array<i32>} : memref<128x128xf32, #tpu.memory_space<vmem>>, vector<1x16xf32>,
      %swap3A_39 = vector.shape_cast %swap3A_38 : vector<1x16xf32> to vector<16xf32>
      %swap3A_40 = vector.shape_cast %broadcast_in_dim3A_36 : vector<16xf32> to vector<1x16xf32>
      tpu.vector_store %arg8[%swap3A, %swap3A_37], %swap3A_40 {strides = array<i32>} : memref<128x128xf32, #tpu.memory_space<vmem>>, vector<1x16xf32>,
      %broadcast_in_dim3A_41 = arith.constant 0.000000e+00 : f32
      %broadcast_in_dim3A_42 = vector.broadcast %broadcast_in_dim3A_41 : f32 to vector<16xf32>
      %swap3A_43 = arith.index_cast %scan3A_35 : i32 to index
      %swap3A_44 = arith.constant 16 : index
      %swap3A_45 = tpu.vector_load %arg8[%swap3A_43, %swap3A_44] {strides = array<i32>} : memref<128x128xf32, #tpu.memory_space<vmem>>, vector<1x16xf32>,
      %swap3A_46 = vector.shape_cast %swap3A_45 : vector<1x16xf32> to vector<16xf32>
      %swap3A_47 = vector.shape_cast %broadcast_in_dim3A_42 : vector<16xf32> to vector<1x16xf32>
      tpu.vector_store %arg8[%swap3A_43, %swap3A_44], %swap3A_47 {strides = array<i32>} : memref<128x128xf32, #tpu.memory_space<vmem>>, vector<1x16xf32>,
      %broadcast_in_dim3A_48 = arith.constant 0.000000e+00 : f32
      %broadcast_in_dim3A_49 = vector.broadcast %broadcast_in_dim3A_48 : f32 to vector<16xf32>
      %swap3A_50 = arith.index_cast %scan3A_35 : i32 to index
      %swap3A_51 = arith.constant 32 : index
      %swap3A_52 = tpu.vector_load %arg8[%swap3A_50, %swap3A_51] {strides = array<i32>} : memref<128x128xf32, #tpu.memory_space<vmem>>, vector<1x16xf32>,
      %swap3A_53 = vector.shape_cast %swap3A_52 : vector<1x16xf32> to vector<16xf32>
      %swap3A_54 = vector.shape_cast %broadcast_in_dim3A_49 : vector<16xf32> to vector<1x16xf32>
      tpu.vector_store %arg8[%swap3A_50, %swap3A_51], %swap3A_54 {strides = array<i32>} : memref<128x128xf32, #tpu.memory_space<vmem>>, vector<1x16xf32>,
      %broadcast_in_dim3A_55 = arith.constant 0.000000e+00 : f32
      %broadcast_in_dim3A_56 = vector.broadcast %broadcast_in_dim3A_55 : f32 to vector<16xf32>
      %swap3A_57 = arith.index_cast %scan3A_35 : i32 to index
      %swap3A_58 = arith.constant 48 : index
      %swap3A_59 = tpu.vector_load %arg8[%swap3A_57, %swap3A_58] {strides = array<i32>} : memref<128x128xf32, #tpu.memory_space<vmem>>, vector<1x16xf32>,
      %swap3A_60 = vector.shape_cast %swap3A_59 : vector<1x16xf32> to vector<16xf32>
      %swap3A_61 = vector.shape_cast %broadcast_in_dim3A_56 : vector<16xf32> to vector<1x16xf32>
      tpu.vector_store %arg8[%swap3A_57, %swap3A_58], %swap3A_61 {strides = array<i32>} : memref<128x128xf32, #tpu.memory_space<vmem>>, vector<1x16xf32>,
      %broadcast_in_dim3A_62 = arith.constant 0.000000e+00 : f32
      %broadcast_in_dim3A_63 = vector.broadcast %broadcast_in_dim3A_62 : f32 to vector<16xf32>
      %swap3A_64 = arith.index_cast %scan3A_35 : i32 to index
      %swap3A_65 = arith.constant 64 : index
      %swap3A_66 = tpu.vector_load %arg8[%swap3A_64, %swap3A_65] {strides = array<i32>} : memref<128x128xf32, #tpu.memory_space<vmem>>, vector<1x16xf32>,
      %swap3A_67 = vector.shape_cast %swap3A_66 : vector<1x16xf32> to vector<16xf32>
      %swap3A_68 = vector.shape_cast %broadcast_in_dim3A_63 : vector<16xf32> to vector<1x16xf32>
      tpu.vector_store %arg8[%swap3A_64, %swap3A_65], %swap3A_68 {strides = array<i32>} : memref<128x128xf32, #tpu.memory_space<vmem>>, vector<1x16xf32>,
      %broadcast_in_dim3A_69 = arith.constant 0.000000e+00 : f32
      %broadcast_in_dim3A_70 = vector.broadcast %broadcast_in_dim3A_69 : f32 to vector<16xf32>
      %swap3A_71 = arith.index_cast %scan3A_35 : i32 to index
      %swap3A_72 = arith.constant 80 : index
      %swap3A_73 = tpu.vector_load %arg8[%swap3A_71, %swap3A_72] {strides = array<i32>} : memref<128x128xf32, #tpu.memory_space<vmem>>, vector<1x16xf32>,
      %swap3A_74 = vector.shape_cast %swap3A_73 : vector<1x16xf32> to vector<16xf32>
      %swap3A_75 = vector.shape_cast %broadcast_in_dim3A_70 : vector<16xf32> to vector<1x16xf32>
      tpu.vector_store %arg8[%swap3A_71, %swap3A_72], %swap3A_75 {strides = array<i32>} : memref<128x128xf32, #tpu.memory_space<vmem>>, vector<1x16xf32>,
      %broadcast_in_dim3A_76 = arith.constant 0.000000e+00 : f32
      %broadcast_in_dim3A_77 = vector.broadcast %broadcast_in_dim3A_76 : f32 to vector<16xf32>
      %swap3A_78 = arith.index_cast %scan3A_35 : i32 to index
      %swap3A_79 = arith.constant 96 : index
      %swap3A_80 = tpu.vector_load %arg8[%swap3A_78, %swap3A_79] {strides = array<i32>} : memref<128x128xf32, #tpu.memory_space<vmem>>, vector<1x16xf32>,
      %swap3A_81 = vector.shape_cast %swap3A_80 : vector<1x16xf32> to vector<16xf32>
      %swap3A_82 = vector.shape_cast %broadcast_in_dim3A_77 : vector<16xf32> to vector<1x16xf32>
      tpu.vector_store %arg8[%swap3A_78, %swap3A_79], %swap3A_82 {strides = array<i32>} : memref<128x128xf32, #tpu.memory_space<vmem>>, vector<1x16xf32>,
      %broadcast_in_dim3A_83 = arith.constant 0.000000e+00 : f32
      %broadcast_in_dim3A_84 = vector.broadcast %broadcast_in_dim3A_83 : f32 to vector<16xf32>
      %swap3A_85 = arith.index_cast %scan3A_35 : i32 to index
      %swap3A_86 = arith.constant 112 : index
      %swap3A_87 = tpu.vector_load %arg8[%swap3A_85, %swap3A_86] {strides = array<i32>} : memref<128x128xf32, #tpu.memory_space<vmem>>, vector<1x16xf32>,
      %swap3A_88 = vector.shape_cast %swap3A_87 : vector<1x16xf32> to vector<16xf32>
      %swap3A_89 = vector.shape_cast %broadcast_in_dim3A_84 : vector<16xf32> to vector<1x16xf32>
      tpu.vector_store %arg8[%swap3A_85, %swap3A_86], %swap3A_89 {strides = array<i32>} : memref<128x128xf32, #tpu.memory_space<vmem>>, vector<1x16xf32>,
    }
    %scan3A_5 = arith.constant 128 : i32
    %mul3A_6 = arith.constant 640 : i32
    %mul3A_7 = arith.muli %arg1, %mul3A_6 : i32
    %add3A_8 = arith.constant 0 : i32
    %add3A_9 = arith.addi %mul3A_7, %add3A_8 : i32
    "tpu.region"() ({
      %run_scoped3A = tpu.sem_alloc : memref<!tpu.dma_semaphore, #tpu.memory_space<semaphore_mem>>
      %dma_start3A = arith.constant 0 : i32
      %dma_start3A_35 = tpu.memref_slice %arg9[%add3A_9, %dma_start3A] : memref<10240x128xf32, #tpu.memory_space<vmem_shared>> -> memref<128x128xf32, #tpu.memory_space<vmem_shared>>
      %dma_start3A_36 = arith.constant 0 : i32
      %dma_start3A_37 = tpu.memref_slice %arg9[%add3A_9, %dma_start3A_36] : memref<10240x128xf32, #tpu.memory_space<vmem_shared>> -> memref<128x128xf32, #tpu.memory_space<vmem_shared>>
      tpu.enqueue_dma source(%arg8 : memref<128x128xf32, #tpu.memory_space<vmem>>) target(%dma_start3A_37 : memref<128x128xf32, #tpu.memory_space<vmem_shared>>) target_semaphore(%run_scoped3A : memref<!tpu.dma_semaphore, #tpu.memory_space<semaphore_mem>>)
      %dma_wait3A = arith.constant 0 : i32
      %dma_wait3A_38 = tpu.memref_slice %arg9[%add3A_9, %dma_wait3A] : memref<10240x128xf32, #tpu.memory_space<vmem_shared>> -> memref<128x128xf32, #tpu.memory_space<vmem_shared>>
      %dma_wait3A_39 = arith.constant 0 : i32
      %dma_wait3A_40 = tpu.memref_slice %arg9[%add3A_9, %dma_wait3A_39] : memref<10240x128xf32, #tpu.memory_space<vmem_shared>> -> memref<128x128xf32, #tpu.memory_space<vmem_shared>>
      tpu.wait_dma2 semaphore(%run_scoped3A : memref<!tpu.dma_semaphore, #tpu.memory_space<semaphore_mem>>) src(%arg8 : memref<128x128xf32, #tpu.memory_space<vmem>>) dst(%dma_wait3A_40 : memref<128x128xf32, #tpu.memory_space<vmem_shared>>)
      tpu.yield
    }) : () -> ()
    %add3A_10 = arith.constant 128 : i32
    %add3A_11 = arith.addi %mul3A_7, %add3A_10 : i32
    "tpu.region"() ({
      %run_scoped3A = tpu.sem_alloc : memref<!tpu.dma_semaphore, #tpu.memory_space<semaphore_mem>>
      %dma_start3A = arith.constant 0 : i32
      %dma_start3A_35 = tpu.memref_slice %arg9[%add3A_11, %dma_start3A] : memref<10240x128xf32, #tpu.memory_space<vmem_shared>> -> memref<128x128xf32, #tpu.memory_space<vmem_shared>>
      %dma_start3A_36 = arith.constant 0 : i32
      %dma_start3A_37 = tpu.memref_slice %arg9[%add3A_11, %dma_start3A_36] : memref<10240x128xf32, #tpu.memory_space<vmem_shared>> -> memref<128x128xf32, #tpu.memory_space<vmem_shared>>
      tpu.enqueue_dma source(%arg8 : memref<128x128xf32, #tpu.memory_space<vmem>>) target(%dma_start3A_37 : memref<128x128xf32, #tpu.memory_space<vmem_shared>>) target_semaphore(%run_scoped3A : memref<!tpu.dma_semaphore, #tpu.memory_space<semaphore_mem>>)
      %dma_wait3A = arith.constant 0 : i32
      %dma_wait3A_38 = tpu.memref_slice %arg9[%add3A_11, %dma_wait3A] : memref<10240x128xf32, #tpu.memory_space<vmem_shared>> -> memref<128x128xf32, #tpu.memory_space<vmem_shared>>
      %dma_wait3A_39 = arith.constant 0 : i32
      %dma_wait3A_40 = tpu.memref_slice %arg9[%add3A_11, %dma_wait3A_39] : memref<10240x128xf32, #tpu.memory_space<vmem_shared>> -> memref<128x128xf32, #tpu.memory_space<vmem_shared>>
      tpu.wait_dma2 semaphore(%run_scoped3A : memref<!tpu.dma_semaphore, #tpu.memory_space<semaphore_mem>>) src(%arg8 : memref<128x128xf32, #tpu.memory_space<vmem>>) dst(%dma_wait3A_40 : memref<128x128xf32, #tpu.memory_space<vmem_shared>>)
      tpu.yield
    }) : () -> ()
    %add3A_12 = arith.constant 256 : i32
    %add3A_13 = arith.addi %mul3A_7, %add3A_12 : i32
    "tpu.region"() ({
      %run_scoped3A = tpu.sem_alloc : memref<!tpu.dma_semaphore, #tpu.memory_space<semaphore_mem>>
      %dma_start3A = arith.constant 0 : i32
      %dma_start3A_35 = tpu.memref_slice %arg9[%add3A_13, %dma_start3A] : memref<10240x128xf32, #tpu.memory_space<vmem_shared>> -> memref<128x128xf32, #tpu.memory_space<vmem_shared>>
      %dma_start3A_36 = arith.constant 0 : i32
      %dma_start3A_37 = tpu.memref_slice %arg9[%add3A_13, %dma_start3A_36] : memref<10240x128xf32, #tpu.memory_space<vmem_shared>> -> memref<128x128xf32, #tpu.memory_space<vmem_shared>>
      tpu.enqueue_dma source(%arg8 : memref<128x128xf32, #tpu.memory_space<vmem>>) target(%dma_start3A_37 : memref<128x128xf32, #tpu.memory_space<vmem_shared>>) target_semaphore(%run_scoped3A : memref<!tpu.dma_semaphore, #tpu.memory_space<semaphore_mem>>)
      %dma_wait3A = arith.constant 0 : i32
      %dma_wait3A_38 = tpu.memref_slice %arg9[%add3A_13, %dma_wait3A] : memref<10240x128xf32, #tpu.memory_space<vmem_shared>> -> memref<128x128xf32, #tpu.memory_space<vmem_shared>>
      %dma_wait3A_39 = arith.constant 0 : i32
      %dma_wait3A_40 = tpu.memref_slice %arg9[%add3A_13, %dma_wait3A_39] : memref<10240x128xf32, #tpu.memory_space<vmem_shared>> -> memref<128x128xf32, #tpu.memory_space<vmem_shared>>
      tpu.wait_dma2 semaphore(%run_scoped3A : memref<!tpu.dma_semaphore, #tpu.memory_space<semaphore_mem>>) src(%arg8 : memref<128x128xf32, #tpu.memory_space<vmem>>) dst(%dma_wait3A_40 : memref<128x128xf32, #tpu.memory_space<vmem_shared>>)
      tpu.yield
    }) : () -> ()
    %add3A_14 = arith.constant 384 : i32
    %add3A_15 = arith.addi %mul3A_7, %add3A_14 : i32
    "tpu.region"() ({
      %run_scoped3A = tpu.sem_alloc : memref<!tpu.dma_semaphore, #tpu.memory_space<semaphore_mem>>
      %dma_start3A = arith.constant 0 : i32
      %dma_start3A_35 = tpu.memref_slice %arg9[%add3A_15, %dma_start3A] : memref<10240x128xf32, #tpu.memory_space<vmem_shared>> -> memref<128x128xf32, #tpu.memory_space<vmem_shared>>
      %dma_start3A_36 = arith.constant 0 : i32
      %dma_start3A_37 = tpu.memref_slice %arg9[%add3A_15, %dma_start3A_36] : memref<10240x128xf32, #tpu.memory_space<vmem_shared>> -> memref<128x128xf32, #tpu.memory_space<vmem_shared>>
      tpu.enqueue_dma source(%arg8 : memref<128x128xf32, #tpu.memory_space<vmem>>) target(%dma_start3A_37 : memref<128x128xf32, #tpu.memory_space<vmem_shared>>) target_semaphore(%run_scoped3A : memref<!tpu.dma_semaphore, #tpu.memory_space<semaphore_mem>>)
      %dma_wait3A = arith.constant 0 : i32
      %dma_wait3A_38 = tpu.memref_slice %arg9[%add3A_15, %dma_wait3A] : memref<10240x128xf32, #tpu.memory_space<vmem_shared>> -> memref<128x128xf32, #tpu.memory_space<vmem_shared>>
      %dma_wait3A_39 = arith.constant 0 : i32
      %dma_wait3A_40 = tpu.memref_slice %arg9[%add3A_15, %dma_wait3A_39] : memref<10240x128xf32, #tpu.memory_space<vmem_shared>> -> memref<128x128xf32, #tpu.memory_space<vmem_shared>>
      tpu.wait_dma2 semaphore(%run_scoped3A : memref<!tpu.dma_semaphore, #tpu.memory_space<semaphore_mem>>) src(%arg8 : memref<128x128xf32, #tpu.memory_space<vmem>>) dst(%dma_wait3A_40 : memref<128x128xf32, #tpu.memory_space<vmem_shared>>)
      tpu.yield
    }) : () -> ()
    %add3A_16 = arith.constant 512 : i32
    %add3A_17 = arith.addi %mul3A_7, %add3A_16 : i32
    "tpu.region"() ({
      %run_scoped3A = tpu.sem_alloc : memref<!tpu.dma_semaphore, #tpu.memory_space<semaphore_mem>>
      %dma_start3A = arith.constant 0 : i32
      %dma_start3A_35 = tpu.memref_slice %arg9[%add3A_17, %dma_start3A] : memref<10240x128xf32, #tpu.memory_space<vmem_shared>> -> memref<128x128xf32, #tpu.memory_space<vmem_shared>>
      %dma_start3A_36 = arith.constant 0 : i32
      %dma_start3A_37 = tpu.memref_slice %arg9[%add3A_17, %dma_start3A_36] : memref<10240x128xf32, #tpu.memory_space<vmem_shared>> -> memref<128x128xf32, #tpu.memory_space<vmem_shared>>
      tpu.enqueue_dma source(%arg8 : memref<128x128xf32, #tpu.memory_space<vmem>>) target(%dma_start3A_37 : memref<128x128xf32, #tpu.memory_space<vmem_shared>>) target_semaphore(%run_scoped3A : memref<!tpu.dma_semaphore, #tpu.memory_space<semaphore_mem>>)
      %dma_wait3A = arith.constant 0 : i32
      %dma_wait3A_38 = tpu.memref_slice %arg9[%add3A_17, %dma_wait3A] : memref<10240x128xf32, #tpu.memory_space<vmem_shared>> -> memref<128x128xf32, #tpu.memory_space<vmem_shared>>
      %dma_wait3A_39 = arith.constant 0 : i32
      %dma_wait3A_40 = tpu.memref_slice %arg9[%add3A_17, %dma_wait3A_39] : memref<10240x128xf32, #tpu.memory_space<vmem_shared>> -> memref<128x128xf32, #tpu.memory_space<vmem_shared>>
      tpu.wait_dma2 semaphore(%run_scoped3A : memref<!tpu.dma_semaphore, #tpu.memory_space<semaphore_mem>>) src(%arg8 : memref<128x128xf32, #tpu.memory_space<vmem>>) dst(%dma_wait3A_40 : memref<128x128xf32, #tpu.memory_space<vmem_shared>>)
      tpu.yield
    }) : () -> ()
    %barrier3A = arith.constant 0 : index
    tpu.barrier barrier_id(%barrier3A)
    "tpu.region"() ({
      %run_scoped3A = tpu.sem_alloc : memref<!tpu.dma_semaphore, #tpu.memory_space<semaphore_mem>>
      %dma_start3A = arith.constant 0 : i32
      %dma_start3A_35 = arith.constant 0 : i32
      %dma_start3A_36 = tpu.memref_slice %arg3[%add3A, %dma_start3A, %dma_start3A_35] : memref<32x80x125xi32, #tpu.memory_space<hbm>> -> memref<1x80x125xi32, #tpu.memory_space<hbm>>
      %dma_start3A_37 = tpu.memref_squeeze %dma_start3A_36 : memref<1x80x125xi32, #tpu.memory_space<hbm>> -> memref<80x125xi32, #tpu.memory_space<hbm>>
      %dma_start3A_38 = arith.constant 0 : i32
      %dma_start3A_39 = arith.constant 0 : i32
      %dma_start3A_40 = tpu.memref_slice %arg3[%add3A, %dma_start3A_38, %dma_start3A_39] : memref<32x80x125xi32, #tpu.memory_space<hbm>> -> memref<1x80x125xi32, #tpu.memory_space<hbm>>
      %dma_start3A_41 = tpu.memref_squeeze %dma_start3A_40 : memref<1x80x125xi32, #tpu.memory_space<hbm>> -> memref<80x125xi32, #tpu.memory_space<hbm>>
      tpu.enqueue_dma source(%dma_start3A_41 : memref<80x125xi32, #tpu.memory_space<hbm>>) target(%arg6 : memref<80x125xi32, #tpu.memory_space<vmem>>) target_semaphore(%run_scoped3A : memref<!tpu.dma_semaphore, #tpu.memory_space<semaphore_mem>>)
      %dma_wait3A = arith.constant 0 : i32
      %dma_wait3A_42 = arith.constant 0 : i32
      %dma_wait3A_43 = tpu.memref_slice %arg3[%add3A, %dma_wait3A, %dma_wait3A_42] : memref<32x80x125xi32, #tpu.memory_space<hbm>> -> memref<1x80x125xi32, #tpu.memory_space<hbm>>
      %dma_wait3A_44 = tpu.memref_squeeze %dma_wait3A_43 : memref<1x80x125xi32, #tpu.memory_space<hbm>> -> memref<80x125xi32, #tpu.memory_space<hbm>>
      %dma_wait3A_45 = arith.constant 0 : i32
      %dma_wait3A_46 = arith.constant 0 : i32
      %dma_wait3A_47 = tpu.memref_slice %arg3[%add3A, %dma_wait3A_45, %dma_wait3A_46] : memref<32x80x125xi32, #tpu.memory_space<hbm>> -> memref<1x80x125xi32, #tpu.memory_space<hbm>>
      %dma_wait3A_48 = tpu.memref_squeeze %dma_wait3A_47 : memref<1x80x125xi32, #tpu.memory_space<hbm>> -> memref<80x125xi32, #tpu.memory_space<hbm>>
      tpu.wait_dma2 semaphore(%run_scoped3A : memref<!tpu.dma_semaphore, #tpu.memory_space<semaphore_mem>>) src(%dma_wait3A_48 : memref<80x125xi32, #tpu.memory_space<hbm>>) dst(%arg6 : memref<80x125xi32, #tpu.memory_space<vmem>>)
      tpu.yield
    }) : () -> ()
    "tpu.region"() ({
      %run_scoped3A = tpu.sem_alloc : memref<!tpu.dma_semaphore, #tpu.memory_space<semaphore_mem>>
      %dma_start3A = arith.constant 0 : i32
      %dma_start3A_35 = arith.constant 0 : i32
      %dma_start3A_36 = tpu.memref_slice %arg4[%add3A, %dma_start3A, %dma_start3A_35] : memref<32x80x125xi32, #tpu.memory_space<hbm>> -> memref<1x80x125xi32, #tpu.memory_space<hbm>>
      %dma_start3A_37 = tpu.memref_squeeze %dma_start3A_36 : memref<1x80x125xi32, #tpu.memory_space<hbm>> -> memref<80x125xi32, #tpu.memory_space<hbm>>
      %dma_start3A_38 = arith.constant 0 : i32
      %dma_start3A_39 = arith.constant 0 : i32
      %dma_start3A_40 = tpu.memref_slice %arg4[%add3A, %dma_start3A_38, %dma_start3A_39] : memref<32x80x125xi32, #tpu.memory_space<hbm>> -> memref<1x80x125xi32, #tpu.memory_space<hbm>>
      %dma_start3A_41 = tpu.memref_squeeze %dma_start3A_40 : memref<1x80x125xi32, #tpu.memory_space<hbm>> -> memref<80x125xi32, #tpu.memory_space<hbm>>
      tpu.enqueue_dma source(%dma_start3A_41 : memref<80x125xi32, #tpu.memory_space<hbm>>) target(%arg7 : memref<80x125xi32, #tpu.memory_space<vmem>>) target_semaphore(%run_scoped3A : memref<!tpu.dma_semaphore, #tpu.memory_space<semaphore_mem>>)
      %dma_wait3A = arith.constant 0 : i32
      %dma_wait3A_42 = arith.constant 0 : i32
      %dma_wait3A_43 = tpu.memref_slice %arg4[%add3A, %dma_wait3A, %dma_wait3A_42] : memref<32x80x125xi32, #tpu.memory_space<hbm>> -> memref<1x80x125xi32, #tpu.memory_space<hbm>>
      %dma_wait3A_44 = tpu.memref_squeeze %dma_wait3A_43 : memref<1x80x125xi32, #tpu.memory_space<hbm>> -> memref<80x125xi32, #tpu.memory_space<hbm>>
      %dma_wait3A_45 = arith.constant 0 : i32
      %dma_wait3A_46 = arith.constant 0 : i32
      %dma_wait3A_47 = tpu.memref_slice %arg4[%add3A, %dma_wait3A_45, %dma_wait3A_46] : memref<32x80x125xi32, #tpu.memory_space<hbm>> -> memref<1x80x125xi32, #tpu.memory_space<hbm>>
      %dma_wait3A_48 = tpu.memref_squeeze %dma_wait3A_47 : memref<1x80x125xi32, #tpu.memory_space<hbm>> -> memref<80x125xi32, #tpu.memory_space<hbm>>
      tpu.wait_dma2 semaphore(%run_scoped3A : memref<!tpu.dma_semaphore, #tpu.memory_space<semaphore_mem>>) src(%dma_wait3A_48 : memref<80x125xi32, #tpu.memory_space<hbm>>) dst(%arg7 : memref<80x125xi32, #tpu.memory_space<vmem>>)
      tpu.yield
    }) : () -> ()
    %scan3A_18 = arith.constant 0 : i32
    %scan3A_19 = arith.constant 0 : i32
    %scan3A_20 = arith.constant 80 : i32
    %scan3A_21 = arith.addi %scan3A_19, %scan3A_20 : i32
    %scan3A_22 = arith.constant 1 : i32
    scf.for %scan3A_35 = %scan3A_19 to %scan3A_21 step %scan3A_22  : i32 {
      %dma_start3A = arith.constant 0 : i32
      %dma_start3A_36 = arith.constant 0 : i32
      %dma_start3A_37 = tpu.memref_slice %arg8[%dma_start3A, %dma_start3A_36] : memref<128x128xf32, #tpu.memory_space<vmem>> -> memref<125x128xf32, #tpu.memory_space<vmem>>
      %dma_start3A_38 = arith.constant 0 : i32
      %dma_start3A_39 = tpu.memref_slice %arg6[%scan3A_35, %dma_start3A_38] : memref<80x125xi32, #tpu.memory_space<vmem>> -> memref<1x125xi32, #tpu.memory_space<vmem>>
      %dma_start3A_40 = tpu.memref_squeeze %dma_start3A_39 : memref<1x125xi32, #tpu.memory_space<vmem>> -> memref<125xi32, #tpu.memory_space<vmem>>
      %dma_start3A_41 = arith.constant 0 : i32
      %dma_start3A_42 = arith.constant 0 : i32
      %dma_start3A_43 = tpu.memref_slice %arg2[%dma_start3A_41, %dma_start3A_42] : memref<10000x128xf32, #tpu.memory_space<hbm>> -> memref<10000x128xf32, #tpu.memory_space<hbm>>
      tpu.enqueue_indirect_dma source(%dma_start3A_43 : memref<10000x128xf32, #tpu.memory_space<hbm>>) target(%dma_start3A_37 : memref<125x128xf32, #tpu.memory_space<vmem>>) offsets(%dma_start3A_40 : memref<125xi32, #tpu.memory_space<vmem>>) semaphore(%arg10 : memref<!tpu.dma_semaphore, #tpu.memory_space<semaphore_mem>>)
      %dma_wait3A = arith.constant 0 : i32
      %dma_wait3A_44 = arith.constant 0 : i32
      %dma_wait3A_45 = tpu.memref_slice %arg8[%dma_wait3A, %dma_wait3A_44] : memref<128x128xf32, #tpu.memory_space<vmem>> -> memref<125x128xf32, #tpu.memory_space<vmem>>
      %dma_wait3A_46 = arith.constant 0 : i32
      %dma_wait3A_47 = tpu.memref_slice %arg6[%scan3A_35, %dma_wait3A_46] : memref<80x125xi32, #tpu.memory_space<vmem>> -> memref<1x125xi32, #tpu.memory_space<vmem>>
      %dma_wait3A_48 = tpu.memref_squeeze %dma_wait3A_47 : memref<1x125xi32, #tpu.memory_space<vmem>> -> memref<125xi32, #tpu.memory_space<vmem>>
      %dma_wait3A_49 = arith.constant 0 : i32
      %dma_wait3A_50 = arith.constant 0 : i32
      %dma_wait3A_51 = tpu.memref_slice %arg2[%dma_wait3A_49, %dma_wait3A_50] : memref<10000x128xf32, #tpu.memory_space<hbm>> -> memref<10000x128xf32, #tpu.memory_space<hbm>>
      tpu.wait_indirect_dma semaphore(%arg10 : memref<!tpu.dma_semaphore, #tpu.memory_space<semaphore_mem>>) src(%dma_wait3A_51 : memref<10000x128xf32, #tpu.memory_space<hbm>>) dst(%dma_wait3A_45 : memref<125x128xf32, #tpu.memory_space<vmem>>)
      "tpu.region"() ({
        %run_scoped3A = tpu.sem_alloc : memref<!tpu.dma_semaphore, #tpu.memory_space<semaphore_mem>>
        %dma_start3A_52 = arith.constant 0 : i32
        %dma_start3A_53 = arith.constant 0 : i32
        %dma_start3A_54 = tpu.memref_slice %arg8[%dma_start3A_52, %dma_start3A_53] : memref<128x128xf32, #tpu.memory_space<vmem>> -> memref<125x128xf32, #tpu.memory_space<vmem>>
        %dma_start3A_55 = arith.constant 0 : i32
        %dma_start3A_56 = tpu.memref_slice %arg7[%scan3A_35, %dma_start3A_55] : memref<80x125xi32, #tpu.memory_space<vmem>> -> memref<1x125xi32, #tpu.memory_space<vmem>>
        %dma_start3A_57 = tpu.memref_squeeze %dma_start3A_56 : memref<1x125xi32, #tpu.memory_space<vmem>> -> memref<125xi32, #tpu.memory_space<vmem>>
        %dma_start3A_58 = arith.constant 0 : i32
        %dma_start3A_59 = arith.constant 0 : i32
        %dma_start3A_60 = tpu.memref_slice %arg9[%dma_start3A_58, %dma_start3A_59] : memref<10240x128xf32, #tpu.memory_space<vmem_shared>> -> memref<10240x128xf32, #tpu.memory_space<vmem_shared>>
        tpu.enqueue_indirect_dma source(%dma_start3A_54 : memref<125x128xf32, #tpu.memory_space<vmem>>) target(%dma_start3A_60 : memref<10240x128xf32, #tpu.memory_space<vmem_shared>>) offsets(%dma_start3A_57 : memref<125xi32, #tpu.memory_space<vmem>>) semaphore(%run_scoped3A : memref<!tpu.dma_semaphore, #tpu.memory_space<semaphore_mem>>) {add = true}
        %dma_wait3A_61 = arith.constant 0 : i32
        %dma_wait3A_62 = arith.constant 0 : i32
        %dma_wait3A_63 = tpu.memref_slice %arg8[%dma_wait3A_61, %dma_wait3A_62] : memref<128x128xf32, #tpu.memory_space<vmem>> -> memref<125x128xf32, #tpu.memory_space<vmem>>
        %dma_wait3A_64 = arith.constant 0 : i32
        %dma_wait3A_65 = tpu.memref_slice %arg7[%scan3A_35, %dma_wait3A_64] : memref<80x125xi32, #tpu.memory_space<vmem>> -> memref<1x125xi32, #tpu.memory_space<vmem>>
        %dma_wait3A_66 = tpu.memref_squeeze %dma_wait3A_65 : memref<1x125xi32, #tpu.memory_space<vmem>> -> memref<125xi32, #tpu.memory_space<vmem>>
        %dma_wait3A_67 = arith.constant 0 : i32
        %dma_wait3A_68 = arith.constant 0 : i32
        %dma_wait3A_69 = tpu.memref_slice %arg9[%dma_wait3A_67, %dma_wait3A_68] : memref<10240x128xf32, #tpu.memory_space<vmem_shared>> -> memref<10240x128xf32, #tpu.memory_space<vmem_shared>>
        tpu.wait_indirect_dma semaphore(%run_scoped3A : memref<!tpu.dma_semaphore, #tpu.memory_space<semaphore_mem>>) src(%dma_wait3A_63 : memref<125x128xf32, #tpu.memory_space<vmem>>) dst(%dma_wait3A_69 : memref<10240x128xf32, #tpu.memory_space<vmem_shared>>)
        tpu.yield
      }) : () -> ()
    }
    %scan3A_23 = arith.constant 80 : i32
    %barrier3A_24 = arith.constant 0 : index
    tpu.barrier barrier_id(%barrier3A_24)
    %add3A_25 = arith.constant 0 : i32
    %add3A_26 = arith.addi %mul3A_7, %add3A_25 : i32
    "tpu.region"() ({
      %run_scoped3A = tpu.sem_alloc : memref<!tpu.dma_semaphore, #tpu.memory_space<semaphore_mem>>
      %dma_start3A = arith.constant 0 : i32
      %dma_start3A_35 = tpu.memref_slice %arg5[%arg0, %add3A_26, %dma_start3A] : memref<2x10240x128xf32, #tpu.memory_space<hbm>> -> memref<1x128x128xf32, #tpu.memory_space<hbm>>
      %dma_start3A_36 = tpu.memref_squeeze %dma_start3A_35 : memref<1x128x128xf32, #tpu.memory_space<hbm>> -> memref<128x128xf32, #tpu.memory_space<hbm>>
      %dma_start3A_37 = arith.constant 0 : i32
      %dma_start3A_38 = tpu.memref_slice %arg9[%add3A_26, %dma_start3A_37] : memref<10240x128xf32, #tpu.memory_space<vmem_shared>> -> memref<128x128xf32, #tpu.memory_space<vmem_shared>>
      tpu.enqueue_dma source(%dma_start3A_38 : memref<128x128xf32, #tpu.memory_space<vmem_shared>>) target(%dma_start3A_36 : memref<128x128xf32, #tpu.memory_space<hbm>>) target_semaphore(%run_scoped3A : memref<!tpu.dma_semaphore, #tpu.memory_space<semaphore_mem>>)
      %dma_wait3A = arith.constant 0 : i32
      %dma_wait3A_39 = tpu.memref_slice %arg5[%arg0, %add3A_26, %dma_wait3A] : memref<2x10240x128xf32, #tpu.memory_space<hbm>> -> memref<1x128x128xf32, #tpu.memory_space<hbm>>
      %dma_wait3A_40 = tpu.memref_squeeze %dma_wait3A_39 : memref<1x128x128xf32, #tpu.memory_space<hbm>> -> memref<128x128xf32, #tpu.memory_space<hbm>>
      %dma_wait3A_41 = arith.constant 0 : i32
      %dma_wait3A_42 = tpu.memref_slice %arg9[%add3A_26, %dma_wait3A_41] : memref<10240x128xf32, #tpu.memory_space<vmem_shared>> -> memref<128x128xf32, #tpu.memory_space<vmem_shared>>
      tpu.wait_dma2 semaphore(%run_scoped3A : memref<!tpu.dma_semaphore, #tpu.memory_space<semaphore_mem>>) src(%dma_wait3A_42 : memref<128x128xf32, #tpu.memory_space<vmem_shared>>) dst(%dma_wait3A_40 : memref<128x128xf32, #tpu.memory_space<hbm>>)
      tpu.yield
    }) : () -> ()
    %add3A_27 = arith.constant 128 : i32
    %add3A_28 = arith.addi %mul3A_7, %add3A_27 : i32
    "tpu.region"() ({
      %run_scoped3A = tpu.sem_alloc : memref<!tpu.dma_semaphore, #tpu.memory_space<semaphore_mem>>
      %dma_start3A = arith.constant 0 : i32
      %dma_start3A_35 = tpu.memref_slice %arg5[%arg0, %add3A_28, %dma_start3A] : memref<2x10240x128xf32, #tpu.memory_space<hbm>> -> memref<1x128x128xf32, #tpu.memory_space<hbm>>
      %dma_start3A_36 = tpu.memref_squeeze %dma_start3A_35 : memref<1x128x128xf32, #tpu.memory_space<hbm>> -> memref<128x128xf32, #tpu.memory_space<hbm>>
      %dma_start3A_37 = arith.constant 0 : i32
      %dma_start3A_38 = tpu.memref_slice %arg9[%add3A_28, %dma_start3A_37] : memref<10240x128xf32, #tpu.memory_space<vmem_shared>> -> memref<128x128xf32, #tpu.memory_space<vmem_shared>>
      tpu.enqueue_dma source(%dma_start3A_38 : memref<128x128xf32, #tpu.memory_space<vmem_shared>>) target(%dma_start3A_36 : memref<128x128xf32, #tpu.memory_space<hbm>>) target_semaphore(%run_scoped3A : memref<!tpu.dma_semaphore, #tpu.memory_space<semaphore_mem>>)
      %dma_wait3A = arith.constant 0 : i32
      %dma_wait3A_39 = tpu.memref_slice %arg5[%arg0, %add3A_28, %dma_wait3A] : memref<2x10240x128xf32, #tpu.memory_space<hbm>> -> memref<1x128x128xf32, #tpu.memory_space<hbm>>
      %dma_wait3A_40 = tpu.memref_squeeze %dma_wait3A_39 : memref<1x128x128xf32, #tpu.memory_space<hbm>> -> memref<128x128xf32, #tpu.memory_space<hbm>>
      %dma_wait3A_41 = arith.constant 0 : i32
      %dma_wait3A_42 = tpu.memref_slice %arg9[%add3A_28, %dma_wait3A_41] : memref<10240x128xf32, #tpu.memory_space<vmem_shared>> -> memref<128x128xf32, #tpu.memory_space<vmem_shared>>
      tpu.wait_dma2 semaphore(%run_scoped3A : memref<!tpu.dma_semaphore, #tpu.memory_space<semaphore_mem>>) src(%dma_wait3A_42 : memref<128x128xf32, #tpu.memory_space<vmem_shared>>) dst(%dma_wait3A_40 : memref<128x128xf32, #tpu.memory_space<hbm>>)
      tpu.yield
    }) : () -> ()
    %add3A_29 = arith.constant 256 : i32
    %add3A_30 = arith.addi %mul3A_7, %add3A_29 : i32
    "tpu.region"() ({
      %run_scoped3A = tpu.sem_alloc : memref<!tpu.dma_semaphore, #tpu.memory_space<semaphore_mem>>
      %dma_start3A = arith.constant 0 : i32
      %dma_start3A_35 = tpu.memref_slice %arg5[%arg0, %add3A_30, %dma_start3A] : memref<2x10240x128xf32, #tpu.memory_space<hbm>> -> memref<1x128x128xf32, #tpu.memory_space<hbm>>
      %dma_start3A_36 = tpu.memref_squeeze %dma_start3A_35 : memref<1x128x128xf32, #tpu.memory_space<hbm>> -> memref<128x128xf32, #tpu.memory_space<hbm>>
      %dma_start3A_37 = arith.constant 0 : i32
      %dma_start3A_38 = tpu.memref_slice %arg9[%add3A_30, %dma_start3A_37] : memref<10240x128xf32, #tpu.memory_space<vmem_shared>> -> memref<128x128xf32, #tpu.memory_space<vmem_shared>>
      tpu.enqueue_dma source(%dma_start3A_38 : memref<128x128xf32, #tpu.memory_space<vmem_shared>>) target(%dma_start3A_36 : memref<128x128xf32, #tpu.memory_space<hbm>>) target_semaphore(%run_scoped3A : memref<!tpu.dma_semaphore, #tpu.memory_space<semaphore_mem>>)
      %dma_wait3A = arith.constant 0 : i32
      %dma_wait3A_39 = tpu.memref_slice %arg5[%arg0, %add3A_30, %dma_wait3A] : memref<2x10240x128xf32, #tpu.memory_space<hbm>> -> memref<1x128x128xf32, #tpu.memory_space<hbm>>
      %dma_wait3A_40 = tpu.memref_squeeze %dma_wait3A_39 : memref<1x128x128xf32, #tpu.memory_space<hbm>> -> memref<128x128xf32, #tpu.memory_space<hbm>>
      %dma_wait3A_41 = arith.constant 0 : i32
      %dma_wait3A_42 = tpu.memref_slice %arg9[%add3A_30, %dma_wait3A_41] : memref<10240x128xf32, #tpu.memory_space<vmem_shared>> -> memref<128x128xf32, #tpu.memory_space<vmem_shared>>
      tpu.wait_dma2 semaphore(%run_scoped3A : memref<!tpu.dma_semaphore, #tpu.memory_space<semaphore_mem>>) src(%dma_wait3A_42 : memref<128x128xf32, #tpu.memory_space<vmem_shared>>) dst(%dma_wait3A_40 : memref<128x128xf32, #tpu.memory_space<hbm>>)
      tpu.yield
    }) : () -> ()
    %add3A_31 = arith.constant 384 : i32
    %add3A_32 = arith.addi %mul3A_7, %add3A_31 : i32
    "tpu.region"() ({
      %run_scoped3A = tpu.sem_alloc : memref<!tpu.dma_semaphore, #tpu.memory_space<semaphore_mem>>
      %dma_start3A = arith.constant 0 : i32
      %dma_start3A_35 = tpu.memref_slice %arg5[%arg0, %add3A_32, %dma_start3A] : memref<2x10240x128xf32, #tpu.memory_space<hbm>> -> memref<1x128x128xf32, #tpu.memory_space<hbm>>
      %dma_start3A_36 = tpu.memref_squeeze %dma_start3A_35 : memref<1x128x128xf32, #tpu.memory_space<hbm>> -> memref<128x128xf32, #tpu.memory_space<hbm>>
      %dma_start3A_37 = arith.constant 0 : i32
      %dma_start3A_38 = tpu.memref_slice %arg9[%add3A_32, %dma_start3A_37] : memref<10240x128xf32, #tpu.memory_space<vmem_shared>> -> memref<128x128xf32, #tpu.memory_space<vmem_shared>>
      tpu.enqueue_dma source(%dma_start3A_38 : memref<128x128xf32, #tpu.memory_space<vmem_shared>>) target(%dma_start3A_36 : memref<128x128xf32, #tpu.memory_space<hbm>>) target_semaphore(%run_scoped3A : memref<!tpu.dma_semaphore, #tpu.memory_space<semaphore_mem>>)
      %dma_wait3A = arith.constant 0 : i32
      %dma_wait3A_39 = tpu.memref_slice %arg5[%arg0, %add3A_32, %dma_wait3A] : memref<2x10240x128xf32, #tpu.memory_space<hbm>> -> memref<1x128x128xf32, #tpu.memory_space<hbm>>
      %dma_wait3A_40 = tpu.memref_squeeze %dma_wait3A_39 : memref<1x128x128xf32, #tpu.memory_space<hbm>> -> memref<128x128xf32, #tpu.memory_space<hbm>>
      %dma_wait3A_41 = arith.constant 0 : i32
      %dma_wait3A_42 = tpu.memref_slice %arg9[%add3A_32, %dma_wait3A_41] : memref<10240x128xf32, #tpu.memory_space<vmem_shared>> -> memref<128x128xf32, #tpu.memory_space<vmem_shared>>
      tpu.wait_dma2 semaphore(%run_scoped3A : memref<!tpu.dma_semaphore, #tpu.memory_space<semaphore_mem>>) src(%dma_wait3A_42 : memref<128x128xf32, #tpu.memory_space<vmem_shared>>) dst(%dma_wait3A_40 : memref<128x128xf32, #tpu.memory_space<hbm>>)
      tpu.yield
    }) : () -> ()
    %add3A_33 = arith.constant 512 : i32
    %add3A_34 = arith.addi %mul3A_7, %add3A_33 : i32
    "tpu.region"() ({
      %run_scoped3A = tpu.sem_alloc : memref<!tpu.dma_semaphore, #tpu.memory_space<semaphore_mem>>
      %dma_start3A = arith.constant 0 : i32
      %dma_start3A_35 = tpu.memref_slice %arg5[%arg0, %add3A_34, %dma_start3A] : memref<2x10240x128xf32, #tpu.memory_space<hbm>> -> memref<1x128x128xf32, #tpu.memory_space<hbm>>
      %dma_start3A_36 = tpu.memref_squeeze %dma_start3A_35 : memref<1x128x128xf32, #tpu.memory_space<hbm>> -> memref<128x128xf32, #tpu.memory_space<hbm>>
      %dma_start3A_37 = arith.constant 0 : i32
      %dma_start3A_38 = tpu.memref_slice %arg9[%add3A_34, %dma_start3A_37] : memref<10240x128xf32, #tpu.memory_space<vmem_shared>> -> memref<128x128xf32, #tpu.memory_space<vmem_shared>>
      tpu.enqueue_dma source(%dma_start3A_38 : memref<128x128xf32, #tpu.memory_space<vmem_shared>>) target(%dma_start3A_36 : memref<128x128xf32, #tpu.memory_space<hbm>>) target_semaphore(%run_scoped3A : memref<!tpu.dma_semaphore, #tpu.memory_space<semaphore_mem>>)
      %dma_wait3A = arith.constant 0 : i32
      %dma_wait3A_39 = tpu.memref_slice %arg5[%arg0, %add3A_34, %dma_wait3A] : memref<2x10240x128xf32, #tpu.memory_space<hbm>> -> memref<1x128x128xf32, #tpu.memory_space<hbm>>
      %dma_wait3A_40 = tpu.memref_squeeze %dma_wait3A_39 : memref<1x128x128xf32, #tpu.memory_space<hbm>> -> memref<128x128xf32, #tpu.memory_space<hbm>>
      %dma_wait3A_41 = arith.constant 0 : i32
      %dma_wait3A_42 = tpu.memref_slice %arg9[%add3A_34, %dma_wait3A_41] : memref<10240x128xf32, #tpu.memory_space<vmem_shared>> -> memref<128x128xf32, #tpu.memory_space<vmem_shared>>
      tpu.wait_dma2 semaphore(%run_scoped3A : memref<!tpu.dma_semaphore, #tpu.memory_space<semaphore_mem>>) src(%dma_wait3A_42 : memref<128x128xf32, #tpu.memory_space<vmem_shared>>) dst(%dma_wait3A_40 : memref<128x128xf32, #tpu.memory_space<hbm>>)
      tpu.yield
    }) : () -> ()
    return
  }
}

#map = affine_map<(d0, d1) -> (0, 0)>
#map1 = affine_map<(d0, d1) -> (0, 0, 0)>
module attributes {stable_mosaic.version = 14 : i64} {
  func.func @k(%arg0: i32, %arg1: i32, %arg2: memref<10000x128xf32, #tpu.memory_space<hbm>>, %arg3: memref<32x80x125xi32, #tpu.memory_space<hbm>>, %arg4: memref<32x80x125xi32, #tpu.memory_space<hbm>>, %arg5: memref<2x10240x128xf32, #tpu.memory_space<hbm>>, %arg6: memref<80x125xi32, #tpu.memory_space<vmem>>, %arg7: memref<80x125xi32, #tpu.memory_space<vmem>>, %arg8: memref<128x128xf32, #tpu.memory_space<vmem>>, %arg9: memref<10240x128xf32, #tpu.memory_space<vmem_shared>>, %arg10: memref<!tpu.dma_semaphore, #tpu.memory_space<semaphore_mem>>) attributes {dimension_semantics = [#tpu.dimension_semantics<core_parallel>, #tpu.dimension_semantics<subcore_parallel>], iteration_bounds = array<i64: 2, 16>, scalar_prefetch = 0 : i64, scratch_operands = 5 : i64, tpu.core_type = #tpu.core_type<sc_vector_subcore>, window_params = [{transform_indices = #map}, {transform_indices = #map1}, {transform_indices = #map1}, {transform_indices = #map1}]} {
    %mul3A = arith.constant 16 : i32
    %mul3A_0 = arith.muli %arg0, %mul3A : i32
    %add3A = arith.addi %mul3A_0, %arg1 : i32
    %scan3A = arith.constant 0 : i32
    %scan3A_1 = arith.constant 0 : i32
    %scan3A_2 = arith.constant 128 : i32
    %scan3A_3 = arith.addi %scan3A_1, %scan3A_2 : i32
    %scan3A_4 = arith.constant 1 : i32
    scf.for %scan3A_35 = %scan3A_1 to %scan3A_3 step %scan3A_4  : i32 {
      %broadcast_in_dim3A = arith.constant 0.000000e+00 : f32
      %broadcast_in_dim3A_36 = vector.broadcast %broadcast_in_dim3A : f32 to vector<16xf32>
      %swap3A = arith.index_cast %scan3A_35 : i32 to index
      %swap3A_37 = arith.constant 0 : index
      %swap3A_38 = tpu.vector_load %arg8[%swap3A, %swap3A_37] {strides = array<i32>} : memref<128x128xf32, #tpu.memory_space<vmem>>, vector<1x16xf32>,
      %swap3A_39 = vector.shape_cast %swap3A_38 : vector<1x16xf32> to vector<16xf32>
      %swap3A_40 = vector.shape_cast %broadcast_in_dim3A_36 : vector<16xf32> to vector<1x16xf32>
      tpu.vector_store %arg8[%swap3A, %swap3A_37], %swap3A_40 {strides = array<i32>} : memref<128x128xf32, #tpu.memory_space<vmem>>, vector<1x16xf32>,
      %broadcast_in_dim3A_41 = arith.constant 0.000000e+00 : f32
      %broadcast_in_dim3A_42 = vector.broadcast %broadcast_in_dim3A_41 : f32 to vector<16xf32>
      %swap3A_43 = arith.index_cast %scan3A_35 : i32 to index
      %swap3A_44 = arith.constant 16 : index
      %swap3A_45 = tpu.vector_load %arg8[%swap3A_43, %swap3A_44] {strides = array<i32>} : memref<128x128xf32, #tpu.memory_space<vmem>>, vector<1x16xf32>,
      %swap3A_46 = vector.shape_cast %swap3A_45 : vector<1x16xf32> to vector<16xf32>
      %swap3A_47 = vector.shape_cast %broadcast_in_dim3A_42 : vector<16xf32> to vector<1x16xf32>
      tpu.vector_store %arg8[%swap3A_43, %swap3A_44], %swap3A_47 {strides = array<i32>} : memref<128x128xf32, #tpu.memory_space<vmem>>, vector<1x16xf32>,
      %broadcast_in_dim3A_48 = arith.constant 0.000000e+00 : f32
      %broadcast_in_dim3A_49 = vector.broadcast %broadcast_in_dim3A_48 : f32 to vector<16xf32>
      %swap3A_50 = arith.index_cast %scan3A_35 : i32 to index
      %swap3A_51 = arith.constant 32 : index
      %swap3A_52 = tpu.vector_load %arg8[%swap3A_50, %swap3A_51] {strides = array<i32>} : memref<128x128xf32, #tpu.memory_space<vmem>>, vector<1x16xf32>,
      %swap3A_53 = vector.shape_cast %swap3A_52 : vector<1x16xf32> to vector<16xf32>
      %swap3A_54 = vector.shape_cast %broadcast_in_dim3A_49 : vector<16xf32> to vector<1x16xf32>
      tpu.vector_store %arg8[%swap3A_50, %swap3A_51], %swap3A_54 {strides = array<i32>} : memref<128x128xf32, #tpu.memory_space<vmem>>, vector<1x16xf32>,
      %broadcast_in_dim3A_55 = arith.constant 0.000000e+00 : f32
      %broadcast_in_dim3A_56 = vector.broadcast %broadcast_in_dim3A_55 : f32 to vector<16xf32>
      %swap3A_57 = arith.index_cast %scan3A_35 : i32 to index
      %swap3A_58 = arith.constant 48 : index
      %swap3A_59 = tpu.vector_load %arg8[%swap3A_57, %swap3A_58] {strides = array<i32>} : memref<128x128xf32, #tpu.memory_space<vmem>>, vector<1x16xf32>,
      %swap3A_60 = vector.shape_cast %swap3A_59 : vector<1x16xf32> to vector<16xf32>
      %swap3A_61 = vector.shape_cast %broadcast_in_dim3A_56 : vector<16xf32> to vector<1x16xf32>
      tpu.vector_store %arg8[%swap3A_57, %swap3A_58], %swap3A_61 {strides = array<i32>} : memref<128x128xf32, #tpu.memory_space<vmem>>, vector<1x16xf32>,
      %broadcast_in_dim3A_62 = arith.constant 0.000000e+00 : f32
      %broadcast_in_dim3A_63 = vector.broadcast %broadcast_in_dim3A_62 : f32 to vector<16xf32>
      %swap3A_64 = arith.index_cast %scan3A_35 : i32 to index
      %swap3A_65 = arith.constant 64 : index
      %swap3A_66 = tpu.vector_load %arg8[%swap3A_64, %swap3A_65] {strides = array<i32>} : memref<128x128xf32, #tpu.memory_space<vmem>>, vector<1x16xf32>,
      %swap3A_67 = vector.shape_cast %swap3A_66 : vector<1x16xf32> to vector<16xf32>
      %swap3A_68 = vector.shape_cast %broadcast_in_dim3A_63 : vector<16xf32> to vector<1x16xf32>
      tpu.vector_store %arg8[%swap3A_64, %swap3A_65], %swap3A_68 {strides = array<i32>} : memref<128x128xf32, #tpu.memory_space<vmem>>, vector<1x16xf32>,
      %broadcast_in_dim3A_69 = arith.constant 0.000000e+00 : f32
      %broadcast_in_dim3A_70 = vector.broadcast %broadcast_in_dim3A_69 : f32 to vector<16xf32>
      %swap3A_71 = arith.index_cast %scan3A_35 : i32 to index
      %swap3A_72 = arith.constant 80 : index
      %swap3A_73 = tpu.vector_load %arg8[%swap3A_71, %swap3A_72] {strides = array<i32>} : memref<128x128xf32, #tpu.memory_space<vmem>>, vector<1x16xf32>,
      %swap3A_74 = vector.shape_cast %swap3A_73 : vector<1x16xf32> to vector<16xf32>
      %swap3A_75 = vector.shape_cast %broadcast_in_dim3A_70 : vector<16xf32> to vector<1x16xf32>
      tpu.vector_store %arg8[%swap3A_71, %swap3A_72], %swap3A_75 {strides = array<i32>} : memref<128x128xf32, #tpu.memory_space<vmem>>, vector<1x16xf32>,
      %broadcast_in_dim3A_76 = arith.constant 0.000000e+00 : f32
      %broadcast_in_dim3A_77 = vector.broadcast %broadcast_in_dim3A_76 : f32 to vector<16xf32>
      %swap3A_78 = arith.index_cast %scan3A_35 : i32 to index
      %swap3A_79 = arith.constant 96 : index
      %swap3A_80 = tpu.vector_load %arg8[%swap3A_78, %swap3A_79] {strides = array<i32>} : memref<128x128xf32, #tpu.memory_space<vmem>>, vector<1x16xf32>,
      %swap3A_81 = vector.shape_cast %swap3A_80 : vector<1x16xf32> to vector<16xf32>
      %swap3A_82 = vector.shape_cast %broadcast_in_dim3A_77 : vector<16xf32> to vector<1x16xf32>
      tpu.vector_store %arg8[%swap3A_78, %swap3A_79], %swap3A_82 {strides = array<i32>} : memref<128x128xf32, #tpu.memory_space<vmem>>, vector<1x16xf32>,
      %broadcast_in_dim3A_83 = arith.constant 0.000000e+00 : f32
      %broadcast_in_dim3A_84 = vector.broadcast %broadcast_in_dim3A_83 : f32 to vector<16xf32>
      %swap3A_85 = arith.index_cast %scan3A_35 : i32 to index
      %swap3A_86 = arith.constant 112 : index
      %swap3A_87 = tpu.vector_load %arg8[%swap3A_85, %swap3A_86] {strides = array<i32>} : memref<128x128xf32, #tpu.memory_space<vmem>>, vector<1x16xf32>,
      %swap3A_88 = vector.shape_cast %swap3A_87 : vector<1x16xf32> to vector<16xf32>
      %swap3A_89 = vector.shape_cast %broadcast_in_dim3A_84 : vector<16xf32> to vector<1x16xf32>
      tpu.vector_store %arg8[%swap3A_85, %swap3A_86], %swap3A_89 {strides = array<i32>} : memref<128x128xf32, #tpu.memory_space<vmem>>, vector<1x16xf32>,
    }
    %scan3A_5 = arith.constant 128 : i32
    %mul3A_6 = arith.constant 640 : i32
    %mul3A_7 = arith.muli %arg1, %mul3A_6 : i32
    %add3A_8 = arith.constant 0 : i32
    %add3A_9 = arith.addi %mul3A_7, %add3A_8 : i32
    "tpu.region"() ({
      %run_scoped3A = tpu.sem_alloc : memref<!tpu.dma_semaphore, #tpu.memory_space<semaphore_mem>>
      %dma_start3A = arith.constant 0 : i32
      %dma_start3A_35 = tpu.memref_slice %arg9[%add3A_9, %dma_start3A] : memref<10240x128xf32, #tpu.memory_space<vmem_shared>> -> memref<128x128xf32, #tpu.memory_space<vmem_shared>>
      %dma_start3A_36 = arith.constant 0 : i32
      %dma_start3A_37 = tpu.memref_slice %arg9[%add3A_9, %dma_start3A_36] : memref<10240x128xf32, #tpu.memory_space<vmem_shared>> -> memref<128x128xf32, #tpu.memory_space<vmem_shared>>
      tpu.enqueue_dma source(%arg8 : memref<128x128xf32, #tpu.memory_space<vmem>>) target(%dma_start3A_37 : memref<128x128xf32, #tpu.memory_space<vmem_shared>>) target_semaphore(%run_scoped3A : memref<!tpu.dma_semaphore, #tpu.memory_space<semaphore_mem>>)
      %dma_wait3A = arith.constant 0 : i32
      %dma_wait3A_38 = tpu.memref_slice %arg9[%add3A_9, %dma_wait3A] : memref<10240x128xf32, #tpu.memory_space<vmem_shared>> -> memref<128x128xf32, #tpu.memory_space<vmem_shared>>
      %dma_wait3A_39 = arith.constant 0 : i32
      %dma_wait3A_40 = tpu.memref_slice %arg9[%add3A_9, %dma_wait3A_39] : memref<10240x128xf32, #tpu.memory_space<vmem_shared>> -> memref<128x128xf32, #tpu.memory_space<vmem_shared>>
      tpu.wait_dma2 semaphore(%run_scoped3A : memref<!tpu.dma_semaphore, #tpu.memory_space<semaphore_mem>>) src(%arg8 : memref<128x128xf32, #tpu.memory_space<vmem>>) dst(%dma_wait3A_40 : memref<128x128xf32, #tpu.memory_space<vmem_shared>>)
      tpu.yield
    }) : () -> ()
    %add3A_10 = arith.constant 128 : i32
    %add3A_11 = arith.addi %mul3A_7, %add3A_10 : i32
    "tpu.region"() ({
      %run_scoped3A = tpu.sem_alloc : memref<!tpu.dma_semaphore, #tpu.memory_space<semaphore_mem>>
      %dma_start3A = arith.constant 0 : i32
      %dma_start3A_35 = tpu.memref_slice %arg9[%add3A_11, %dma_start3A] : memref<10240x128xf32, #tpu.memory_space<vmem_shared>> -> memref<128x128xf32, #tpu.memory_space<vmem_shared>>
      %dma_start3A_36 = arith.constant 0 : i32
      %dma_start3A_37 = tpu.memref_slice %arg9[%add3A_11, %dma_start3A_36] : memref<10240x128xf32, #tpu.memory_space<vmem_shared>> -> memref<128x128xf32, #tpu.memory_space<vmem_shared>>
      tpu.enqueue_dma source(%arg8 : memref<128x128xf32, #tpu.memory_space<vmem>>) target(%dma_start3A_37 : memref<128x128xf32, #tpu.memory_space<vmem_shared>>) target_semaphore(%run_scoped3A : memref<!tpu.dma_semaphore, #tpu.memory_space<semaphore_mem>>)
      %dma_wait3A = arith.constant 0 : i32
      %dma_wait3A_38 = tpu.memref_slice %arg9[%add3A_11, %dma_wait3A] : memref<10240x128xf32, #tpu.memory_space<vmem_shared>> -> memref<128x128xf32, #tpu.memory_space<vmem_shared>>
      %dma_wait3A_39 = arith.constant 0 : i32
      %dma_wait3A_40 = tpu.memref_slice %arg9[%add3A_11, %dma_wait3A_39] : memref<10240x128xf32, #tpu.memory_space<vmem_shared>> -> memref<128x128xf32, #tpu.memory_space<vmem_shared>>
      tpu.wait_dma2 semaphore(%run_scoped3A : memref<!tpu.dma_semaphore, #tpu.memory_space<semaphore_mem>>) src(%arg8 : memref<128x128xf32, #tpu.memory_space<vmem>>) dst(%dma_wait3A_40 : memref<128x128xf32, #tpu.memory_space<vmem_shared>>)
      tpu.yield
    }) : () -> ()
    %add3A_12 = arith.constant 256 : i32
    %add3A_13 = arith.addi %mul3A_7, %add3A_12 : i32
    "tpu.region"() ({
      %run_scoped3A = tpu.sem_alloc : memref<!tpu.dma_semaphore, #tpu.memory_space<semaphore_mem>>
      %dma_start3A = arith.constant 0 : i32
      %dma_start3A_35 = tpu.memref_slice %arg9[%add3A_13, %dma_start3A] : memref<10240x128xf32, #tpu.memory_space<vmem_shared>> -> memref<128x128xf32, #tpu.memory_space<vmem_shared>>
      %dma_start3A_36 = arith.constant 0 : i32
      %dma_start3A_37 = tpu.memref_slice %arg9[%add3A_13, %dma_start3A_36] : memref<10240x128xf32, #tpu.memory_space<vmem_shared>> -> memref<128x128xf32, #tpu.memory_space<vmem_shared>>
      tpu.enqueue_dma source(%arg8 : memref<128x128xf32, #tpu.memory_space<vmem>>) target(%dma_start3A_37 : memref<128x128xf32, #tpu.memory_space<vmem_shared>>) target_semaphore(%run_scoped3A : memref<!tpu.dma_semaphore, #tpu.memory_space<semaphore_mem>>)
      %dma_wait3A = arith.constant 0 : i32
      %dma_wait3A_38 = tpu.memref_slice %arg9[%add3A_13, %dma_wait3A] : memref<10240x128xf32, #tpu.memory_space<vmem_shared>> -> memref<128x128xf32, #tpu.memory_space<vmem_shared>>
      %dma_wait3A_39 = arith.constant 0 : i32
      %dma_wait3A_40 = tpu.memref_slice %arg9[%add3A_13, %dma_wait3A_39] : memref<10240x128xf32, #tpu.memory_space<vmem_shared>> -> memref<128x128xf32, #tpu.memory_space<vmem_shared>>
      tpu.wait_dma2 semaphore(%run_scoped3A : memref<!tpu.dma_semaphore, #tpu.memory_space<semaphore_mem>>) src(%arg8 : memref<128x128xf32, #tpu.memory_space<vmem>>) dst(%dma_wait3A_40 : memref<128x128xf32, #tpu.memory_space<vmem_shared>>)
      tpu.yield
    }) : () -> ()
    %add3A_14 = arith.constant 384 : i32
    %add3A_15 = arith.addi %mul3A_7, %add3A_14 : i32
    "tpu.region"() ({
      %run_scoped3A = tpu.sem_alloc : memref<!tpu.dma_semaphore, #tpu.memory_space<semaphore_mem>>
      %dma_start3A = arith.constant 0 : i32
      %dma_start3A_35 = tpu.memref_slice %arg9[%add3A_15, %dma_start3A] : memref<10240x128xf32, #tpu.memory_space<vmem_shared>> -> memref<128x128xf32, #tpu.memory_space<vmem_shared>>
      %dma_start3A_36 = arith.constant 0 : i32
      %dma_start3A_37 = tpu.memref_slice %arg9[%add3A_15, %dma_start3A_36] : memref<10240x128xf32, #tpu.memory_space<vmem_shared>> -> memref<128x128xf32, #tpu.memory_space<vmem_shared>>
      tpu.enqueue_dma source(%arg8 : memref<128x128xf32, #tpu.memory_space<vmem>>) target(%dma_start3A_37 : memref<128x128xf32, #tpu.memory_space<vmem_shared>>) target_semaphore(%run_scoped3A : memref<!tpu.dma_semaphore, #tpu.memory_space<semaphore_mem>>)
      %dma_wait3A = arith.constant 0 : i32
      %dma_wait3A_38 = tpu.memref_slice %arg9[%add3A_15, %dma_wait3A] : memref<10240x128xf32, #tpu.memory_space<vmem_shared>> -> memref<128x128xf32, #tpu.memory_space<vmem_shared>>
      %dma_wait3A_39 = arith.constant 0 : i32
      %dma_wait3A_40 = tpu.memref_slice %arg9[%add3A_15, %dma_wait3A_39] : memref<10240x128xf32, #tpu.memory_space<vmem_shared>> -> memref<128x128xf32, #tpu.memory_space<vmem_shared>>
      tpu.wait_dma2 semaphore(%run_scoped3A : memref<!tpu.dma_semaphore, #tpu.memory_space<semaphore_mem>>) src(%arg8 : memref<128x128xf32, #tpu.memory_space<vmem>>) dst(%dma_wait3A_40 : memref<128x128xf32, #tpu.memory_space<vmem_shared>>)
      tpu.yield
    }) : () -> ()
    %add3A_16 = arith.constant 512 : i32
    %add3A_17 = arith.addi %mul3A_7, %add3A_16 : i32
    "tpu.region"() ({
      %run_scoped3A = tpu.sem_alloc : memref<!tpu.dma_semaphore, #tpu.memory_space<semaphore_mem>>
      %dma_start3A = arith.constant 0 : i32
      %dma_start3A_35 = tpu.memref_slice %arg9[%add3A_17, %dma_start3A] : memref<10240x128xf32, #tpu.memory_space<vmem_shared>> -> memref<128x128xf32, #tpu.memory_space<vmem_shared>>
      %dma_start3A_36 = arith.constant 0 : i32
      %dma_start3A_37 = tpu.memref_slice %arg9[%add3A_17, %dma_start3A_36] : memref<10240x128xf32, #tpu.memory_space<vmem_shared>> -> memref<128x128xf32, #tpu.memory_space<vmem_shared>>
      tpu.enqueue_dma source(%arg8 : memref<128x128xf32, #tpu.memory_space<vmem>>) target(%dma_start3A_37 : memref<128x128xf32, #tpu.memory_space<vmem_shared>>) target_semaphore(%run_scoped3A : memref<!tpu.dma_semaphore, #tpu.memory_space<semaphore_mem>>)
      %dma_wait3A = arith.constant 0 : i32
      %dma_wait3A_38 = tpu.memref_slice %arg9[%add3A_17, %dma_wait3A] : memref<10240x128xf32, #tpu.memory_space<vmem_shared>> -> memref<128x128xf32, #tpu.memory_space<vmem_shared>>
      %dma_wait3A_39 = arith.constant 0 : i32
      %dma_wait3A_40 = tpu.memref_slice %arg9[%add3A_17, %dma_wait3A_39] : memref<10240x128xf32, #tpu.memory_space<vmem_shared>> -> memref<128x128xf32, #tpu.memory_space<vmem_shared>>
      tpu.wait_dma2 semaphore(%run_scoped3A : memref<!tpu.dma_semaphore, #tpu.memory_space<semaphore_mem>>) src(%arg8 : memref<128x128xf32, #tpu.memory_space<vmem>>) dst(%dma_wait3A_40 : memref<128x128xf32, #tpu.memory_space<vmem_shared>>)
      tpu.yield
    }) : () -> ()
    %barrier3A = arith.constant 0 : index
    tpu.barrier barrier_id(%barrier3A)
    "tpu.region"() ({
      %run_scoped3A = tpu.sem_alloc : memref<!tpu.dma_semaphore, #tpu.memory_space<semaphore_mem>>
      %dma_start3A = arith.constant 0 : i32
      %dma_start3A_35 = arith.constant 0 : i32
      %dma_start3A_36 = tpu.memref_slice %arg3[%add3A, %dma_start3A, %dma_start3A_35] : memref<32x80x125xi32, #tpu.memory_space<hbm>> -> memref<1x80x125xi32, #tpu.memory_space<hbm>>
      %dma_start3A_37 = tpu.memref_squeeze %dma_start3A_36 : memref<1x80x125xi32, #tpu.memory_space<hbm>> -> memref<80x125xi32, #tpu.memory_space<hbm>>
      %dma_start3A_38 = arith.constant 0 : i32
      %dma_start3A_39 = arith.constant 0 : i32
      %dma_start3A_40 = tpu.memref_slice %arg3[%add3A, %dma_start3A_38, %dma_start3A_39] : memref<32x80x125xi32, #tpu.memory_space<hbm>> -> memref<1x80x125xi32, #tpu.memory_space<hbm>>
      %dma_start3A_41 = tpu.memref_squeeze %dma_start3A_40 : memref<1x80x125xi32, #tpu.memory_space<hbm>> -> memref<80x125xi32, #tpu.memory_space<hbm>>
      tpu.enqueue_dma source(%dma_start3A_41 : memref<80x125xi32, #tpu.memory_space<hbm>>) target(%arg6 : memref<80x125xi32, #tpu.memory_space<vmem>>) target_semaphore(%run_scoped3A : memref<!tpu.dma_semaphore, #tpu.memory_space<semaphore_mem>>)
      %dma_wait3A = arith.constant 0 : i32
      %dma_wait3A_42 = arith.constant 0 : i32
      %dma_wait3A_43 = tpu.memref_slice %arg3[%add3A, %dma_wait3A, %dma_wait3A_42] : memref<32x80x125xi32, #tpu.memory_space<hbm>> -> memref<1x80x125xi32, #tpu.memory_space<hbm>>
      %dma_wait3A_44 = tpu.memref_squeeze %dma_wait3A_43 : memref<1x80x125xi32, #tpu.memory_space<hbm>> -> memref<80x125xi32, #tpu.memory_space<hbm>>
      %dma_wait3A_45 = arith.constant 0 : i32
      %dma_wait3A_46 = arith.constant 0 : i32
      %dma_wait3A_47 = tpu.memref_slice %arg3[%add3A, %dma_wait3A_45, %dma_wait3A_46] : memref<32x80x125xi32, #tpu.memory_space<hbm>> -> memref<1x80x125xi32, #tpu.memory_space<hbm>>
      %dma_wait3A_48 = tpu.memref_squeeze %dma_wait3A_47 : memref<1x80x125xi32, #tpu.memory_space<hbm>> -> memref<80x125xi32, #tpu.memory_space<hbm>>
      tpu.wait_dma2 semaphore(%run_scoped3A : memref<!tpu.dma_semaphore, #tpu.memory_space<semaphore_mem>>) src(%dma_wait3A_48 : memref<80x125xi32, #tpu.memory_space<hbm>>) dst(%arg6 : memref<80x125xi32, #tpu.memory_space<vmem>>)
      tpu.yield
    }) : () -> ()
    "tpu.region"() ({
      %run_scoped3A = tpu.sem_alloc : memref<!tpu.dma_semaphore, #tpu.memory_space<semaphore_mem>>
      %dma_start3A = arith.constant 0 : i32
      %dma_start3A_35 = arith.constant 0 : i32
      %dma_start3A_36 = tpu.memref_slice %arg4[%add3A, %dma_start3A, %dma_start3A_35] : memref<32x80x125xi32, #tpu.memory_space<hbm>> -> memref<1x80x125xi32, #tpu.memory_space<hbm>>
      %dma_start3A_37 = tpu.memref_squeeze %dma_start3A_36 : memref<1x80x125xi32, #tpu.memory_space<hbm>> -> memref<80x125xi32, #tpu.memory_space<hbm>>
      %dma_start3A_38 = arith.constant 0 : i32
      %dma_start3A_39 = arith.constant 0 : i32
      %dma_start3A_40 = tpu.memref_slice %arg4[%add3A, %dma_start3A_38, %dma_start3A_39] : memref<32x80x125xi32, #tpu.memory_space<hbm>> -> memref<1x80x125xi32, #tpu.memory_space<hbm>>
      %dma_start3A_41 = tpu.memref_squeeze %dma_start3A_40 : memref<1x80x125xi32, #tpu.memory_space<hbm>> -> memref<80x125xi32, #tpu.memory_space<hbm>>
      tpu.enqueue_dma source(%dma_start3A_41 : memref<80x125xi32, #tpu.memory_space<hbm>>) target(%arg7 : memref<80x125xi32, #tpu.memory_space<vmem>>) target_semaphore(%run_scoped3A : memref<!tpu.dma_semaphore, #tpu.memory_space<semaphore_mem>>)
      %dma_wait3A = arith.constant 0 : i32
      %dma_wait3A_42 = arith.constant 0 : i32
      %dma_wait3A_43 = tpu.memref_slice %arg4[%add3A, %dma_wait3A, %dma_wait3A_42] : memref<32x80x125xi32, #tpu.memory_space<hbm>> -> memref<1x80x125xi32, #tpu.memory_space<hbm>>
      %dma_wait3A_44 = tpu.memref_squeeze %dma_wait3A_43 : memref<1x80x125xi32, #tpu.memory_space<hbm>> -> memref<80x125xi32, #tpu.memory_space<hbm>>
      %dma_wait3A_45 = arith.constant 0 : i32
      %dma_wait3A_46 = arith.constant 0 : i32
      %dma_wait3A_47 = tpu.memref_slice %arg4[%add3A, %dma_wait3A_45, %dma_wait3A_46] : memref<32x80x125xi32, #tpu.memory_space<hbm>> -> memref<1x80x125xi32, #tpu.memory_space<hbm>>
      %dma_wait3A_48 = tpu.memref_squeeze %dma_wait3A_47 : memref<1x80x125xi32, #tpu.memory_space<hbm>> -> memref<80x125xi32, #tpu.memory_space<hbm>>
      tpu.wait_dma2 semaphore(%run_scoped3A : memref<!tpu.dma_semaphore, #tpu.memory_space<semaphore_mem>>) src(%dma_wait3A_48 : memref<80x125xi32, #tpu.memory_space<hbm>>) dst(%arg7 : memref<80x125xi32, #tpu.memory_space<vmem>>)
      tpu.yield
    }) : () -> ()
    %scan3A_18 = arith.constant 0 : i32
    %scan3A_19 = arith.constant 0 : i32
    %scan3A_20 = arith.constant 80 : i32
    %scan3A_21 = arith.addi %scan3A_19, %scan3A_20 : i32
    %scan3A_22 = arith.constant 1 : i32
    scf.for %scan3A_35 = %scan3A_19 to %scan3A_21 step %scan3A_22  : i32 {
      %dma_start3A = arith.constant 0 : i32
      %dma_start3A_36 = arith.constant 0 : i32
      %dma_start3A_37 = tpu.memref_slice %arg8[%dma_start3A, %dma_start3A_36] : memref<128x128xf32, #tpu.memory_space<vmem>> -> memref<125x128xf32, #tpu.memory_space<vmem>>
      %dma_start3A_38 = arith.constant 0 : i32
      %dma_start3A_39 = tpu.memref_slice %arg6[%scan3A_35, %dma_start3A_38] : memref<80x125xi32, #tpu.memory_space<vmem>> -> memref<1x125xi32, #tpu.memory_space<vmem>>
      %dma_start3A_40 = tpu.memref_squeeze %dma_start3A_39 : memref<1x125xi32, #tpu.memory_space<vmem>> -> memref<125xi32, #tpu.memory_space<vmem>>
      %dma_start3A_41 = arith.constant 0 : i32
      %dma_start3A_42 = arith.constant 0 : i32
      %dma_start3A_43 = tpu.memref_slice %arg2[%dma_start3A_41, %dma_start3A_42] : memref<10000x128xf32, #tpu.memory_space<hbm>> -> memref<10000x128xf32, #tpu.memory_space<hbm>>
      tpu.enqueue_indirect_dma source(%dma_start3A_43 : memref<10000x128xf32, #tpu.memory_space<hbm>>) target(%dma_start3A_37 : memref<125x128xf32, #tpu.memory_space<vmem>>) offsets(%dma_start3A_40 : memref<125xi32, #tpu.memory_space<vmem>>) semaphore(%arg10 : memref<!tpu.dma_semaphore, #tpu.memory_space<semaphore_mem>>)
      %dma_wait3A = arith.constant 0 : i32
      %dma_wait3A_44 = arith.constant 0 : i32
      %dma_wait3A_45 = tpu.memref_slice %arg8[%dma_wait3A, %dma_wait3A_44] : memref<128x128xf32, #tpu.memory_space<vmem>> -> memref<125x128xf32, #tpu.memory_space<vmem>>
      %dma_wait3A_46 = arith.constant 0 : i32
      %dma_wait3A_47 = tpu.memref_slice %arg6[%scan3A_35, %dma_wait3A_46] : memref<80x125xi32, #tpu.memory_space<vmem>> -> memref<1x125xi32, #tpu.memory_space<vmem>>
      %dma_wait3A_48 = tpu.memref_squeeze %dma_wait3A_47 : memref<1x125xi32, #tpu.memory_space<vmem>> -> memref<125xi32, #tpu.memory_space<vmem>>
      %dma_wait3A_49 = arith.constant 0 : i32
      %dma_wait3A_50 = arith.constant 0 : i32
      %dma_wait3A_51 = tpu.memref_slice %arg2[%dma_wait3A_49, %dma_wait3A_50] : memref<10000x128xf32, #tpu.memory_space<hbm>> -> memref<10000x128xf32, #tpu.memory_space<hbm>>
      tpu.wait_indirect_dma semaphore(%arg10 : memref<!tpu.dma_semaphore, #tpu.memory_space<semaphore_mem>>) src(%dma_wait3A_51 : memref<10000x128xf32, #tpu.memory_space<hbm>>) dst(%dma_wait3A_45 : memref<125x128xf32, #tpu.memory_space<vmem>>)
      "tpu.region"() ({
        %run_scoped3A = tpu.sem_alloc : memref<!tpu.dma_semaphore, #tpu.memory_space<semaphore_mem>>
        %dma_start3A_52 = arith.constant 0 : i32
        %dma_start3A_53 = arith.constant 0 : i32
        %dma_start3A_54 = tpu.memref_slice %arg8[%dma_start3A_52, %dma_start3A_53] : memref<128x128xf32, #tpu.memory_space<vmem>> -> memref<125x128xf32, #tpu.memory_space<vmem>>
        %dma_start3A_55 = arith.constant 0 : i32
        %dma_start3A_56 = tpu.memref_slice %arg7[%scan3A_35, %dma_start3A_55] : memref<80x125xi32, #tpu.memory_space<vmem>> -> memref<1x125xi32, #tpu.memory_space<vmem>>
        %dma_start3A_57 = tpu.memref_squeeze %dma_start3A_56 : memref<1x125xi32, #tpu.memory_space<vmem>> -> memref<125xi32, #tpu.memory_space<vmem>>
        %dma_start3A_58 = arith.constant 0 : i32
        %dma_start3A_59 = arith.constant 0 : i32
        %dma_start3A_60 = tpu.memref_slice %arg9[%dma_start3A_58, %dma_start3A_59] : memref<10240x128xf32, #tpu.memory_space<vmem_shared>> -> memref<10240x128xf32, #tpu.memory_space<vmem_shared>>
        tpu.enqueue_indirect_dma source(%dma_start3A_54 : memref<125x128xf32, #tpu.memory_space<vmem>>) target(%dma_start3A_60 : memref<10240x128xf32, #tpu.memory_space<vmem_shared>>) offsets(%dma_start3A_57 : memref<125xi32, #tpu.memory_space<vmem>>) semaphore(%run_scoped3A : memref<!tpu.dma_semaphore, #tpu.memory_space<semaphore_mem>>) {add = true}
        %dma_wait3A_61 = arith.constant 0 : i32
        %dma_wait3A_62 = arith.constant 0 : i32
        %dma_wait3A_63 = tpu.memref_slice %arg8[%dma_wait3A_61, %dma_wait3A_62] : memref<128x128xf32, #tpu.memory_space<vmem>> -> memref<125x128xf32, #tpu.memory_space<vmem>>
        %dma_wait3A_64 = arith.constant 0 : i32
        %dma_wait3A_65 = tpu.memref_slice %arg7[%scan3A_35, %dma_wait3A_64] : memref<80x125xi32, #tpu.memory_space<vmem>> -> memref<1x125xi32, #tpu.memory_space<vmem>>
        %dma_wait3A_66 = tpu.memref_squeeze %dma_wait3A_65 : memref<1x125xi32, #tpu.memory_space<vmem>> -> memref<125xi32, #tpu.memory_space<vmem>>
        %dma_wait3A_67 = arith.constant 0 : i32
        %dma_wait3A_68 = arith.constant 0 : i32
        %dma_wait3A_69 = tpu.memref_slice %arg9[%dma_wait3A_67, %dma_wait3A_68] : memref<10240x128xf32, #tpu.memory_space<vmem_shared>> -> memref<10240x128xf32, #tpu.memory_space<vmem_shared>>
        tpu.wait_indirect_dma semaphore(%run_scoped3A : memref<!tpu.dma_semaphore, #tpu.memory_space<semaphore_mem>>) src(%dma_wait3A_63 : memref<125x128xf32, #tpu.memory_space<vmem>>) dst(%dma_wait3A_69 : memref<10240x128xf32, #tpu.memory_space<vmem_shared>>)
        tpu.yield
      }) : () -> ()
    }
    %scan3A_23 = arith.constant 80 : i32
    %barrier3A_24 = arith.constant 0 : index
    tpu.barrier barrier_id(%barrier3A_24)
    %add3A_25 = arith.constant 0 : i32
    %add3A_26 = arith.addi %mul3A_7, %add3A_25 : i32
    "tpu.region"() ({
      %run_scoped3A = tpu.sem_alloc : memref<!tpu.dma_semaphore, #tpu.memory_space<semaphore_mem>>
      %dma_start3A = arith.constant 0 : i32
      %dma_start3A_35 = tpu.memref_slice %arg5[%arg0, %add3A_26, %dma_start3A] : memref<2x10240x128xf32, #tpu.memory_space<hbm>> -> memref<1x128x128xf32, #tpu.memory_space<hbm>>
      %dma_start3A_36 = tpu.memref_squeeze %dma_start3A_35 : memref<1x128x128xf32, #tpu.memory_space<hbm>> -> memref<128x128xf32, #tpu.memory_space<hbm>>
      %dma_start3A_37 = arith.constant 0 : i32
      %dma_start3A_38 = tpu.memref_slice %arg9[%add3A_26, %dma_start3A_37] : memref<10240x128xf32, #tpu.memory_space<vmem_shared>> -> memref<128x128xf32, #tpu.memory_space<vmem_shared>>
      tpu.enqueue_dma source(%dma_start3A_38 : memref<128x128xf32, #tpu.memory_space<vmem_shared>>) target(%dma_start3A_36 : memref<128x128xf32, #tpu.memory_space<hbm>>) target_semaphore(%run_scoped3A : memref<!tpu.dma_semaphore, #tpu.memory_space<semaphore_mem>>)
      %dma_wait3A = arith.constant 0 : i32
      %dma_wait3A_39 = tpu.memref_slice %arg5[%arg0, %add3A_26, %dma_wait3A] : memref<2x10240x128xf32, #tpu.memory_space<hbm>> -> memref<1x128x128xf32, #tpu.memory_space<hbm>>
      %dma_wait3A_40 = tpu.memref_squeeze %dma_wait3A_39 : memref<1x128x128xf32, #tpu.memory_space<hbm>> -> memref<128x128xf32, #tpu.memory_space<hbm>>
      %dma_wait3A_41 = arith.constant 0 : i32
      %dma_wait3A_42 = tpu.memref_slice %arg9[%add3A_26, %dma_wait3A_41] : memref<10240x128xf32, #tpu.memory_space<vmem_shared>> -> memref<128x128xf32, #tpu.memory_space<vmem_shared>>
      tpu.wait_dma2 semaphore(%run_scoped3A : memref<!tpu.dma_semaphore, #tpu.memory_space<semaphore_mem>>) src(%dma_wait3A_42 : memref<128x128xf32, #tpu.memory_space<vmem_shared>>) dst(%dma_wait3A_40 : memref<128x128xf32, #tpu.memory_space<hbm>>)
      tpu.yield
    }) : () -> ()
    %add3A_27 = arith.constant 128 : i32
    %add3A_28 = arith.addi %mul3A_7, %add3A_27 : i32
    "tpu.region"() ({
      %run_scoped3A = tpu.sem_alloc : memref<!tpu.dma_semaphore, #tpu.memory_space<semaphore_mem>>
      %dma_start3A = arith.constant 0 : i32
      %dma_start3A_35 = tpu.memref_slice %arg5[%arg0, %add3A_28, %dma_start3A] : memref<2x10240x128xf32, #tpu.memory_space<hbm>> -> memref<1x128x128xf32, #tpu.memory_space<hbm>>
      %dma_start3A_36 = tpu.memref_squeeze %dma_start3A_35 : memref<1x128x128xf32, #tpu.memory_space<hbm>> -> memref<128x128xf32, #tpu.memory_space<hbm>>
      %dma_start3A_37 = arith.constant 0 : i32
      %dma_start3A_38 = tpu.memref_slice %arg9[%add3A_28, %dma_start3A_37] : memref<10240x128xf32, #tpu.memory_space<vmem_shared>> -> memref<128x128xf32, #tpu.memory_space<vmem_shared>>
      tpu.enqueue_dma source(%dma_start3A_38 : memref<128x128xf32, #tpu.memory_space<vmem_shared>>) target(%dma_start3A_36 : memref<128x128xf32, #tpu.memory_space<hbm>>) target_semaphore(%run_scoped3A : memref<!tpu.dma_semaphore, #tpu.memory_space<semaphore_mem>>)
      %dma_wait3A = arith.constant 0 : i32
      %dma_wait3A_39 = tpu.memref_slice %arg5[%arg0, %add3A_28, %dma_wait3A] : memref<2x10240x128xf32, #tpu.memory_space<hbm>> -> memref<1x128x128xf32, #tpu.memory_space<hbm>>
      %dma_wait3A_40 = tpu.memref_squeeze %dma_wait3A_39 : memref<1x128x128xf32, #tpu.memory_space<hbm>> -> memref<128x128xf32, #tpu.memory_space<hbm>>
      %dma_wait3A_41 = arith.constant 0 : i32
      %dma_wait3A_42 = tpu.memref_slice %arg9[%add3A_28, %dma_wait3A_41] : memref<10240x128xf32, #tpu.memory_space<vmem_shared>> -> memref<128x128xf32, #tpu.memory_space<vmem_shared>>
      tpu.wait_dma2 semaphore(%run_scoped3A : memref<!tpu.dma_semaphore, #tpu.memory_space<semaphore_mem>>) src(%dma_wait3A_42 : memref<128x128xf32, #tpu.memory_space<vmem_shared>>) dst(%dma_wait3A_40 : memref<128x128xf32, #tpu.memory_space<hbm>>)
      tpu.yield
    }) : () -> ()
    %add3A_29 = arith.constant 256 : i32
    %add3A_30 = arith.addi %mul3A_7, %add3A_29 : i32
    "tpu.region"() ({
      %run_scoped3A = tpu.sem_alloc : memref<!tpu.dma_semaphore, #tpu.memory_space<semaphore_mem>>
      %dma_start3A = arith.constant 0 : i32
      %dma_start3A_35 = tpu.memref_slice %arg5[%arg0, %add3A_30, %dma_start3A] : memref<2x10240x128xf32, #tpu.memory_space<hbm>> -> memref<1x128x128xf32, #tpu.memory_space<hbm>>
      %dma_start3A_36 = tpu.memref_squeeze %dma_start3A_35 : memref<1x128x128xf32, #tpu.memory_space<hbm>> -> memref<128x128xf32, #tpu.memory_space<hbm>>
      %dma_start3A_37 = arith.constant 0 : i32
      %dma_start3A_38 = tpu.memref_slice %arg9[%add3A_30, %dma_start3A_37] : memref<10240x128xf32, #tpu.memory_space<vmem_shared>> -> memref<128x128xf32, #tpu.memory_space<vmem_shared>>
      tpu.enqueue_dma source(%dma_start3A_38 : memref<128x128xf32, #tpu.memory_space<vmem_shared>>) target(%dma_start3A_36 : memref<128x128xf32, #tpu.memory_space<hbm>>) target_semaphore(%run_scoped3A : memref<!tpu.dma_semaphore, #tpu.memory_space<semaphore_mem>>)
      %dma_wait3A = arith.constant 0 : i32
      %dma_wait3A_39 = tpu.memref_slice %arg5[%arg0, %add3A_30, %dma_wait3A] : memref<2x10240x128xf32, #tpu.memory_space<hbm>> -> memref<1x128x128xf32, #tpu.memory_space<hbm>>
      %dma_wait3A_40 = tpu.memref_squeeze %dma_wait3A_39 : memref<1x128x128xf32, #tpu.memory_space<hbm>> -> memref<128x128xf32, #tpu.memory_space<hbm>>
      %dma_wait3A_41 = arith.constant 0 : i32
      %dma_wait3A_42 = tpu.memref_slice %arg9[%add3A_30, %dma_wait3A_41] : memref<10240x128xf32, #tpu.memory_space<vmem_shared>> -> memref<128x128xf32, #tpu.memory_space<vmem_shared>>
      tpu.wait_dma2 semaphore(%run_scoped3A : memref<!tpu.dma_semaphore, #tpu.memory_space<semaphore_mem>>) src(%dma_wait3A_42 : memref<128x128xf32, #tpu.memory_space<vmem_shared>>) dst(%dma_wait3A_40 : memref<128x128xf32, #tpu.memory_space<hbm>>)
      tpu.yield
    }) : () -> ()
    %add3A_31 = arith.constant 384 : i32
    %add3A_32 = arith.addi %mul3A_7, %add3A_31 : i32
    "tpu.region"() ({
      %run_scoped3A = tpu.sem_alloc : memref<!tpu.dma_semaphore, #tpu.memory_space<semaphore_mem>>
      %dma_start3A = arith.constant 0 : i32
      %dma_start3A_35 = tpu.memref_slice %arg5[%arg0, %add3A_32, %dma_start3A] : memref<2x10240x128xf32, #tpu.memory_space<hbm>> -> memref<1x128x128xf32, #tpu.memory_space<hbm>>
      %dma_start3A_36 = tpu.memref_squeeze %dma_start3A_35 : memref<1x128x128xf32, #tpu.memory_space<hbm>> -> memref<128x128xf32, #tpu.memory_space<hbm>>
      %dma_start3A_37 = arith.constant 0 : i32
      %dma_start3A_38 = tpu.memref_slice %arg9[%add3A_32, %dma_start3A_37] : memref<10240x128xf32, #tpu.memory_space<vmem_shared>> -> memref<128x128xf32, #tpu.memory_space<vmem_shared>>
      tpu.enqueue_dma source(%dma_start3A_38 : memref<128x128xf32, #tpu.memory_space<vmem_shared>>) target(%dma_start3A_36 : memref<128x128xf32, #tpu.memory_space<hbm>>) target_semaphore(%run_scoped3A : memref<!tpu.dma_semaphore, #tpu.memory_space<semaphore_mem>>)
      %dma_wait3A = arith.constant 0 : i32
      %dma_wait3A_39 = tpu.memref_slice %arg5[%arg0, %add3A_32, %dma_wait3A] : memref<2x10240x128xf32, #tpu.memory_space<hbm>> -> memref<1x128x128xf32, #tpu.memory_space<hbm>>
      %dma_wait3A_40 = tpu.memref_squeeze %dma_wait3A_39 : memref<1x128x128xf32, #tpu.memory_space<hbm>> -> memref<128x128xf32, #tpu.memory_space<hbm>>
      %dma_wait3A_41 = arith.constant 0 : i32
      %dma_wait3A_42 = tpu.memref_slice %arg9[%add3A_32, %dma_wait3A_41] : memref<10240x128xf32, #tpu.memory_space<vmem_shared>> -> memref<128x128xf32, #tpu.memory_space<vmem_shared>>
      tpu.wait_dma2 semaphore(%run_scoped3A : memref<!tpu.dma_semaphore, #tpu.memory_space<semaphore_mem>>) src(%dma_wait3A_42 : memref<128x128xf32, #tpu.memory_space<vmem_shared>>) dst(%dma_wait3A_40 : memref<128x128xf32, #tpu.memory_space<hbm>>)
      tpu.yield
    }) : () -> ()
    %add3A_33 = arith.constant 512 : i32
    %add3A_34 = arith.addi %mul3A_7, %add3A_33 : i32
    "tpu.region"() ({
      %run_scoped3A = tpu.sem_alloc : memref<!tpu.dma_semaphore, #tpu.memory_space<semaphore_mem>>
      %dma_start3A = arith.constant 0 : i32
      %dma_start3A_35 = tpu.memref_slice %arg5[%arg0, %add3A_34, %dma_start3A] : memref<2x10240x128xf32, #tpu.memory_space<hbm>> -> memref<1x128x128xf32, #tpu.memory_space<hbm>>
      %dma_start3A_36 = tpu.memref_squeeze %dma_start3A_35 : memref<1x128x128xf32, #tpu.memory_space<hbm>> -> memref<128x128xf32, #tpu.memory_space<hbm>>
      %dma_start3A_37 = arith.constant 0 : i32
      %dma_start3A_38 = tpu.memref_slice %arg9[%add3A_34, %dma_start3A_37] : memref<10240x128xf32, #tpu.memory_space<vmem_shared>> -> memref<128x128xf32, #tpu.memory_space<vmem_shared>>
      tpu.enqueue_dma source(%dma_start3A_38 : memref<128x128xf32, #tpu.memory_space<vmem_shared>>) target(%dma_start3A_36 : memref<128x128xf32, #tpu.memory_space<hbm>>) target_semaphore(%run_scoped3A : memref<!tpu.dma_semaphore, #tpu.memory_space<semaphore_mem>>)
      %dma_wait3A = arith.constant 0 : i32
      %dma_wait3A_39 = tpu.memref_slice %arg5[%arg0, %add3A_34, %dma_wait3A] : memref<2x10240x128xf32, #tpu.memory_space<hbm>> -> memref<1x128x128xf32, #tpu.memory_space<hbm>>
      %dma_wait3A_40 = tpu.memref_squeeze %dma_wait3A_39 : memref<1x128x128xf32, #tpu.memory_space<hbm>> -> memref<128x128xf32, #tpu.memory_space<hbm>>
      %dma_wait3A_41 = arith.constant 0 : i32
      %dma_wait3A_42 = tpu.memref_slice %arg9[%add3A_34, %dma_wait3A_41] : memref<10240x128xf32, #tpu.memory_space<vmem_shared>> -> memref<128x128xf32, #tpu.memory_space<vmem_shared>>
      tpu.wait_dma2 semaphore(%run_scoped3A : memref<!tpu.dma_semaphore, #tpu.memory_space<semaphore_mem>>) src(%dma_wait3A_42 : memref<128x128xf32, #tpu.memory_space<vmem_shared>>) dst(%dma_wait3A_40 : memref<128x128xf32, #tpu.memory_space<hbm>>)
      tpu.yield
    }) : () -> ()
    return
  }
}

#map = affine_map<(d0, d1) -> (0, 0, 0)>
#map1 = affine_map<(d0, d1) -> (0, 0)>
module attributes {stable_mosaic.version = 14 : i64} {
  func.func @k(%arg0: i32, %arg1: i32, %arg2: memref<32x80x125xi32, #tpu.memory_space<hbm>>, %arg3: memref<2x10240xf32, #tpu.memory_space<hbm>>, %arg4: memref<80x125xi32, #tpu.memory_space<vmem>>, %arg5: memref<128xf32, #tpu.memory_space<vmem>>, %arg6: memref<128xf32, #tpu.memory_space<vmem>>, %arg7: memref<10240xf32, #tpu.memory_space<vmem_shared>>) attributes {dimension_semantics = [#tpu.dimension_semantics<core_parallel>, #tpu.dimension_semantics<subcore_parallel>], iteration_bounds = array<i64: 2, 16>, scalar_prefetch = 0 : i64, scratch_operands = 4 : i64, tpu.core_type = #tpu.core_type<sc_vector_subcore>, window_params = [{transform_indices = #map}, {transform_indices = #map1}]} {
    %mul3A = arith.constant 16 : i32
    %mul3A_0 = arith.muli %arg0, %mul3A : i32
    %add3A = arith.addi %mul3A_0, %arg1 : i32
    %broadcast_in_dim3A = arith.constant 1.000000e+00 : f32
    %broadcast_in_dim3A_1 = vector.broadcast %broadcast_in_dim3A : f32 to vector<16xf32>
    %swap3A = arith.constant 0 : index
    %swap3A_2 = tpu.vector_load %arg5[%swap3A] {strides = array<i32>} : memref<128xf32, #tpu.memory_space<vmem>>, vector<16xf32>,
    %swap3A_3 = vector.shape_cast %swap3A_2 : vector<16xf32> to vector<16xf32>
    %swap3A_4 = vector.shape_cast %broadcast_in_dim3A_1 : vector<16xf32> to vector<16xf32>
    tpu.vector_store %arg5[%swap3A], %swap3A_4 {strides = array<i32>} : memref<128xf32, #tpu.memory_space<vmem>>, vector<16xf32>,
    %broadcast_in_dim3A_5 = arith.constant 0.000000e+00 : f32
    %broadcast_in_dim3A_6 = vector.broadcast %broadcast_in_dim3A_5 : f32 to vector<16xf32>
    %swap3A_7 = arith.constant 0 : index
    %swap3A_8 = tpu.vector_load %arg6[%swap3A_7] {strides = array<i32>} : memref<128xf32, #tpu.memory_space<vmem>>, vector<16xf32>,
    %swap3A_9 = vector.shape_cast %swap3A_8 : vector<16xf32> to vector<16xf32>
    %swap3A_10 = vector.shape_cast %broadcast_in_dim3A_6 : vector<16xf32> to vector<16xf32>
    tpu.vector_store %arg6[%swap3A_7], %swap3A_10 {strides = array<i32>} : memref<128xf32, #tpu.memory_space<vmem>>, vector<16xf32>,
    %broadcast_in_dim3A_11 = arith.constant 1.000000e+00 : f32
    %broadcast_in_dim3A_12 = vector.broadcast %broadcast_in_dim3A_11 : f32 to vector<16xf32>
    %swap3A_13 = arith.constant 16 : index
    %swap3A_14 = tpu.vector_load %arg5[%swap3A_13] {strides = array<i32>} : memref<128xf32, #tpu.memory_space<vmem>>, vector<16xf32>,
    %swap3A_15 = vector.shape_cast %swap3A_14 : vector<16xf32> to vector<16xf32>
    %swap3A_16 = vector.shape_cast %broadcast_in_dim3A_12 : vector<16xf32> to vector<16xf32>
    tpu.vector_store %arg5[%swap3A_13], %swap3A_16 {strides = array<i32>} : memref<128xf32, #tpu.memory_space<vmem>>, vector<16xf32>,
    %broadcast_in_dim3A_17 = arith.constant 0.000000e+00 : f32
    %broadcast_in_dim3A_18 = vector.broadcast %broadcast_in_dim3A_17 : f32 to vector<16xf32>
    %swap3A_19 = arith.constant 16 : index
    %swap3A_20 = tpu.vector_load %arg6[%swap3A_19] {strides = array<i32>} : memref<128xf32, #tpu.memory_space<vmem>>, vector<16xf32>,
    %swap3A_21 = vector.shape_cast %swap3A_20 : vector<16xf32> to vector<16xf32>
    %swap3A_22 = vector.shape_cast %broadcast_in_dim3A_18 : vector<16xf32> to vector<16xf32>
    tpu.vector_store %arg6[%swap3A_19], %swap3A_22 {strides = array<i32>} : memref<128xf32, #tpu.memory_space<vmem>>, vector<16xf32>,
    %broadcast_in_dim3A_23 = arith.constant 1.000000e+00 : f32
    %broadcast_in_dim3A_24 = vector.broadcast %broadcast_in_dim3A_23 : f32 to vector<16xf32>
    %swap3A_25 = arith.constant 32 : index
    %swap3A_26 = tpu.vector_load %arg5[%swap3A_25] {strides = array<i32>} : memref<128xf32, #tpu.memory_space<vmem>>, vector<16xf32>,
    %swap3A_27 = vector.shape_cast %swap3A_26 : vector<16xf32> to vector<16xf32>
    %swap3A_28 = vector.shape_cast %broadcast_in_dim3A_24 : vector<16xf32> to vector<16xf32>
    tpu.vector_store %arg5[%swap3A_25], %swap3A_28 {strides = array<i32>} : memref<128xf32, #tpu.memory_space<vmem>>, vector<16xf32>,
    %broadcast_in_dim3A_29 = arith.constant 0.000000e+00 : f32
    %broadcast_in_dim3A_30 = vector.broadcast %broadcast_in_dim3A_29 : f32 to vector<16xf32>
    %swap3A_31 = arith.constant 32 : index
    %swap3A_32 = tpu.vector_load %arg6[%swap3A_31] {strides = array<i32>} : memref<128xf32, #tpu.memory_space<vmem>>, vector<16xf32>,
    %swap3A_33 = vector.shape_cast %swap3A_32 : vector<16xf32> to vector<16xf32>
    %swap3A_34 = vector.shape_cast %broadcast_in_dim3A_30 : vector<16xf32> to vector<16xf32>
    tpu.vector_store %arg6[%swap3A_31], %swap3A_34 {strides = array<i32>} : memref<128xf32, #tpu.memory_space<vmem>>, vector<16xf32>,
    %broadcast_in_dim3A_35 = arith.constant 1.000000e+00 : f32
    %broadcast_in_dim3A_36 = vector.broadcast %broadcast_in_dim3A_35 : f32 to vector<16xf32>
    %swap3A_37 = arith.constant 48 : index
    %swap3A_38 = tpu.vector_load %arg5[%swap3A_37] {strides = array<i32>} : memref<128xf32, #tpu.memory_space<vmem>>, vector<16xf32>,
    %swap3A_39 = vector.shape_cast %swap3A_38 : vector<16xf32> to vector<16xf32>
    %swap3A_40 = vector.shape_cast %broadcast_in_dim3A_36 : vector<16xf32> to vector<16xf32>
    tpu.vector_store %arg5[%swap3A_37], %swap3A_40 {strides = array<i32>} : memref<128xf32, #tpu.memory_space<vmem>>, vector<16xf32>,
    %broadcast_in_dim3A_41 = arith.constant 0.000000e+00 : f32
    %broadcast_in_dim3A_42 = vector.broadcast %broadcast_in_dim3A_41 : f32 to vector<16xf32>
    %swap3A_43 = arith.constant 48 : index
    %swap3A_44 = tpu.vector_load %arg6[%swap3A_43] {strides = array<i32>} : memref<128xf32, #tpu.memory_space<vmem>>, vector<16xf32>,
    %swap3A_45 = vector.shape_cast %swap3A_44 : vector<16xf32> to vector<16xf32>
    %swap3A_46 = vector.shape_cast %broadcast_in_dim3A_42 : vector<16xf32> to vector<16xf32>
    tpu.vector_store %arg6[%swap3A_43], %swap3A_46 {strides = array<i32>} : memref<128xf32, #tpu.memory_space<vmem>>, vector<16xf32>,
    %broadcast_in_dim3A_47 = arith.constant 1.000000e+00 : f32
    %broadcast_in_dim3A_48 = vector.broadcast %broadcast_in_dim3A_47 : f32 to vector<16xf32>
    %swap3A_49 = arith.constant 64 : index
    %swap3A_50 = tpu.vector_load %arg5[%swap3A_49] {strides = array<i32>} : memref<128xf32, #tpu.memory_space<vmem>>, vector<16xf32>,
    %swap3A_51 = vector.shape_cast %swap3A_50 : vector<16xf32> to vector<16xf32>
    %swap3A_52 = vector.shape_cast %broadcast_in_dim3A_48 : vector<16xf32> to vector<16xf32>
    tpu.vector_store %arg5[%swap3A_49], %swap3A_52 {strides = array<i32>} : memref<128xf32, #tpu.memory_space<vmem>>, vector<16xf32>,
    %broadcast_in_dim3A_53 = arith.constant 0.000000e+00 : f32
    %broadcast_in_dim3A_54 = vector.broadcast %broadcast_in_dim3A_53 : f32 to vector<16xf32>
    %swap3A_55 = arith.constant 64 : index
    %swap3A_56 = tpu.vector_load %arg6[%swap3A_55] {strides = array<i32>} : memref<128xf32, #tpu.memory_space<vmem>>, vector<16xf32>,
    %swap3A_57 = vector.shape_cast %swap3A_56 : vector<16xf32> to vector<16xf32>
    %swap3A_58 = vector.shape_cast %broadcast_in_dim3A_54 : vector<16xf32> to vector<16xf32>
    tpu.vector_store %arg6[%swap3A_55], %swap3A_58 {strides = array<i32>} : memref<128xf32, #tpu.memory_space<vmem>>, vector<16xf32>,
    %broadcast_in_dim3A_59 = arith.constant 1.000000e+00 : f32
    %broadcast_in_dim3A_60 = vector.broadcast %broadcast_in_dim3A_59 : f32 to vector<16xf32>
    %swap3A_61 = arith.constant 80 : index
    %swap3A_62 = tpu.vector_load %arg5[%swap3A_61] {strides = array<i32>} : memref<128xf32, #tpu.memory_space<vmem>>, vector<16xf32>,
    %swap3A_63 = vector.shape_cast %swap3A_62 : vector<16xf32> to vector<16xf32>
    %swap3A_64 = vector.shape_cast %broadcast_in_dim3A_60 : vector<16xf32> to vector<16xf32>
    tpu.vector_store %arg5[%swap3A_61], %swap3A_64 {strides = array<i32>} : memref<128xf32, #tpu.memory_space<vmem>>, vector<16xf32>,
    %broadcast_in_dim3A_65 = arith.constant 0.000000e+00 : f32
    %broadcast_in_dim3A_66 = vector.broadcast %broadcast_in_dim3A_65 : f32 to vector<16xf32>
    %swap3A_67 = arith.constant 80 : index
    %swap3A_68 = tpu.vector_load %arg6[%swap3A_67] {strides = array<i32>} : memref<128xf32, #tpu.memory_space<vmem>>, vector<16xf32>,
    %swap3A_69 = vector.shape_cast %swap3A_68 : vector<16xf32> to vector<16xf32>
    %swap3A_70 = vector.shape_cast %broadcast_in_dim3A_66 : vector<16xf32> to vector<16xf32>
    tpu.vector_store %arg6[%swap3A_67], %swap3A_70 {strides = array<i32>} : memref<128xf32, #tpu.memory_space<vmem>>, vector<16xf32>,
    %broadcast_in_dim3A_71 = arith.constant 1.000000e+00 : f32
    %broadcast_in_dim3A_72 = vector.broadcast %broadcast_in_dim3A_71 : f32 to vector<16xf32>
    %swap3A_73 = arith.constant 96 : index
    %swap3A_74 = tpu.vector_load %arg5[%swap3A_73] {strides = array<i32>} : memref<128xf32, #tpu.memory_space<vmem>>, vector<16xf32>,
    %swap3A_75 = vector.shape_cast %swap3A_74 : vector<16xf32> to vector<16xf32>
    %swap3A_76 = vector.shape_cast %broadcast_in_dim3A_72 : vector<16xf32> to vector<16xf32>
    tpu.vector_store %arg5[%swap3A_73], %swap3A_76 {strides = array<i32>} : memref<128xf32, #tpu.memory_space<vmem>>, vector<16xf32>,
    %broadcast_in_dim3A_77 = arith.constant 0.000000e+00 : f32
    %broadcast_in_dim3A_78 = vector.broadcast %broadcast_in_dim3A_77 : f32 to vector<16xf32>
    %swap3A_79 = arith.constant 96 : index
    %swap3A_80 = tpu.vector_load %arg6[%swap3A_79] {strides = array<i32>} : memref<128xf32, #tpu.memory_space<vmem>>, vector<16xf32>,
    %swap3A_81 = vector.shape_cast %swap3A_80 : vector<16xf32> to vector<16xf32>
    %swap3A_82 = vector.shape_cast %broadcast_in_dim3A_78 : vector<16xf32> to vector<16xf32>
    tpu.vector_store %arg6[%swap3A_79], %swap3A_82 {strides = array<i32>} : memref<128xf32, #tpu.memory_space<vmem>>, vector<16xf32>,
    %broadcast_in_dim3A_83 = arith.constant 1.000000e+00 : f32
    %broadcast_in_dim3A_84 = vector.broadcast %broadcast_in_dim3A_83 : f32 to vector<16xf32>
    %swap3A_85 = arith.constant 112 : index
    %swap3A_86 = tpu.vector_load %arg5[%swap3A_85] {strides = array<i32>} : memref<128xf32, #tpu.memory_space<vmem>>, vector<16xf32>,
    %swap3A_87 = vector.shape_cast %swap3A_86 : vector<16xf32> to vector<16xf32>
    %swap3A_88 = vector.shape_cast %broadcast_in_dim3A_84 : vector<16xf32> to vector<16xf32>
    tpu.vector_store %arg5[%swap3A_85], %swap3A_88 {strides = array<i32>} : memref<128xf32, #tpu.memory_space<vmem>>, vector<16xf32>,
    %broadcast_in_dim3A_89 = arith.constant 0.000000e+00 : f32
    %broadcast_in_dim3A_90 = vector.broadcast %broadcast_in_dim3A_89 : f32 to vector<16xf32>
    %swap3A_91 = arith.constant 112 : index
    %swap3A_92 = tpu.vector_load %arg6[%swap3A_91] {strides = array<i32>} : memref<128xf32, #tpu.memory_space<vmem>>, vector<16xf32>,
    %swap3A_93 = vector.shape_cast %swap3A_92 : vector<16xf32> to vector<16xf32>
    %swap3A_94 = vector.shape_cast %broadcast_in_dim3A_90 : vector<16xf32> to vector<16xf32>
    tpu.vector_store %arg6[%swap3A_91], %swap3A_94 {strides = array<i32>} : memref<128xf32, #tpu.memory_space<vmem>>, vector<16xf32>,
    %mul3A_95 = arith.constant 640 : i32
    %mul3A_96 = arith.muli %arg1, %mul3A_95 : i32
    %add3A_97 = arith.constant 0 : i32
    %add3A_98 = arith.addi %mul3A_96, %add3A_97 : i32
    "tpu.region"() ({
      %run_scoped3A = tpu.sem_alloc : memref<!tpu.dma_semaphore, #tpu.memory_space<semaphore_mem>>
      %dma_start3A = tpu.memref_slice %arg7[%add3A_98] : memref<10240xf32, #tpu.memory_space<vmem_shared>> -> memref<128xf32, #tpu.memory_space<vmem_shared>>
      %dma_start3A_123 = tpu.memref_slice %arg7[%add3A_98] : memref<10240xf32, #tpu.memory_space<vmem_shared>> -> memref<128xf32, #tpu.memory_space<vmem_shared>>
      tpu.enqueue_dma source(%arg6 : memref<128xf32, #tpu.memory_space<vmem>>) target(%dma_start3A_123 : memref<128xf32, #tpu.memory_space<vmem_shared>>) target_semaphore(%run_scoped3A : memref<!tpu.dma_semaphore, #tpu.memory_space<semaphore_mem>>)
      %dma_wait3A = tpu.memref_slice %arg7[%add3A_98] : memref<10240xf32, #tpu.memory_space<vmem_shared>> -> memref<128xf32, #tpu.memory_space<vmem_shared>>
      %dma_wait3A_124 = tpu.memref_slice %arg7[%add3A_98] : memref<10240xf32, #tpu.memory_space<vmem_shared>> -> memref<128xf32, #tpu.memory_space<vmem_shared>>
      tpu.wait_dma2 semaphore(%run_scoped3A : memref<!tpu.dma_semaphore, #tpu.memory_space<semaphore_mem>>) src(%arg6 : memref<128xf32, #tpu.memory_space<vmem>>) dst(%dma_wait3A_124 : memref<128xf32, #tpu.memory_space<vmem_shared>>)
      tpu.yield
    }) : () -> ()
    %add3A_99 = arith.constant 128 : i32
    %add3A_100 = arith.addi %mul3A_96, %add3A_99 : i32
    "tpu.region"() ({
      %run_scoped3A = tpu.sem_alloc : memref<!tpu.dma_semaphore, #tpu.memory_space<semaphore_mem>>
      %dma_start3A = tpu.memref_slice %arg7[%add3A_100] : memref<10240xf32, #tpu.memory_space<vmem_shared>> -> memref<128xf32, #tpu.memory_space<vmem_shared>>
      %dma_start3A_123 = tpu.memref_slice %arg7[%add3A_100] : memref<10240xf32, #tpu.memory_space<vmem_shared>> -> memref<128xf32, #tpu.memory_space<vmem_shared>>
      tpu.enqueue_dma source(%arg6 : memref<128xf32, #tpu.memory_space<vmem>>) target(%dma_start3A_123 : memref<128xf32, #tpu.memory_space<vmem_shared>>) target_semaphore(%run_scoped3A : memref<!tpu.dma_semaphore, #tpu.memory_space<semaphore_mem>>)
      %dma_wait3A = tpu.memref_slice %arg7[%add3A_100] : memref<10240xf32, #tpu.memory_space<vmem_shared>> -> memref<128xf32, #tpu.memory_space<vmem_shared>>
      %dma_wait3A_124 = tpu.memref_slice %arg7[%add3A_100] : memref<10240xf32, #tpu.memory_space<vmem_shared>> -> memref<128xf32, #tpu.memory_space<vmem_shared>>
      tpu.wait_dma2 semaphore(%run_scoped3A : memref<!tpu.dma_semaphore, #tpu.memory_space<semaphore_mem>>) src(%arg6 : memref<128xf32, #tpu.memory_space<vmem>>) dst(%dma_wait3A_124 : memref<128xf32, #tpu.memory_space<vmem_shared>>)
      tpu.yield
    }) : () -> ()
    %add3A_101 = arith.constant 256 : i32
    %add3A_102 = arith.addi %mul3A_96, %add3A_101 : i32
    "tpu.region"() ({
      %run_scoped3A = tpu.sem_alloc : memref<!tpu.dma_semaphore, #tpu.memory_space<semaphore_mem>>
      %dma_start3A = tpu.memref_slice %arg7[%add3A_102] : memref<10240xf32, #tpu.memory_space<vmem_shared>> -> memref<128xf32, #tpu.memory_space<vmem_shared>>
      %dma_start3A_123 = tpu.memref_slice %arg7[%add3A_102] : memref<10240xf32, #tpu.memory_space<vmem_shared>> -> memref<128xf32, #tpu.memory_space<vmem_shared>>
      tpu.enqueue_dma source(%arg6 : memref<128xf32, #tpu.memory_space<vmem>>) target(%dma_start3A_123 : memref<128xf32, #tpu.memory_space<vmem_shared>>) target_semaphore(%run_scoped3A : memref<!tpu.dma_semaphore, #tpu.memory_space<semaphore_mem>>)
      %dma_wait3A = tpu.memref_slice %arg7[%add3A_102] : memref<10240xf32, #tpu.memory_space<vmem_shared>> -> memref<128xf32, #tpu.memory_space<vmem_shared>>
      %dma_wait3A_124 = tpu.memref_slice %arg7[%add3A_102] : memref<10240xf32, #tpu.memory_space<vmem_shared>> -> memref<128xf32, #tpu.memory_space<vmem_shared>>
      tpu.wait_dma2 semaphore(%run_scoped3A : memref<!tpu.dma_semaphore, #tpu.memory_space<semaphore_mem>>) src(%arg6 : memref<128xf32, #tpu.memory_space<vmem>>) dst(%dma_wait3A_124 : memref<128xf32, #tpu.memory_space<vmem_shared>>)
      tpu.yield
    }) : () -> ()
    %add3A_103 = arith.constant 384 : i32
    %add3A_104 = arith.addi %mul3A_96, %add3A_103 : i32
    "tpu.region"() ({
      %run_scoped3A = tpu.sem_alloc : memref<!tpu.dma_semaphore, #tpu.memory_space<semaphore_mem>>
      %dma_start3A = tpu.memref_slice %arg7[%add3A_104] : memref<10240xf32, #tpu.memory_space<vmem_shared>> -> memref<128xf32, #tpu.memory_space<vmem_shared>>
      %dma_start3A_123 = tpu.memref_slice %arg7[%add3A_104] : memref<10240xf32, #tpu.memory_space<vmem_shared>> -> memref<128xf32, #tpu.memory_space<vmem_shared>>
      tpu.enqueue_dma source(%arg6 : memref<128xf32, #tpu.memory_space<vmem>>) target(%dma_start3A_123 : memref<128xf32, #tpu.memory_space<vmem_shared>>) target_semaphore(%run_scoped3A : memref<!tpu.dma_semaphore, #tpu.memory_space<semaphore_mem>>)
      %dma_wait3A = tpu.memref_slice %arg7[%add3A_104] : memref<10240xf32, #tpu.memory_space<vmem_shared>> -> memref<128xf32, #tpu.memory_space<vmem_shared>>
      %dma_wait3A_124 = tpu.memref_slice %arg7[%add3A_104] : memref<10240xf32, #tpu.memory_space<vmem_shared>> -> memref<128xf32, #tpu.memory_space<vmem_shared>>
      tpu.wait_dma2 semaphore(%run_scoped3A : memref<!tpu.dma_semaphore, #tpu.memory_space<semaphore_mem>>) src(%arg6 : memref<128xf32, #tpu.memory_space<vmem>>) dst(%dma_wait3A_124 : memref<128xf32, #tpu.memory_space<vmem_shared>>)
      tpu.yield
    }) : () -> ()
    %add3A_105 = arith.constant 512 : i32
    %add3A_106 = arith.addi %mul3A_96, %add3A_105 : i32
    "tpu.region"() ({
      %run_scoped3A = tpu.sem_alloc : memref<!tpu.dma_semaphore, #tpu.memory_space<semaphore_mem>>
      %dma_start3A = tpu.memref_slice %arg7[%add3A_106] : memref<10240xf32, #tpu.memory_space<vmem_shared>> -> memref<128xf32, #tpu.memory_space<vmem_shared>>
      %dma_start3A_123 = tpu.memref_slice %arg7[%add3A_106] : memref<10240xf32, #tpu.memory_space<vmem_shared>> -> memref<128xf32, #tpu.memory_space<vmem_shared>>
      tpu.enqueue_dma source(%arg6 : memref<128xf32, #tpu.memory_space<vmem>>) target(%dma_start3A_123 : memref<128xf32, #tpu.memory_space<vmem_shared>>) target_semaphore(%run_scoped3A : memref<!tpu.dma_semaphore, #tpu.memory_space<semaphore_mem>>)
      %dma_wait3A = tpu.memref_slice %arg7[%add3A_106] : memref<10240xf32, #tpu.memory_space<vmem_shared>> -> memref<128xf32, #tpu.memory_space<vmem_shared>>
      %dma_wait3A_124 = tpu.memref_slice %arg7[%add3A_106] : memref<10240xf32, #tpu.memory_space<vmem_shared>> -> memref<128xf32, #tpu.memory_space<vmem_shared>>
      tpu.wait_dma2 semaphore(%run_scoped3A : memref<!tpu.dma_semaphore, #tpu.memory_space<semaphore_mem>>) src(%arg6 : memref<128xf32, #tpu.memory_space<vmem>>) dst(%dma_wait3A_124 : memref<128xf32, #tpu.memory_space<vmem_shared>>)
      tpu.yield
    }) : () -> ()
    %barrier3A = arith.constant 0 : index
    tpu.barrier barrier_id(%barrier3A)
    "tpu.region"() ({
      %run_scoped3A = tpu.sem_alloc : memref<!tpu.dma_semaphore, #tpu.memory_space<semaphore_mem>>
      %dma_start3A = arith.constant 0 : i32
      %dma_start3A_123 = arith.constant 0 : i32
      %dma_start3A_124 = tpu.memref_slice %arg2[%add3A, %dma_start3A, %dma_start3A_123] : memref<32x80x125xi32, #tpu.memory_space<hbm>> -> memref<1x80x125xi32, #tpu.memory_space<hbm>>
      %dma_start3A_125 = tpu.memref_squeeze %dma_start3A_124 : memref<1x80x125xi32, #tpu.memory_space<hbm>> -> memref<80x125xi32, #tpu.memory_space<hbm>>
      %dma_start3A_126 = arith.constant 0 : i32
      %dma_start3A_127 = arith.constant 0 : i32
      %dma_start3A_128 = tpu.memref_slice %arg2[%add3A, %dma_start3A_126, %dma_start3A_127] : memref<32x80x125xi32, #tpu.memory_space<hbm>> -> memref<1x80x125xi32, #tpu.memory_space<hbm>>
      %dma_start3A_129 = tpu.memref_squeeze %dma_start3A_128 : memref<1x80x125xi32, #tpu.memory_space<hbm>> -> memref<80x125xi32, #tpu.memory_space<hbm>>
      tpu.enqueue_dma source(%dma_start3A_129 : memref<80x125xi32, #tpu.memory_space<hbm>>) target(%arg4 : memref<80x125xi32, #tpu.memory_space<vmem>>) target_semaphore(%run_scoped3A : memref<!tpu.dma_semaphore, #tpu.memory_space<semaphore_mem>>)
      %dma_wait3A = arith.constant 0 : i32
      %dma_wait3A_130 = arith.constant 0 : i32
      %dma_wait3A_131 = tpu.memref_slice %arg2[%add3A, %dma_wait3A, %dma_wait3A_130] : memref<32x80x125xi32, #tpu.memory_space<hbm>> -> memref<1x80x125xi32, #tpu.memory_space<hbm>>
      %dma_wait3A_132 = tpu.memref_squeeze %dma_wait3A_131 : memref<1x80x125xi32, #tpu.memory_space<hbm>> -> memref<80x125xi32, #tpu.memory_space<hbm>>
      %dma_wait3A_133 = arith.constant 0 : i32
      %dma_wait3A_134 = arith.constant 0 : i32
      %dma_wait3A_135 = tpu.memref_slice %arg2[%add3A, %dma_wait3A_133, %dma_wait3A_134] : memref<32x80x125xi32, #tpu.memory_space<hbm>> -> memref<1x80x125xi32, #tpu.memory_space<hbm>>
      %dma_wait3A_136 = tpu.memref_squeeze %dma_wait3A_135 : memref<1x80x125xi32, #tpu.memory_space<hbm>> -> memref<80x125xi32, #tpu.memory_space<hbm>>
      tpu.wait_dma2 semaphore(%run_scoped3A : memref<!tpu.dma_semaphore, #tpu.memory_space<semaphore_mem>>) src(%dma_wait3A_136 : memref<80x125xi32, #tpu.memory_space<hbm>>) dst(%arg4 : memref<80x125xi32, #tpu.memory_space<vmem>>)
      tpu.yield
    }) : () -> ()
    %scan3A = arith.constant 0 : i32
    %scan3A_107 = arith.constant 0 : i32
    %scan3A_108 = arith.constant 80 : i32
    %scan3A_109 = arith.addi %scan3A_107, %scan3A_108 : i32
    %scan3A_110 = arith.constant 1 : i32
    scf.for %scan3A_123 = %scan3A_107 to %scan3A_109 step %scan3A_110  : i32 {
      "tpu.region"() ({
        %run_scoped3A = tpu.sem_alloc : memref<!tpu.dma_semaphore, #tpu.memory_space<semaphore_mem>>
        %dma_start3A = arith.constant 0 : i32
        %dma_start3A_124 = tpu.memref_slice %arg5[%dma_start3A] : memref<128xf32, #tpu.memory_space<vmem>> -> memref<125xf32, #tpu.memory_space<vmem>>
        %dma_start3A_125 = arith.constant 0 : i32
        %dma_start3A_126 = tpu.memref_slice %arg4[%scan3A_123, %dma_start3A_125] : memref<80x125xi32, #tpu.memory_space<vmem>> -> memref<1x125xi32, #tpu.memory_space<vmem>>
        %dma_start3A_127 = tpu.memref_squeeze %dma_start3A_126 : memref<1x125xi32, #tpu.memory_space<vmem>> -> memref<125xi32, #tpu.memory_space<vmem>>
        %dma_start3A_128 = arith.constant 0 : i32
        %dma_start3A_129 = tpu.memref_slice %arg7[%dma_start3A_128] : memref<10240xf32, #tpu.memory_space<vmem_shared>> -> memref<10240xf32, #tpu.memory_space<vmem_shared>>
        tpu.enqueue_indirect_dma source(%dma_start3A_124 : memref<125xf32, #tpu.memory_space<vmem>>) target(%dma_start3A_129 : memref<10240xf32, #tpu.memory_space<vmem_shared>>) offsets(%dma_start3A_127 : memref<125xi32, #tpu.memory_space<vmem>>) semaphore(%run_scoped3A : memref<!tpu.dma_semaphore, #tpu.memory_space<semaphore_mem>>) {add = true}
        %dma_wait3A = arith.constant 0 : i32
        %dma_wait3A_130 = tpu.memref_slice %arg5[%dma_wait3A] : memref<128xf32, #tpu.memory_space<vmem>> -> memref<125xf32, #tpu.memory_space<vmem>>
        %dma_wait3A_131 = arith.constant 0 : i32
        %dma_wait3A_132 = tpu.memref_slice %arg4[%scan3A_123, %dma_wait3A_131] : memref<80x125xi32, #tpu.memory_space<vmem>> -> memref<1x125xi32, #tpu.memory_space<vmem>>
        %dma_wait3A_133 = tpu.memref_squeeze %dma_wait3A_132 : memref<1x125xi32, #tpu.memory_space<vmem>> -> memref<125xi32, #tpu.memory_space<vmem>>
        %dma_wait3A_134 = arith.constant 0 : i32
        %dma_wait3A_135 = tpu.memref_slice %arg7[%dma_wait3A_134] : memref<10240xf32, #tpu.memory_space<vmem_shared>> -> memref<10240xf32, #tpu.memory_space<vmem_shared>>
        tpu.wait_indirect_dma semaphore(%run_scoped3A : memref<!tpu.dma_semaphore, #tpu.memory_space<semaphore_mem>>) src(%dma_wait3A_130 : memref<125xf32, #tpu.memory_space<vmem>>) dst(%dma_wait3A_135 : memref<10240xf32, #tpu.memory_space<vmem_shared>>)
        tpu.yield
      }) : () -> ()
    }
    %scan3A_111 = arith.constant 80 : i32
    %barrier3A_112 = arith.constant 0 : index
    tpu.barrier barrier_id(%barrier3A_112)
    %add3A_113 = arith.constant 0 : i32
    %add3A_114 = arith.addi %mul3A_96, %add3A_113 : i32
    "tpu.region"() ({
      %run_scoped3A = tpu.sem_alloc : memref<!tpu.dma_semaphore, #tpu.memory_space<semaphore_mem>>
      %dma_start3A = tpu.memref_slice %arg3[%arg0, %add3A_114] : memref<2x10240xf32, #tpu.memory_space<hbm>> -> memref<1x128xf32, #tpu.memory_space<hbm>>
      %dma_start3A_123 = tpu.memref_squeeze %dma_start3A : memref<1x128xf32, #tpu.memory_space<hbm>> -> memref<128xf32, #tpu.memory_space<hbm>>
      %dma_start3A_124 = tpu.memref_slice %arg7[%add3A_114] : memref<10240xf32, #tpu.memory_space<vmem_shared>> -> memref<128xf32, #tpu.memory_space<vmem_shared>>
      tpu.enqueue_dma source(%dma_start3A_124 : memref<128xf32, #tpu.memory_space<vmem_shared>>) target(%dma_start3A_123 : memref<128xf32, #tpu.memory_space<hbm>>) target_semaphore(%run_scoped3A : memref<!tpu.dma_semaphore, #tpu.memory_space<semaphore_mem>>)
      %dma_wait3A = tpu.memref_slice %arg3[%arg0, %add3A_114] : memref<2x10240xf32, #tpu.memory_space<hbm>> -> memref<1x128xf32, #tpu.memory_space<hbm>>
      %dma_wait3A_125 = tpu.memref_squeeze %dma_wait3A : memref<1x128xf32, #tpu.memory_space<hbm>> -> memref<128xf32, #tpu.memory_space<hbm>>
      %dma_wait3A_126 = tpu.memref_slice %arg7[%add3A_114] : memref<10240xf32, #tpu.memory_space<vmem_shared>> -> memref<128xf32, #tpu.memory_space<vmem_shared>>
      tpu.wait_dma2 semaphore(%run_scoped3A : memref<!tpu.dma_semaphore, #tpu.memory_space<semaphore_mem>>) src(%dma_wait3A_126 : memref<128xf32, #tpu.memory_space<vmem_shared>>) dst(%dma_wait3A_125 : memref<128xf32, #tpu.memory_space<hbm>>)
      tpu.yield
    }) : () -> ()
    %add3A_115 = arith.constant 128 : i32
    %add3A_116 = arith.addi %mul3A_96, %add3A_115 : i32
    "tpu.region"() ({
      %run_scoped3A = tpu.sem_alloc : memref<!tpu.dma_semaphore, #tpu.memory_space<semaphore_mem>>
      %dma_start3A = tpu.memref_slice %arg3[%arg0, %add3A_116] : memref<2x10240xf32, #tpu.memory_space<hbm>> -> memref<1x128xf32, #tpu.memory_space<hbm>>
      %dma_start3A_123 = tpu.memref_squeeze %dma_start3A : memref<1x128xf32, #tpu.memory_space<hbm>> -> memref<128xf32, #tpu.memory_space<hbm>>
      %dma_start3A_124 = tpu.memref_slice %arg7[%add3A_116] : memref<10240xf32, #tpu.memory_space<vmem_shared>> -> memref<128xf32, #tpu.memory_space<vmem_shared>>
      tpu.enqueue_dma source(%dma_start3A_124 : memref<128xf32, #tpu.memory_space<vmem_shared>>) target(%dma_start3A_123 : memref<128xf32, #tpu.memory_space<hbm>>) target_semaphore(%run_scoped3A : memref<!tpu.dma_semaphore, #tpu.memory_space<semaphore_mem>>)
      %dma_wait3A = tpu.memref_slice %arg3[%arg0, %add3A_116] : memref<2x10240xf32, #tpu.memory_space<hbm>> -> memref<1x128xf32, #tpu.memory_space<hbm>>
      %dma_wait3A_125 = tpu.memref_squeeze %dma_wait3A : memref<1x128xf32, #tpu.memory_space<hbm>> -> memref<128xf32, #tpu.memory_space<hbm>>
      %dma_wait3A_126 = tpu.memref_slice %arg7[%add3A_116] : memref<10240xf32, #tpu.memory_space<vmem_shared>> -> memref<128xf32, #tpu.memory_space<vmem_shared>>
      tpu.wait_dma2 semaphore(%run_scoped3A : memref<!tpu.dma_semaphore, #tpu.memory_space<semaphore_mem>>) src(%dma_wait3A_126 : memref<128xf32, #tpu.memory_space<vmem_shared>>) dst(%dma_wait3A_125 : memref<128xf32, #tpu.memory_space<hbm>>)
      tpu.yield
    }) : () -> ()
    %add3A_117 = arith.constant 256 : i32
    %add3A_118 = arith.addi %mul3A_96, %add3A_117 : i32
    "tpu.region"() ({
      %run_scoped3A = tpu.sem_alloc : memref<!tpu.dma_semaphore, #tpu.memory_space<semaphore_mem>>
      %dma_start3A = tpu.memref_slice %arg3[%arg0, %add3A_118] : memref<2x10240xf32, #tpu.memory_space<hbm>> -> memref<1x128xf32, #tpu.memory_space<hbm>>
      %dma_start3A_123 = tpu.memref_squeeze %dma_start3A : memref<1x128xf32, #tpu.memory_space<hbm>> -> memref<128xf32, #tpu.memory_space<hbm>>
      %dma_start3A_124 = tpu.memref_slice %arg7[%add3A_118] : memref<10240xf32, #tpu.memory_space<vmem_shared>> -> memref<128xf32, #tpu.memory_space<vmem_shared>>
      tpu.enqueue_dma source(%dma_start3A_124 : memref<128xf32, #tpu.memory_space<vmem_shared>>) target(%dma_start3A_123 : memref<128xf32, #tpu.memory_space<hbm>>) target_semaphore(%run_scoped3A : memref<!tpu.dma_semaphore, #tpu.memory_space<semaphore_mem>>)
      %dma_wait3A = tpu.memref_slice %arg3[%arg0, %add3A_118] : memref<2x10240xf32, #tpu.memory_space<hbm>> -> memref<1x128xf32, #tpu.memory_space<hbm>>
      %dma_wait3A_125 = tpu.memref_squeeze %dma_wait3A : memref<1x128xf32, #tpu.memory_space<hbm>> -> memref<128xf32, #tpu.memory_space<hbm>>
      %dma_wait3A_126 = tpu.memref_slice %arg7[%add3A_118] : memref<10240xf32, #tpu.memory_space<vmem_shared>> -> memref<128xf32, #tpu.memory_space<vmem_shared>>
      tpu.wait_dma2 semaphore(%run_scoped3A : memref<!tpu.dma_semaphore, #tpu.memory_space<semaphore_mem>>) src(%dma_wait3A_126 : memref<128xf32, #tpu.memory_space<vmem_shared>>) dst(%dma_wait3A_125 : memref<128xf32, #tpu.memory_space<hbm>>)
      tpu.yield
    }) : () -> ()
    %add3A_119 = arith.constant 384 : i32
    %add3A_120 = arith.addi %mul3A_96, %add3A_119 : i32
    "tpu.region"() ({
      %run_scoped3A = tpu.sem_alloc : memref<!tpu.dma_semaphore, #tpu.memory_space<semaphore_mem>>
      %dma_start3A = tpu.memref_slice %arg3[%arg0, %add3A_120] : memref<2x10240xf32, #tpu.memory_space<hbm>> -> memref<1x128xf32, #tpu.memory_space<hbm>>
      %dma_start3A_123 = tpu.memref_squeeze %dma_start3A : memref<1x128xf32, #tpu.memory_space<hbm>> -> memref<128xf32, #tpu.memory_space<hbm>>
      %dma_start3A_124 = tpu.memref_slice %arg7[%add3A_120] : memref<10240xf32, #tpu.memory_space<vmem_shared>> -> memref<128xf32, #tpu.memory_space<vmem_shared>>
      tpu.enqueue_dma source(%dma_start3A_124 : memref<128xf32, #tpu.memory_space<vmem_shared>>) target(%dma_start3A_123 : memref<128xf32, #tpu.memory_space<hbm>>) target_semaphore(%run_scoped3A : memref<!tpu.dma_semaphore, #tpu.memory_space<semaphore_mem>>)
      %dma_wait3A = tpu.memref_slice %arg3[%arg0, %add3A_120] : memref<2x10240xf32, #tpu.memory_space<hbm>> -> memref<1x128xf32, #tpu.memory_space<hbm>>
      %dma_wait3A_125 = tpu.memref_squeeze %dma_wait3A : memref<1x128xf32, #tpu.memory_space<hbm>> -> memref<128xf32, #tpu.memory_space<hbm>>
      %dma_wait3A_126 = tpu.memref_slice %arg7[%add3A_120] : memref<10240xf32, #tpu.memory_space<vmem_shared>> -> memref<128xf32, #tpu.memory_space<vmem_shared>>
      tpu.wait_dma2 semaphore(%run_scoped3A : memref<!tpu.dma_semaphore, #tpu.memory_space<semaphore_mem>>) src(%dma_wait3A_126 : memref<128xf32, #tpu.memory_space<vmem_shared>>) dst(%dma_wait3A_125 : memref<128xf32, #tpu.memory_space<hbm>>)
      tpu.yield
    }) : () -> ()
    %add3A_121 = arith.constant 512 : i32
    %add3A_122 = arith.addi %mul3A_96, %add3A_121 : i32
    "tpu.region"() ({
      %run_scoped3A = tpu.sem_alloc : memref<!tpu.dma_semaphore, #tpu.memory_space<semaphore_mem>>
      %dma_start3A = tpu.memref_slice %arg3[%arg0, %add3A_122] : memref<2x10240xf32, #tpu.memory_space<hbm>> -> memref<1x128xf32, #tpu.memory_space<hbm>>
      %dma_start3A_123 = tpu.memref_squeeze %dma_start3A : memref<1x128xf32, #tpu.memory_space<hbm>> -> memref<128xf32, #tpu.memory_space<hbm>>
      %dma_start3A_124 = tpu.memref_slice %arg7[%add3A_122] : memref<10240xf32, #tpu.memory_space<vmem_shared>> -> memref<128xf32, #tpu.memory_space<vmem_shared>>
      tpu.enqueue_dma source(%dma_start3A_124 : memref<128xf32, #tpu.memory_space<vmem_shared>>) target(%dma_start3A_123 : memref<128xf32, #tpu.memory_space<hbm>>) target_semaphore(%run_scoped3A : memref<!tpu.dma_semaphore, #tpu.memory_space<semaphore_mem>>)
      %dma_wait3A = tpu.memref_slice %arg3[%arg0, %add3A_122] : memref<2x10240xf32, #tpu.memory_space<hbm>> -> memref<1x128xf32, #tpu.memory_space<hbm>>
      %dma_wait3A_125 = tpu.memref_squeeze %dma_wait3A : memref<1x128xf32, #tpu.memory_space<hbm>> -> memref<128xf32, #tpu.memory_space<hbm>>
      %dma_wait3A_126 = tpu.memref_slice %arg7[%add3A_122] : memref<10240xf32, #tpu.memory_space<vmem_shared>> -> memref<128xf32, #tpu.memory_space<vmem_shared>>
      tpu.wait_dma2 semaphore(%run_scoped3A : memref<!tpu.dma_semaphore, #tpu.memory_space<semaphore_mem>>) src(%dma_wait3A_126 : memref<128xf32, #tpu.memory_space<vmem_shared>>) dst(%dma_wait3A_125 : memref<128xf32, #tpu.memory_space<hbm>>)
      tpu.yield
    }) : () -> ()
    return
  }
}

#map = affine_map<(d0, d1) -> (0, 0)>
#map1 = affine_map<(d0, d1) -> (0, 0, 0)>
module attributes {stable_mosaic.version = 14 : i64} {
  func.func @k(%arg0: i32, %arg1: i32, %arg2: memref<10000x128xf32, #tpu.memory_space<hbm>>, %arg3: memref<32x80x125xi32, #tpu.memory_space<hbm>>, %arg4: memref<32x80x125xi32, #tpu.memory_space<hbm>>, %arg5: memref<2x10240x128xf32, #tpu.memory_space<hbm>>, %arg6: memref<80x125xi32, #tpu.memory_space<vmem>>, %arg7: memref<80x125xi32, #tpu.memory_space<vmem>>, %arg8: memref<128x128xf32, #tpu.memory_space<vmem>>, %arg9: memref<10240x128xf32, #tpu.memory_space<vmem_shared>>, %arg10: memref<!tpu.dma_semaphore, #tpu.memory_space<semaphore_mem>>) attributes {dimension_semantics = [#tpu.dimension_semantics<core_parallel>, #tpu.dimension_semantics<subcore_parallel>], iteration_bounds = array<i64: 2, 16>, scalar_prefetch = 0 : i64, scratch_operands = 5 : i64, tpu.core_type = #tpu.core_type<sc_vector_subcore>, window_params = [{transform_indices = #map}, {transform_indices = #map1}, {transform_indices = #map1}, {transform_indices = #map1}]} {
    %mul3A = arith.constant 16 : i32
    %mul3A_0 = arith.muli %arg0, %mul3A : i32
    %add3A = arith.addi %mul3A_0, %arg1 : i32
    %scan3A = arith.constant 0 : i32
    %scan3A_1 = arith.constant 0 : i32
    %scan3A_2 = arith.constant 128 : i32
    %scan3A_3 = arith.addi %scan3A_1, %scan3A_2 : i32
    %scan3A_4 = arith.constant 1 : i32
    scf.for %scan3A_35 = %scan3A_1 to %scan3A_3 step %scan3A_4  : i32 {
      %broadcast_in_dim3A = arith.constant 0.000000e+00 : f32
      %broadcast_in_dim3A_36 = vector.broadcast %broadcast_in_dim3A : f32 to vector<16xf32>
      %swap3A = arith.index_cast %scan3A_35 : i32 to index
      %swap3A_37 = arith.constant 0 : index
      %swap3A_38 = tpu.vector_load %arg8[%swap3A, %swap3A_37] {strides = array<i32>} : memref<128x128xf32, #tpu.memory_space<vmem>>, vector<1x16xf32>,
      %swap3A_39 = vector.shape_cast %swap3A_38 : vector<1x16xf32> to vector<16xf32>
      %swap3A_40 = vector.shape_cast %broadcast_in_dim3A_36 : vector<16xf32> to vector<1x16xf32>
      tpu.vector_store %arg8[%swap3A, %swap3A_37], %swap3A_40 {strides = array<i32>} : memref<128x128xf32, #tpu.memory_space<vmem>>, vector<1x16xf32>,
      %broadcast_in_dim3A_41 = arith.constant 0.000000e+00 : f32
      %broadcast_in_dim3A_42 = vector.broadcast %broadcast_in_dim3A_41 : f32 to vector<16xf32>
      %swap3A_43 = arith.index_cast %scan3A_35 : i32 to index
      %swap3A_44 = arith.constant 16 : index
      %swap3A_45 = tpu.vector_load %arg8[%swap3A_43, %swap3A_44] {strides = array<i32>} : memref<128x128xf32, #tpu.memory_space<vmem>>, vector<1x16xf32>,
      %swap3A_46 = vector.shape_cast %swap3A_45 : vector<1x16xf32> to vector<16xf32>
      %swap3A_47 = vector.shape_cast %broadcast_in_dim3A_42 : vector<16xf32> to vector<1x16xf32>
      tpu.vector_store %arg8[%swap3A_43, %swap3A_44], %swap3A_47 {strides = array<i32>} : memref<128x128xf32, #tpu.memory_space<vmem>>, vector<1x16xf32>,
      %broadcast_in_dim3A_48 = arith.constant 0.000000e+00 : f32
      %broadcast_in_dim3A_49 = vector.broadcast %broadcast_in_dim3A_48 : f32 to vector<16xf32>
      %swap3A_50 = arith.index_cast %scan3A_35 : i32 to index
      %swap3A_51 = arith.constant 32 : index
      %swap3A_52 = tpu.vector_load %arg8[%swap3A_50, %swap3A_51] {strides = array<i32>} : memref<128x128xf32, #tpu.memory_space<vmem>>, vector<1x16xf32>,
      %swap3A_53 = vector.shape_cast %swap3A_52 : vector<1x16xf32> to vector<16xf32>
      %swap3A_54 = vector.shape_cast %broadcast_in_dim3A_49 : vector<16xf32> to vector<1x16xf32>
      tpu.vector_store %arg8[%swap3A_50, %swap3A_51], %swap3A_54 {strides = array<i32>} : memref<128x128xf32, #tpu.memory_space<vmem>>, vector<1x16xf32>,
      %broadcast_in_dim3A_55 = arith.constant 0.000000e+00 : f32
      %broadcast_in_dim3A_56 = vector.broadcast %broadcast_in_dim3A_55 : f32 to vector<16xf32>
      %swap3A_57 = arith.index_cast %scan3A_35 : i32 to index
      %swap3A_58 = arith.constant 48 : index
      %swap3A_59 = tpu.vector_load %arg8[%swap3A_57, %swap3A_58] {strides = array<i32>} : memref<128x128xf32, #tpu.memory_space<vmem>>, vector<1x16xf32>,
      %swap3A_60 = vector.shape_cast %swap3A_59 : vector<1x16xf32> to vector<16xf32>
      %swap3A_61 = vector.shape_cast %broadcast_in_dim3A_56 : vector<16xf32> to vector<1x16xf32>
      tpu.vector_store %arg8[%swap3A_57, %swap3A_58], %swap3A_61 {strides = array<i32>} : memref<128x128xf32, #tpu.memory_space<vmem>>, vector<1x16xf32>,
      %broadcast_in_dim3A_62 = arith.constant 0.000000e+00 : f32
      %broadcast_in_dim3A_63 = vector.broadcast %broadcast_in_dim3A_62 : f32 to vector<16xf32>
      %swap3A_64 = arith.index_cast %scan3A_35 : i32 to index
      %swap3A_65 = arith.constant 64 : index
      %swap3A_66 = tpu.vector_load %arg8[%swap3A_64, %swap3A_65] {strides = array<i32>} : memref<128x128xf32, #tpu.memory_space<vmem>>, vector<1x16xf32>,
      %swap3A_67 = vector.shape_cast %swap3A_66 : vector<1x16xf32> to vector<16xf32>
      %swap3A_68 = vector.shape_cast %broadcast_in_dim3A_63 : vector<16xf32> to vector<1x16xf32>
      tpu.vector_store %arg8[%swap3A_64, %swap3A_65], %swap3A_68 {strides = array<i32>} : memref<128x128xf32, #tpu.memory_space<vmem>>, vector<1x16xf32>,
      %broadcast_in_dim3A_69 = arith.constant 0.000000e+00 : f32
      %broadcast_in_dim3A_70 = vector.broadcast %broadcast_in_dim3A_69 : f32 to vector<16xf32>
      %swap3A_71 = arith.index_cast %scan3A_35 : i32 to index
      %swap3A_72 = arith.constant 80 : index
      %swap3A_73 = tpu.vector_load %arg8[%swap3A_71, %swap3A_72] {strides = array<i32>} : memref<128x128xf32, #tpu.memory_space<vmem>>, vector<1x16xf32>,
      %swap3A_74 = vector.shape_cast %swap3A_73 : vector<1x16xf32> to vector<16xf32>
      %swap3A_75 = vector.shape_cast %broadcast_in_dim3A_70 : vector<16xf32> to vector<1x16xf32>
      tpu.vector_store %arg8[%swap3A_71, %swap3A_72], %swap3A_75 {strides = array<i32>} : memref<128x128xf32, #tpu.memory_space<vmem>>, vector<1x16xf32>,
      %broadcast_in_dim3A_76 = arith.constant 0.000000e+00 : f32
      %broadcast_in_dim3A_77 = vector.broadcast %broadcast_in_dim3A_76 : f32 to vector<16xf32>
      %swap3A_78 = arith.index_cast %scan3A_35 : i32 to index
      %swap3A_79 = arith.constant 96 : index
      %swap3A_80 = tpu.vector_load %arg8[%swap3A_78, %swap3A_79] {strides = array<i32>} : memref<128x128xf32, #tpu.memory_space<vmem>>, vector<1x16xf32>,
      %swap3A_81 = vector.shape_cast %swap3A_80 : vector<1x16xf32> to vector<16xf32>
      %swap3A_82 = vector.shape_cast %broadcast_in_dim3A_77 : vector<16xf32> to vector<1x16xf32>
      tpu.vector_store %arg8[%swap3A_78, %swap3A_79], %swap3A_82 {strides = array<i32>} : memref<128x128xf32, #tpu.memory_space<vmem>>, vector<1x16xf32>,
      %broadcast_in_dim3A_83 = arith.constant 0.000000e+00 : f32
      %broadcast_in_dim3A_84 = vector.broadcast %broadcast_in_dim3A_83 : f32 to vector<16xf32>
      %swap3A_85 = arith.index_cast %scan3A_35 : i32 to index
      %swap3A_86 = arith.constant 112 : index
      %swap3A_87 = tpu.vector_load %arg8[%swap3A_85, %swap3A_86] {strides = array<i32>} : memref<128x128xf32, #tpu.memory_space<vmem>>, vector<1x16xf32>,
      %swap3A_88 = vector.shape_cast %swap3A_87 : vector<1x16xf32> to vector<16xf32>
      %swap3A_89 = vector.shape_cast %broadcast_in_dim3A_84 : vector<16xf32> to vector<1x16xf32>
      tpu.vector_store %arg8[%swap3A_85, %swap3A_86], %swap3A_89 {strides = array<i32>} : memref<128x128xf32, #tpu.memory_space<vmem>>, vector<1x16xf32>,
    }
    %scan3A_5 = arith.constant 128 : i32
    %mul3A_6 = arith.constant 640 : i32
    %mul3A_7 = arith.muli %arg1, %mul3A_6 : i32
    %add3A_8 = arith.constant 0 : i32
    %add3A_9 = arith.addi %mul3A_7, %add3A_8 : i32
    "tpu.region"() ({
      %run_scoped3A = tpu.sem_alloc : memref<!tpu.dma_semaphore, #tpu.memory_space<semaphore_mem>>
      %dma_start3A = arith.constant 0 : i32
      %dma_start3A_35 = tpu.memref_slice %arg9[%add3A_9, %dma_start3A] : memref<10240x128xf32, #tpu.memory_space<vmem_shared>> -> memref<128x128xf32, #tpu.memory_space<vmem_shared>>
      %dma_start3A_36 = arith.constant 0 : i32
      %dma_start3A_37 = tpu.memref_slice %arg9[%add3A_9, %dma_start3A_36] : memref<10240x128xf32, #tpu.memory_space<vmem_shared>> -> memref<128x128xf32, #tpu.memory_space<vmem_shared>>
      tpu.enqueue_dma source(%arg8 : memref<128x128xf32, #tpu.memory_space<vmem>>) target(%dma_start3A_37 : memref<128x128xf32, #tpu.memory_space<vmem_shared>>) target_semaphore(%run_scoped3A : memref<!tpu.dma_semaphore, #tpu.memory_space<semaphore_mem>>)
      %dma_wait3A = arith.constant 0 : i32
      %dma_wait3A_38 = tpu.memref_slice %arg9[%add3A_9, %dma_wait3A] : memref<10240x128xf32, #tpu.memory_space<vmem_shared>> -> memref<128x128xf32, #tpu.memory_space<vmem_shared>>
      %dma_wait3A_39 = arith.constant 0 : i32
      %dma_wait3A_40 = tpu.memref_slice %arg9[%add3A_9, %dma_wait3A_39] : memref<10240x128xf32, #tpu.memory_space<vmem_shared>> -> memref<128x128xf32, #tpu.memory_space<vmem_shared>>
      tpu.wait_dma2 semaphore(%run_scoped3A : memref<!tpu.dma_semaphore, #tpu.memory_space<semaphore_mem>>) src(%arg8 : memref<128x128xf32, #tpu.memory_space<vmem>>) dst(%dma_wait3A_40 : memref<128x128xf32, #tpu.memory_space<vmem_shared>>)
      tpu.yield
    }) : () -> ()
    %add3A_10 = arith.constant 128 : i32
    %add3A_11 = arith.addi %mul3A_7, %add3A_10 : i32
    "tpu.region"() ({
      %run_scoped3A = tpu.sem_alloc : memref<!tpu.dma_semaphore, #tpu.memory_space<semaphore_mem>>
      %dma_start3A = arith.constant 0 : i32
      %dma_start3A_35 = tpu.memref_slice %arg9[%add3A_11, %dma_start3A] : memref<10240x128xf32, #tpu.memory_space<vmem_shared>> -> memref<128x128xf32, #tpu.memory_space<vmem_shared>>
      %dma_start3A_36 = arith.constant 0 : i32
      %dma_start3A_37 = tpu.memref_slice %arg9[%add3A_11, %dma_start3A_36] : memref<10240x128xf32, #tpu.memory_space<vmem_shared>> -> memref<128x128xf32, #tpu.memory_space<vmem_shared>>
      tpu.enqueue_dma source(%arg8 : memref<128x128xf32, #tpu.memory_space<vmem>>) target(%dma_start3A_37 : memref<128x128xf32, #tpu.memory_space<vmem_shared>>) target_semaphore(%run_scoped3A : memref<!tpu.dma_semaphore, #tpu.memory_space<semaphore_mem>>)
      %dma_wait3A = arith.constant 0 : i32
      %dma_wait3A_38 = tpu.memref_slice %arg9[%add3A_11, %dma_wait3A] : memref<10240x128xf32, #tpu.memory_space<vmem_shared>> -> memref<128x128xf32, #tpu.memory_space<vmem_shared>>
      %dma_wait3A_39 = arith.constant 0 : i32
      %dma_wait3A_40 = tpu.memref_slice %arg9[%add3A_11, %dma_wait3A_39] : memref<10240x128xf32, #tpu.memory_space<vmem_shared>> -> memref<128x128xf32, #tpu.memory_space<vmem_shared>>
      tpu.wait_dma2 semaphore(%run_scoped3A : memref<!tpu.dma_semaphore, #tpu.memory_space<semaphore_mem>>) src(%arg8 : memref<128x128xf32, #tpu.memory_space<vmem>>) dst(%dma_wait3A_40 : memref<128x128xf32, #tpu.memory_space<vmem_shared>>)
      tpu.yield
    }) : () -> ()
    %add3A_12 = arith.constant 256 : i32
    %add3A_13 = arith.addi %mul3A_7, %add3A_12 : i32
    "tpu.region"() ({
      %run_scoped3A = tpu.sem_alloc : memref<!tpu.dma_semaphore, #tpu.memory_space<semaphore_mem>>
      %dma_start3A = arith.constant 0 : i32
      %dma_start3A_35 = tpu.memref_slice %arg9[%add3A_13, %dma_start3A] : memref<10240x128xf32, #tpu.memory_space<vmem_shared>> -> memref<128x128xf32, #tpu.memory_space<vmem_shared>>
      %dma_start3A_36 = arith.constant 0 : i32
      %dma_start3A_37 = tpu.memref_slice %arg9[%add3A_13, %dma_start3A_36] : memref<10240x128xf32, #tpu.memory_space<vmem_shared>> -> memref<128x128xf32, #tpu.memory_space<vmem_shared>>
      tpu.enqueue_dma source(%arg8 : memref<128x128xf32, #tpu.memory_space<vmem>>) target(%dma_start3A_37 : memref<128x128xf32, #tpu.memory_space<vmem_shared>>) target_semaphore(%run_scoped3A : memref<!tpu.dma_semaphore, #tpu.memory_space<semaphore_mem>>)
      %dma_wait3A = arith.constant 0 : i32
      %dma_wait3A_38 = tpu.memref_slice %arg9[%add3A_13, %dma_wait3A] : memref<10240x128xf32, #tpu.memory_space<vmem_shared>> -> memref<128x128xf32, #tpu.memory_space<vmem_shared>>
      %dma_wait3A_39 = arith.constant 0 : i32
      %dma_wait3A_40 = tpu.memref_slice %arg9[%add3A_13, %dma_wait3A_39] : memref<10240x128xf32, #tpu.memory_space<vmem_shared>> -> memref<128x128xf32, #tpu.memory_space<vmem_shared>>
      tpu.wait_dma2 semaphore(%run_scoped3A : memref<!tpu.dma_semaphore, #tpu.memory_space<semaphore_mem>>) src(%arg8 : memref<128x128xf32, #tpu.memory_space<vmem>>) dst(%dma_wait3A_40 : memref<128x128xf32, #tpu.memory_space<vmem_shared>>)
      tpu.yield
    }) : () -> ()
    %add3A_14 = arith.constant 384 : i32
    %add3A_15 = arith.addi %mul3A_7, %add3A_14 : i32
    "tpu.region"() ({
      %run_scoped3A = tpu.sem_alloc : memref<!tpu.dma_semaphore, #tpu.memory_space<semaphore_mem>>
      %dma_start3A = arith.constant 0 : i32
      %dma_start3A_35 = tpu.memref_slice %arg9[%add3A_15, %dma_start3A] : memref<10240x128xf32, #tpu.memory_space<vmem_shared>> -> memref<128x128xf32, #tpu.memory_space<vmem_shared>>
      %dma_start3A_36 = arith.constant 0 : i32
      %dma_start3A_37 = tpu.memref_slice %arg9[%add3A_15, %dma_start3A_36] : memref<10240x128xf32, #tpu.memory_space<vmem_shared>> -> memref<128x128xf32, #tpu.memory_space<vmem_shared>>
      tpu.enqueue_dma source(%arg8 : memref<128x128xf32, #tpu.memory_space<vmem>>) target(%dma_start3A_37 : memref<128x128xf32, #tpu.memory_space<vmem_shared>>) target_semaphore(%run_scoped3A : memref<!tpu.dma_semaphore, #tpu.memory_space<semaphore_mem>>)
      %dma_wait3A = arith.constant 0 : i32
      %dma_wait3A_38 = tpu.memref_slice %arg9[%add3A_15, %dma_wait3A] : memref<10240x128xf32, #tpu.memory_space<vmem_shared>> -> memref<128x128xf32, #tpu.memory_space<vmem_shared>>
      %dma_wait3A_39 = arith.constant 0 : i32
      %dma_wait3A_40 = tpu.memref_slice %arg9[%add3A_15, %dma_wait3A_39] : memref<10240x128xf32, #tpu.memory_space<vmem_shared>> -> memref<128x128xf32, #tpu.memory_space<vmem_shared>>
      tpu.wait_dma2 semaphore(%run_scoped3A : memref<!tpu.dma_semaphore, #tpu.memory_space<semaphore_mem>>) src(%arg8 : memref<128x128xf32, #tpu.memory_space<vmem>>) dst(%dma_wait3A_40 : memref<128x128xf32, #tpu.memory_space<vmem_shared>>)
      tpu.yield
    }) : () -> ()
    %add3A_16 = arith.constant 512 : i32
    %add3A_17 = arith.addi %mul3A_7, %add3A_16 : i32
    "tpu.region"() ({
      %run_scoped3A = tpu.sem_alloc : memref<!tpu.dma_semaphore, #tpu.memory_space<semaphore_mem>>
      %dma_start3A = arith.constant 0 : i32
      %dma_start3A_35 = tpu.memref_slice %arg9[%add3A_17, %dma_start3A] : memref<10240x128xf32, #tpu.memory_space<vmem_shared>> -> memref<128x128xf32, #tpu.memory_space<vmem_shared>>
      %dma_start3A_36 = arith.constant 0 : i32
      %dma_start3A_37 = tpu.memref_slice %arg9[%add3A_17, %dma_start3A_36] : memref<10240x128xf32, #tpu.memory_space<vmem_shared>> -> memref<128x128xf32, #tpu.memory_space<vmem_shared>>
      tpu.enqueue_dma source(%arg8 : memref<128x128xf32, #tpu.memory_space<vmem>>) target(%dma_start3A_37 : memref<128x128xf32, #tpu.memory_space<vmem_shared>>) target_semaphore(%run_scoped3A : memref<!tpu.dma_semaphore, #tpu.memory_space<semaphore_mem>>)
      %dma_wait3A = arith.constant 0 : i32
      %dma_wait3A_38 = tpu.memref_slice %arg9[%add3A_17, %dma_wait3A] : memref<10240x128xf32, #tpu.memory_space<vmem_shared>> -> memref<128x128xf32, #tpu.memory_space<vmem_shared>>
      %dma_wait3A_39 = arith.constant 0 : i32
      %dma_wait3A_40 = tpu.memref_slice %arg9[%add3A_17, %dma_wait3A_39] : memref<10240x128xf32, #tpu.memory_space<vmem_shared>> -> memref<128x128xf32, #tpu.memory_space<vmem_shared>>
      tpu.wait_dma2 semaphore(%run_scoped3A : memref<!tpu.dma_semaphore, #tpu.memory_space<semaphore_mem>>) src(%arg8 : memref<128x128xf32, #tpu.memory_space<vmem>>) dst(%dma_wait3A_40 : memref<128x128xf32, #tpu.memory_space<vmem_shared>>)
      tpu.yield
    }) : () -> ()
    %barrier3A = arith.constant 0 : index
    tpu.barrier barrier_id(%barrier3A)
    "tpu.region"() ({
      %run_scoped3A = tpu.sem_alloc : memref<!tpu.dma_semaphore, #tpu.memory_space<semaphore_mem>>
      %dma_start3A = arith.constant 0 : i32
      %dma_start3A_35 = arith.constant 0 : i32
      %dma_start3A_36 = tpu.memref_slice %arg3[%add3A, %dma_start3A, %dma_start3A_35] : memref<32x80x125xi32, #tpu.memory_space<hbm>> -> memref<1x80x125xi32, #tpu.memory_space<hbm>>
      %dma_start3A_37 = tpu.memref_squeeze %dma_start3A_36 : memref<1x80x125xi32, #tpu.memory_space<hbm>> -> memref<80x125xi32, #tpu.memory_space<hbm>>
      %dma_start3A_38 = arith.constant 0 : i32
      %dma_start3A_39 = arith.constant 0 : i32
      %dma_start3A_40 = tpu.memref_slice %arg3[%add3A, %dma_start3A_38, %dma_start3A_39] : memref<32x80x125xi32, #tpu.memory_space<hbm>> -> memref<1x80x125xi32, #tpu.memory_space<hbm>>
      %dma_start3A_41 = tpu.memref_squeeze %dma_start3A_40 : memref<1x80x125xi32, #tpu.memory_space<hbm>> -> memref<80x125xi32, #tpu.memory_space<hbm>>
      tpu.enqueue_dma source(%dma_start3A_41 : memref<80x125xi32, #tpu.memory_space<hbm>>) target(%arg6 : memref<80x125xi32, #tpu.memory_space<vmem>>) target_semaphore(%run_scoped3A : memref<!tpu.dma_semaphore, #tpu.memory_space<semaphore_mem>>)
      %dma_wait3A = arith.constant 0 : i32
      %dma_wait3A_42 = arith.constant 0 : i32
      %dma_wait3A_43 = tpu.memref_slice %arg3[%add3A, %dma_wait3A, %dma_wait3A_42] : memref<32x80x125xi32, #tpu.memory_space<hbm>> -> memref<1x80x125xi32, #tpu.memory_space<hbm>>
      %dma_wait3A_44 = tpu.memref_squeeze %dma_wait3A_43 : memref<1x80x125xi32, #tpu.memory_space<hbm>> -> memref<80x125xi32, #tpu.memory_space<hbm>>
      %dma_wait3A_45 = arith.constant 0 : i32
      %dma_wait3A_46 = arith.constant 0 : i32
      %dma_wait3A_47 = tpu.memref_slice %arg3[%add3A, %dma_wait3A_45, %dma_wait3A_46] : memref<32x80x125xi32, #tpu.memory_space<hbm>> -> memref<1x80x125xi32, #tpu.memory_space<hbm>>
      %dma_wait3A_48 = tpu.memref_squeeze %dma_wait3A_47 : memref<1x80x125xi32, #tpu.memory_space<hbm>> -> memref<80x125xi32, #tpu.memory_space<hbm>>
      tpu.wait_dma2 semaphore(%run_scoped3A : memref<!tpu.dma_semaphore, #tpu.memory_space<semaphore_mem>>) src(%dma_wait3A_48 : memref<80x125xi32, #tpu.memory_space<hbm>>) dst(%arg6 : memref<80x125xi32, #tpu.memory_space<vmem>>)
      tpu.yield
    }) : () -> ()
    "tpu.region"() ({
      %run_scoped3A = tpu.sem_alloc : memref<!tpu.dma_semaphore, #tpu.memory_space<semaphore_mem>>
      %dma_start3A = arith.constant 0 : i32
      %dma_start3A_35 = arith.constant 0 : i32
      %dma_start3A_36 = tpu.memref_slice %arg4[%add3A, %dma_start3A, %dma_start3A_35] : memref<32x80x125xi32, #tpu.memory_space<hbm>> -> memref<1x80x125xi32, #tpu.memory_space<hbm>>
      %dma_start3A_37 = tpu.memref_squeeze %dma_start3A_36 : memref<1x80x125xi32, #tpu.memory_space<hbm>> -> memref<80x125xi32, #tpu.memory_space<hbm>>
      %dma_start3A_38 = arith.constant 0 : i32
      %dma_start3A_39 = arith.constant 0 : i32
      %dma_start3A_40 = tpu.memref_slice %arg4[%add3A, %dma_start3A_38, %dma_start3A_39] : memref<32x80x125xi32, #tpu.memory_space<hbm>> -> memref<1x80x125xi32, #tpu.memory_space<hbm>>
      %dma_start3A_41 = tpu.memref_squeeze %dma_start3A_40 : memref<1x80x125xi32, #tpu.memory_space<hbm>> -> memref<80x125xi32, #tpu.memory_space<hbm>>
      tpu.enqueue_dma source(%dma_start3A_41 : memref<80x125xi32, #tpu.memory_space<hbm>>) target(%arg7 : memref<80x125xi32, #tpu.memory_space<vmem>>) target_semaphore(%run_scoped3A : memref<!tpu.dma_semaphore, #tpu.memory_space<semaphore_mem>>)
      %dma_wait3A = arith.constant 0 : i32
      %dma_wait3A_42 = arith.constant 0 : i32
      %dma_wait3A_43 = tpu.memref_slice %arg4[%add3A, %dma_wait3A, %dma_wait3A_42] : memref<32x80x125xi32, #tpu.memory_space<hbm>> -> memref<1x80x125xi32, #tpu.memory_space<hbm>>
      %dma_wait3A_44 = tpu.memref_squeeze %dma_wait3A_43 : memref<1x80x125xi32, #tpu.memory_space<hbm>> -> memref<80x125xi32, #tpu.memory_space<hbm>>
      %dma_wait3A_45 = arith.constant 0 : i32
      %dma_wait3A_46 = arith.constant 0 : i32
      %dma_wait3A_47 = tpu.memref_slice %arg4[%add3A, %dma_wait3A_45, %dma_wait3A_46] : memref<32x80x125xi32, #tpu.memory_space<hbm>> -> memref<1x80x125xi32, #tpu.memory_space<hbm>>
      %dma_wait3A_48 = tpu.memref_squeeze %dma_wait3A_47 : memref<1x80x125xi32, #tpu.memory_space<hbm>> -> memref<80x125xi32, #tpu.memory_space<hbm>>
      tpu.wait_dma2 semaphore(%run_scoped3A : memref<!tpu.dma_semaphore, #tpu.memory_space<semaphore_mem>>) src(%dma_wait3A_48 : memref<80x125xi32, #tpu.memory_space<hbm>>) dst(%arg7 : memref<80x125xi32, #tpu.memory_space<vmem>>)
      tpu.yield
    }) : () -> ()
    %scan3A_18 = arith.constant 0 : i32
    %scan3A_19 = arith.constant 0 : i32
    %scan3A_20 = arith.constant 80 : i32
    %scan3A_21 = arith.addi %scan3A_19, %scan3A_20 : i32
    %scan3A_22 = arith.constant 1 : i32
    scf.for %scan3A_35 = %scan3A_19 to %scan3A_21 step %scan3A_22  : i32 {
      %dma_start3A = arith.constant 0 : i32
      %dma_start3A_36 = arith.constant 0 : i32
      %dma_start3A_37 = tpu.memref_slice %arg8[%dma_start3A, %dma_start3A_36] : memref<128x128xf32, #tpu.memory_space<vmem>> -> memref<125x128xf32, #tpu.memory_space<vmem>>
      %dma_start3A_38 = arith.constant 0 : i32
      %dma_start3A_39 = tpu.memref_slice %arg6[%scan3A_35, %dma_start3A_38] : memref<80x125xi32, #tpu.memory_space<vmem>> -> memref<1x125xi32, #tpu.memory_space<vmem>>
      %dma_start3A_40 = tpu.memref_squeeze %dma_start3A_39 : memref<1x125xi32, #tpu.memory_space<vmem>> -> memref<125xi32, #tpu.memory_space<vmem>>
      %dma_start3A_41 = arith.constant 0 : i32
      %dma_start3A_42 = arith.constant 0 : i32
      %dma_start3A_43 = tpu.memref_slice %arg2[%dma_start3A_41, %dma_start3A_42] : memref<10000x128xf32, #tpu.memory_space<hbm>> -> memref<10000x128xf32, #tpu.memory_space<hbm>>
      tpu.enqueue_indirect_dma source(%dma_start3A_43 : memref<10000x128xf32, #tpu.memory_space<hbm>>) target(%dma_start3A_37 : memref<125x128xf32, #tpu.memory_space<vmem>>) offsets(%dma_start3A_40 : memref<125xi32, #tpu.memory_space<vmem>>) semaphore(%arg10 : memref<!tpu.dma_semaphore, #tpu.memory_space<semaphore_mem>>)
      %dma_wait3A = arith.constant 0 : i32
      %dma_wait3A_44 = arith.constant 0 : i32
      %dma_wait3A_45 = tpu.memref_slice %arg8[%dma_wait3A, %dma_wait3A_44] : memref<128x128xf32, #tpu.memory_space<vmem>> -> memref<125x128xf32, #tpu.memory_space<vmem>>
      %dma_wait3A_46 = arith.constant 0 : i32
      %dma_wait3A_47 = tpu.memref_slice %arg6[%scan3A_35, %dma_wait3A_46] : memref<80x125xi32, #tpu.memory_space<vmem>> -> memref<1x125xi32, #tpu.memory_space<vmem>>
      %dma_wait3A_48 = tpu.memref_squeeze %dma_wait3A_47 : memref<1x125xi32, #tpu.memory_space<vmem>> -> memref<125xi32, #tpu.memory_space<vmem>>
      %dma_wait3A_49 = arith.constant 0 : i32
      %dma_wait3A_50 = arith.constant 0 : i32
      %dma_wait3A_51 = tpu.memref_slice %arg2[%dma_wait3A_49, %dma_wait3A_50] : memref<10000x128xf32, #tpu.memory_space<hbm>> -> memref<10000x128xf32, #tpu.memory_space<hbm>>
      tpu.wait_indirect_dma semaphore(%arg10 : memref<!tpu.dma_semaphore, #tpu.memory_space<semaphore_mem>>) src(%dma_wait3A_51 : memref<10000x128xf32, #tpu.memory_space<hbm>>) dst(%dma_wait3A_45 : memref<125x128xf32, #tpu.memory_space<vmem>>)
      "tpu.region"() ({
        %run_scoped3A = tpu.sem_alloc : memref<!tpu.dma_semaphore, #tpu.memory_space<semaphore_mem>>
        %dma_start3A_52 = arith.constant 0 : i32
        %dma_start3A_53 = arith.constant 0 : i32
        %dma_start3A_54 = tpu.memref_slice %arg8[%dma_start3A_52, %dma_start3A_53] : memref<128x128xf32, #tpu.memory_space<vmem>> -> memref<125x128xf32, #tpu.memory_space<vmem>>
        %dma_start3A_55 = arith.constant 0 : i32
        %dma_start3A_56 = tpu.memref_slice %arg7[%scan3A_35, %dma_start3A_55] : memref<80x125xi32, #tpu.memory_space<vmem>> -> memref<1x125xi32, #tpu.memory_space<vmem>>
        %dma_start3A_57 = tpu.memref_squeeze %dma_start3A_56 : memref<1x125xi32, #tpu.memory_space<vmem>> -> memref<125xi32, #tpu.memory_space<vmem>>
        %dma_start3A_58 = arith.constant 0 : i32
        %dma_start3A_59 = arith.constant 0 : i32
        %dma_start3A_60 = tpu.memref_slice %arg9[%dma_start3A_58, %dma_start3A_59] : memref<10240x128xf32, #tpu.memory_space<vmem_shared>> -> memref<10240x128xf32, #tpu.memory_space<vmem_shared>>
        tpu.enqueue_indirect_dma source(%dma_start3A_54 : memref<125x128xf32, #tpu.memory_space<vmem>>) target(%dma_start3A_60 : memref<10240x128xf32, #tpu.memory_space<vmem_shared>>) offsets(%dma_start3A_57 : memref<125xi32, #tpu.memory_space<vmem>>) semaphore(%run_scoped3A : memref<!tpu.dma_semaphore, #tpu.memory_space<semaphore_mem>>) {add = true}
        %dma_wait3A_61 = arith.constant 0 : i32
        %dma_wait3A_62 = arith.constant 0 : i32
        %dma_wait3A_63 = tpu.memref_slice %arg8[%dma_wait3A_61, %dma_wait3A_62] : memref<128x128xf32, #tpu.memory_space<vmem>> -> memref<125x128xf32, #tpu.memory_space<vmem>>
        %dma_wait3A_64 = arith.constant 0 : i32
        %dma_wait3A_65 = tpu.memref_slice %arg7[%scan3A_35, %dma_wait3A_64] : memref<80x125xi32, #tpu.memory_space<vmem>> -> memref<1x125xi32, #tpu.memory_space<vmem>>
        %dma_wait3A_66 = tpu.memref_squeeze %dma_wait3A_65 : memref<1x125xi32, #tpu.memory_space<vmem>> -> memref<125xi32, #tpu.memory_space<vmem>>
        %dma_wait3A_67 = arith.constant 0 : i32
        %dma_wait3A_68 = arith.constant 0 : i32
        %dma_wait3A_69 = tpu.memref_slice %arg9[%dma_wait3A_67, %dma_wait3A_68] : memref<10240x128xf32, #tpu.memory_space<vmem_shared>> -> memref<10240x128xf32, #tpu.memory_space<vmem_shared>>
        tpu.wait_indirect_dma semaphore(%run_scoped3A : memref<!tpu.dma_semaphore, #tpu.memory_space<semaphore_mem>>) src(%dma_wait3A_63 : memref<125x128xf32, #tpu.memory_space<vmem>>) dst(%dma_wait3A_69 : memref<10240x128xf32, #tpu.memory_space<vmem_shared>>)
        tpu.yield
      }) : () -> ()
    }
    %scan3A_23 = arith.constant 80 : i32
    %barrier3A_24 = arith.constant 0 : index
    tpu.barrier barrier_id(%barrier3A_24)
    %add3A_25 = arith.constant 0 : i32
    %add3A_26 = arith.addi %mul3A_7, %add3A_25 : i32
    "tpu.region"() ({
      %run_scoped3A = tpu.sem_alloc : memref<!tpu.dma_semaphore, #tpu.memory_space<semaphore_mem>>
      %dma_start3A = arith.constant 0 : i32
      %dma_start3A_35 = tpu.memref_slice %arg5[%arg0, %add3A_26, %dma_start3A] : memref<2x10240x128xf32, #tpu.memory_space<hbm>> -> memref<1x128x128xf32, #tpu.memory_space<hbm>>
      %dma_start3A_36 = tpu.memref_squeeze %dma_start3A_35 : memref<1x128x128xf32, #tpu.memory_space<hbm>> -> memref<128x128xf32, #tpu.memory_space<hbm>>
      %dma_start3A_37 = arith.constant 0 : i32
      %dma_start3A_38 = tpu.memref_slice %arg9[%add3A_26, %dma_start3A_37] : memref<10240x128xf32, #tpu.memory_space<vmem_shared>> -> memref<128x128xf32, #tpu.memory_space<vmem_shared>>
      tpu.enqueue_dma source(%dma_start3A_38 : memref<128x128xf32, #tpu.memory_space<vmem_shared>>) target(%dma_start3A_36 : memref<128x128xf32, #tpu.memory_space<hbm>>) target_semaphore(%run_scoped3A : memref<!tpu.dma_semaphore, #tpu.memory_space<semaphore_mem>>)
      %dma_wait3A = arith.constant 0 : i32
      %dma_wait3A_39 = tpu.memref_slice %arg5[%arg0, %add3A_26, %dma_wait3A] : memref<2x10240x128xf32, #tpu.memory_space<hbm>> -> memref<1x128x128xf32, #tpu.memory_space<hbm>>
      %dma_wait3A_40 = tpu.memref_squeeze %dma_wait3A_39 : memref<1x128x128xf32, #tpu.memory_space<hbm>> -> memref<128x128xf32, #tpu.memory_space<hbm>>
      %dma_wait3A_41 = arith.constant 0 : i32
      %dma_wait3A_42 = tpu.memref_slice %arg9[%add3A_26, %dma_wait3A_41] : memref<10240x128xf32, #tpu.memory_space<vmem_shared>> -> memref<128x128xf32, #tpu.memory_space<vmem_shared>>
      tpu.wait_dma2 semaphore(%run_scoped3A : memref<!tpu.dma_semaphore, #tpu.memory_space<semaphore_mem>>) src(%dma_wait3A_42 : memref<128x128xf32, #tpu.memory_space<vmem_shared>>) dst(%dma_wait3A_40 : memref<128x128xf32, #tpu.memory_space<hbm>>)
      tpu.yield
    }) : () -> ()
    %add3A_27 = arith.constant 128 : i32
    %add3A_28 = arith.addi %mul3A_7, %add3A_27 : i32
    "tpu.region"() ({
      %run_scoped3A = tpu.sem_alloc : memref<!tpu.dma_semaphore, #tpu.memory_space<semaphore_mem>>
      %dma_start3A = arith.constant 0 : i32
      %dma_start3A_35 = tpu.memref_slice %arg5[%arg0, %add3A_28, %dma_start3A] : memref<2x10240x128xf32, #tpu.memory_space<hbm>> -> memref<1x128x128xf32, #tpu.memory_space<hbm>>
      %dma_start3A_36 = tpu.memref_squeeze %dma_start3A_35 : memref<1x128x128xf32, #tpu.memory_space<hbm>> -> memref<128x128xf32, #tpu.memory_space<hbm>>
      %dma_start3A_37 = arith.constant 0 : i32
      %dma_start3A_38 = tpu.memref_slice %arg9[%add3A_28, %dma_start3A_37] : memref<10240x128xf32, #tpu.memory_space<vmem_shared>> -> memref<128x128xf32, #tpu.memory_space<vmem_shared>>
      tpu.enqueue_dma source(%dma_start3A_38 : memref<128x128xf32, #tpu.memory_space<vmem_shared>>) target(%dma_start3A_36 : memref<128x128xf32, #tpu.memory_space<hbm>>) target_semaphore(%run_scoped3A : memref<!tpu.dma_semaphore, #tpu.memory_space<semaphore_mem>>)
      %dma_wait3A = arith.constant 0 : i32
      %dma_wait3A_39 = tpu.memref_slice %arg5[%arg0, %add3A_28, %dma_wait3A] : memref<2x10240x128xf32, #tpu.memory_space<hbm>> -> memref<1x128x128xf32, #tpu.memory_space<hbm>>
      %dma_wait3A_40 = tpu.memref_squeeze %dma_wait3A_39 : memref<1x128x128xf32, #tpu.memory_space<hbm>> -> memref<128x128xf32, #tpu.memory_space<hbm>>
      %dma_wait3A_41 = arith.constant 0 : i32
      %dma_wait3A_42 = tpu.memref_slice %arg9[%add3A_28, %dma_wait3A_41] : memref<10240x128xf32, #tpu.memory_space<vmem_shared>> -> memref<128x128xf32, #tpu.memory_space<vmem_shared>>
      tpu.wait_dma2 semaphore(%run_scoped3A : memref<!tpu.dma_semaphore, #tpu.memory_space<semaphore_mem>>) src(%dma_wait3A_42 : memref<128x128xf32, #tpu.memory_space<vmem_shared>>) dst(%dma_wait3A_40 : memref<128x128xf32, #tpu.memory_space<hbm>>)
      tpu.yield
    }) : () -> ()
    %add3A_29 = arith.constant 256 : i32
    %add3A_30 = arith.addi %mul3A_7, %add3A_29 : i32
    "tpu.region"() ({
      %run_scoped3A = tpu.sem_alloc : memref<!tpu.dma_semaphore, #tpu.memory_space<semaphore_mem>>
      %dma_start3A = arith.constant 0 : i32
      %dma_start3A_35 = tpu.memref_slice %arg5[%arg0, %add3A_30, %dma_start3A] : memref<2x10240x128xf32, #tpu.memory_space<hbm>> -> memref<1x128x128xf32, #tpu.memory_space<hbm>>
      %dma_start3A_36 = tpu.memref_squeeze %dma_start3A_35 : memref<1x128x128xf32, #tpu.memory_space<hbm>> -> memref<128x128xf32, #tpu.memory_space<hbm>>
      %dma_start3A_37 = arith.constant 0 : i32
      %dma_start3A_38 = tpu.memref_slice %arg9[%add3A_30, %dma_start3A_37] : memref<10240x128xf32, #tpu.memory_space<vmem_shared>> -> memref<128x128xf32, #tpu.memory_space<vmem_shared>>
      tpu.enqueue_dma source(%dma_start3A_38 : memref<128x128xf32, #tpu.memory_space<vmem_shared>>) target(%dma_start3A_36 : memref<128x128xf32, #tpu.memory_space<hbm>>) target_semaphore(%run_scoped3A : memref<!tpu.dma_semaphore, #tpu.memory_space<semaphore_mem>>)
      %dma_wait3A = arith.constant 0 : i32
      %dma_wait3A_39 = tpu.memref_slice %arg5[%arg0, %add3A_30, %dma_wait3A] : memref<2x10240x128xf32, #tpu.memory_space<hbm>> -> memref<1x128x128xf32, #tpu.memory_space<hbm>>
      %dma_wait3A_40 = tpu.memref_squeeze %dma_wait3A_39 : memref<1x128x128xf32, #tpu.memory_space<hbm>> -> memref<128x128xf32, #tpu.memory_space<hbm>>
      %dma_wait3A_41 = arith.constant 0 : i32
      %dma_wait3A_42 = tpu.memref_slice %arg9[%add3A_30, %dma_wait3A_41] : memref<10240x128xf32, #tpu.memory_space<vmem_shared>> -> memref<128x128xf32, #tpu.memory_space<vmem_shared>>
      tpu.wait_dma2 semaphore(%run_scoped3A : memref<!tpu.dma_semaphore, #tpu.memory_space<semaphore_mem>>) src(%dma_wait3A_42 : memref<128x128xf32, #tpu.memory_space<vmem_shared>>) dst(%dma_wait3A_40 : memref<128x128xf32, #tpu.memory_space<hbm>>)
      tpu.yield
    }) : () -> ()
    %add3A_31 = arith.constant 384 : i32
    %add3A_32 = arith.addi %mul3A_7, %add3A_31 : i32
    "tpu.region"() ({
      %run_scoped3A = tpu.sem_alloc : memref<!tpu.dma_semaphore, #tpu.memory_space<semaphore_mem>>
      %dma_start3A = arith.constant 0 : i32
      %dma_start3A_35 = tpu.memref_slice %arg5[%arg0, %add3A_32, %dma_start3A] : memref<2x10240x128xf32, #tpu.memory_space<hbm>> -> memref<1x128x128xf32, #tpu.memory_space<hbm>>
      %dma_start3A_36 = tpu.memref_squeeze %dma_start3A_35 : memref<1x128x128xf32, #tpu.memory_space<hbm>> -> memref<128x128xf32, #tpu.memory_space<hbm>>
      %dma_start3A_37 = arith.constant 0 : i32
      %dma_start3A_38 = tpu.memref_slice %arg9[%add3A_32, %dma_start3A_37] : memref<10240x128xf32, #tpu.memory_space<vmem_shared>> -> memref<128x128xf32, #tpu.memory_space<vmem_shared>>
      tpu.enqueue_dma source(%dma_start3A_38 : memref<128x128xf32, #tpu.memory_space<vmem_shared>>) target(%dma_start3A_36 : memref<128x128xf32, #tpu.memory_space<hbm>>) target_semaphore(%run_scoped3A : memref<!tpu.dma_semaphore, #tpu.memory_space<semaphore_mem>>)
      %dma_wait3A = arith.constant 0 : i32
      %dma_wait3A_39 = tpu.memref_slice %arg5[%arg0, %add3A_32, %dma_wait3A] : memref<2x10240x128xf32, #tpu.memory_space<hbm>> -> memref<1x128x128xf32, #tpu.memory_space<hbm>>
      %dma_wait3A_40 = tpu.memref_squeeze %dma_wait3A_39 : memref<1x128x128xf32, #tpu.memory_space<hbm>> -> memref<128x128xf32, #tpu.memory_space<hbm>>
      %dma_wait3A_41 = arith.constant 0 : i32
      %dma_wait3A_42 = tpu.memref_slice %arg9[%add3A_32, %dma_wait3A_41] : memref<10240x128xf32, #tpu.memory_space<vmem_shared>> -> memref<128x128xf32, #tpu.memory_space<vmem_shared>>
      tpu.wait_dma2 semaphore(%run_scoped3A : memref<!tpu.dma_semaphore, #tpu.memory_space<semaphore_mem>>) src(%dma_wait3A_42 : memref<128x128xf32, #tpu.memory_space<vmem_shared>>) dst(%dma_wait3A_40 : memref<128x128xf32, #tpu.memory_space<hbm>>)
      tpu.yield
    }) : () -> ()
    %add3A_33 = arith.constant 512 : i32
    %add3A_34 = arith.addi %mul3A_7, %add3A_33 : i32
    "tpu.region"() ({
      %run_scoped3A = tpu.sem_alloc : memref<!tpu.dma_semaphore, #tpu.memory_space<semaphore_mem>>
      %dma_start3A = arith.constant 0 : i32
      %dma_start3A_35 = tpu.memref_slice %arg5[%arg0, %add3A_34, %dma_start3A] : memref<2x10240x128xf32, #tpu.memory_space<hbm>> -> memref<1x128x128xf32, #tpu.memory_space<hbm>>
      %dma_start3A_36 = tpu.memref_squeeze %dma_start3A_35 : memref<1x128x128xf32, #tpu.memory_space<hbm>> -> memref<128x128xf32, #tpu.memory_space<hbm>>
      %dma_start3A_37 = arith.constant 0 : i32
      %dma_start3A_38 = tpu.memref_slice %arg9[%add3A_34, %dma_start3A_37] : memref<10240x128xf32, #tpu.memory_space<vmem_shared>> -> memref<128x128xf32, #tpu.memory_space<vmem_shared>>
      tpu.enqueue_dma source(%dma_start3A_38 : memref<128x128xf32, #tpu.memory_space<vmem_shared>>) target(%dma_start3A_36 : memref<128x128xf32, #tpu.memory_space<hbm>>) target_semaphore(%run_scoped3A : memref<!tpu.dma_semaphore, #tpu.memory_space<semaphore_mem>>)
      %dma_wait3A = arith.constant 0 : i32
      %dma_wait3A_39 = tpu.memref_slice %arg5[%arg0, %add3A_34, %dma_wait3A] : memref<2x10240x128xf32, #tpu.memory_space<hbm>> -> memref<1x128x128xf32, #tpu.memory_space<hbm>>
      %dma_wait3A_40 = tpu.memref_squeeze %dma_wait3A_39 : memref<1x128x128xf32, #tpu.memory_space<hbm>> -> memref<128x128xf32, #tpu.memory_space<hbm>>
      %dma_wait3A_41 = arith.constant 0 : i32
      %dma_wait3A_42 = tpu.memref_slice %arg9[%add3A_34, %dma_wait3A_41] : memref<10240x128xf32, #tpu.memory_space<vmem_shared>> -> memref<128x128xf32, #tpu.memory_space<vmem_shared>>
      tpu.wait_dma2 semaphore(%run_scoped3A : memref<!tpu.dma_semaphore, #tpu.memory_space<semaphore_mem>>) src(%dma_wait3A_42 : memref<128x128xf32, #tpu.memory_space<vmem_shared>>) dst(%dma_wait3A_40 : memref<128x128xf32, #tpu.memory_space<hbm>>)
      tpu.yield
    }) : () -> ()
    return
  }
}

module attributes {stable_mosaic.version = 14 : i64} {
  func.func @body(%arg0: i32, %arg1: memref<2000x128xf32, #tpu.memory_space<vmem>>, %arg2: memref<128x128xf32, #tpu.memory_space<vmem>>, %arg3: memref<2000x2xf32, #tpu.memory_space<vmem>>, %arg4: memref<2000x128xf32, #tpu.memory_space<vmem>>, %arg5: memref<2000x1xf32, #tpu.memory_space<vmem>>) attributes {dimension_semantics = [#tpu.dimension_semantics<arbitrary>], iteration_bounds = array<i64: 5>, scalar_prefetch = 0 : i64, scratch_operands = 0 : i64, tpu.core_type = #tpu.core_type<tc>, window_params = [{transform_indices = @transform_0, window_bounds = array<i64: 2000, 128>}, {pipeline_mode = #tpu.pipeline_mode<synchronous>, transform_indices = @transform_1, window_bounds = array<i64: 128, 128>}, {transform_indices = @transform_2, window_bounds = array<i64: 2000, 2>}, {transform_indices = @transform_3, window_bounds = array<i64: 2000, 128>}, {transform_indices = @transform_4, window_bounds = array<i64: 2000, 1>}]} {
    %get3A = arith.constant 0 : index
    %get3A_0 = arith.constant 0 : index
    %get3A_1 = vector.load %arg3[%get3A, %get3A_0] : memref<2000x2xf32, #tpu.memory_space<vmem>>, vector<2000x1xf32>
    %get3A_2 = vector.shape_cast %get3A_1 : vector<2000x1xf32> to vector<2000xf32>
    %get3A_3 = arith.constant 0 : index
    %get3A_4 = arith.constant 1 : index
    %get3A_5 = vector.load %arg3[%get3A_3, %get3A_4] : memref<2000x2xf32, #tpu.memory_space<vmem>>, vector<2000x1xf32>
    %get3A_6 = vector.shape_cast %get3A_5 : vector<2000x1xf32> to vector<2000xf32>
    %add3A = arith.addf %get3A_2, %get3A_6 : vector<2000xf32>
    %add3A_7 = arith.constant 1.000000e+00 : f32
    %add3A_8 = vector.broadcast %add3A_7 : f32 to vector<2000xf32>
    %add3A_9 = arith.addf %add3A, %add3A_8 : vector<2000xf32>
    %rsqrt3A = math.rsqrt %add3A_9 : vector<2000xf32>
    %get3A_10 = arith.constant 0 : index
    %get3A_11 = arith.constant 0 : index
    %get3A_12 = vector.load %arg1[%get3A_10, %get3A_11] : memref<2000x128xf32, #tpu.memory_space<vmem>>, vector<2000x128xf32>
    %get3A_13 = arith.constant 0 : index
    %get3A_14 = arith.constant 0 : index
    %get3A_15 = vector.load %arg2[%get3A_13, %get3A_14] : memref<128x128xf32, #tpu.memory_space<vmem>>, vector<128x128xf32>
    %dot_general3A = arith.constant dense<0.000000e+00> : vector<2000x128xf32>
    %dot_general3A_16 = tpu.matmul %get3A_12, %get3A_15, %dot_general3A {dimension_numbers = #tpu.dot_dimension_numbers<[1], [0], [0], [1], [0, 0, 1, 1], [], []>, precision = #tpu.contract_precision<fp32>, transpose_lhs_hint = false} : vector<2000x128xf32>, vector<128x128xf32>, vector<2000x128xf32> -> vector<2000x128xf32>
    %broadcast_in_dim3A = vector.shape_cast %rsqrt3A : vector<2000xf32> to vector<2000x1xf32>
    %mul3A = vector.broadcast %broadcast_in_dim3A : vector<2000x1xf32> to vector<2000x128xf32>
    %mul3A_17 = arith.mulf %dot_general3A_16, %mul3A : vector<2000x128xf32>
    %swap3A = arith.constant 0 : index
    %swap3A_18 = arith.constant 0 : index
    %swap3A_19 = vector.load %arg4[%swap3A, %swap3A_18] : memref<2000x128xf32, #tpu.memory_space<vmem>>, vector<2000x128xf32>
    tpu.vector_store %arg4[%swap3A, %swap3A_18], %mul3A_17 {strides = array<i32>} : memref<2000x128xf32, #tpu.memory_space<vmem>>, vector<2000x128xf32>,
    %broadcast_in_dim3A_20 = vector.shape_cast %rsqrt3A : vector<2000xf32> to vector<2000x1xf32>
    %swap3A_21 = arith.constant 0 : index
    %swap3A_22 = arith.constant 0 : index
    %swap3A_23 = vector.load %arg5[%swap3A_21, %swap3A_22] : memref<2000x1xf32, #tpu.memory_space<vmem>>, vector<2000x1xf32>
    tpu.vector_store %arg5[%swap3A_21, %swap3A_22], %broadcast_in_dim3A_20 {strides = array<i32>} : memref<2000x1xf32, #tpu.memory_space<vmem>>, vector<2000x1xf32>,
    return
  }
  func.func @transform_0(%arg0: i32) -> (i32, i32) {
    %c0_i32 = arith.constant 0 : i32
    %c0_i32_0 = arith.constant 0 : i32
    return %arg0, %c0_i32 : i32, i32
  }
  func.func @transform_1(%arg0: i32) -> (i32, i32) {
    %c0_i32 = arith.constant 0 : i32
    %c0_i32_0 = arith.constant 0 : i32
    %c0_i32_1 = arith.constant 0 : i32
    return %c0_i32, %c0_i32_0 : i32, i32
  }
  func.func @transform_2(%arg0: i32) -> (i32, i32) {
    %c0_i32 = arith.constant 0 : i32
    %c0_i32_0 = arith.constant 0 : i32
    return %arg0, %c0_i32 : i32, i32
  }
  func.func @transform_3(%arg0: i32) -> (i32, i32) {
    %c0_i32 = arith.constant 0 : i32
    %c0_i32_0 = arith.constant 0 : i32
    return %arg0, %c0_i32 : i32, i32
  }
  func.func @transform_4(%arg0: i32) -> (i32, i32) {
    %c0_i32 = arith.constant 0 : i32
    %c0_i32_0 = arith.constant 0 : i32
    return %arg0, %c0_i32 : i32, i32
  }
}

module attributes {stable_mosaic.version = 14 : i64} {
  func.func @body(%arg0: i32, %arg1: memref<2x2000x128xf32, #tpu.memory_space<vmem>>, %arg2: memref<2000x128xf32, #tpu.memory_space<vmem>>, %arg3: memref<2000x1xf32, #tpu.memory_space<vmem>>, %arg4: memref<1x128xf32, #tpu.memory_space<vmem>>, %arg5: memref<128x128xf32, #tpu.memory_space<vmem>>, %arg6: memref<128x128xf32, #tpu.memory_space<vmem>>, %arg7: memref<2000x128xf32, #tpu.memory_space<vmem>>) attributes {dimension_semantics = [#tpu.dimension_semantics<arbitrary>], iteration_bounds = array<i64: 5>, scalar_prefetch = 0 : i64, scratch_operands = 0 : i64, tpu.core_type = #tpu.core_type<tc>, window_params = [{transform_indices = @transform_0, window_bounds = array<i64: 2, 2000, 128>}, {transform_indices = @transform_1, window_bounds = array<i64: 2000, 128>}, {transform_indices = @transform_2, window_bounds = array<i64: 2000, 1>}, {pipeline_mode = #tpu.pipeline_mode<synchronous>, transform_indices = @transform_3, window_bounds = array<i64: 1, 128>}, {pipeline_mode = #tpu.pipeline_mode<synchronous>, transform_indices = @transform_4, window_bounds = array<i64: 128, 128>}, {pipeline_mode = #tpu.pipeline_mode<synchronous>, transform_indices = @transform_5, window_bounds = array<i64: 128, 128>}, {transform_indices = @transform_6, window_bounds = array<i64: 2000, 128>}]} {
    %get3A = arith.constant 0 : index
    %get3A_0 = arith.constant 0 : index
    %get3A_1 = vector.load %arg3[%get3A, %get3A_0] : memref<2000x1xf32, #tpu.memory_space<vmem>>, vector<2000x1xf32>
    %get3A_2 = arith.constant 0 : index
    %get3A_3 = arith.constant 0 : index
    %get3A_4 = arith.constant 0 : index
    %get3A_5 = vector.load %arg1[%get3A_2, %get3A_3, %get3A_4] : memref<2x2000x128xf32, #tpu.memory_space<vmem>>, vector<1x2000x128xf32>
    %get3A_6 = vector.shape_cast %get3A_5 : vector<1x2000x128xf32> to vector<2000x128xf32>
    %get3A_7 = arith.constant 1 : index
    %get3A_8 = arith.constant 0 : index
    %get3A_9 = arith.constant 0 : index
    %get3A_10 = vector.load %arg1[%get3A_7, %get3A_8, %get3A_9] : memref<2x2000x128xf32, #tpu.memory_space<vmem>>, vector<1x2000x128xf32>
    %get3A_11 = vector.shape_cast %get3A_10 : vector<1x2000x128xf32> to vector<2000x128xf32>
    %add3A = arith.addf %get3A_6, %get3A_11 : vector<2000x128xf32>
    %get3A_12 = arith.constant 0 : index
    %get3A_13 = arith.constant 0 : index
    %get3A_14 = vector.load %arg2[%get3A_12, %get3A_13] : memref<2000x128xf32, #tpu.memory_space<vmem>>, vector<2000x128xf32>
    %add3A_15 = arith.addf %add3A, %get3A_14 : vector<2000x128xf32>
    %mul3A = vector.broadcast %get3A_1 : vector<2000x1xf32> to vector<2000x128xf32>
    %mul3A_16 = arith.mulf %add3A_15, %mul3A : vector<2000x128xf32>
    %get3A_17 = arith.constant 0 : index
    %get3A_18 = arith.constant 0 : index
    %get3A_19 = vector.load %arg4[%get3A_17, %get3A_18] : memref<1x128xf32, #tpu.memory_space<vmem>>, vector<1x128xf32>
    %add3A_20 = vector.broadcast %get3A_19 : vector<1x128xf32> to vector<2000x128xf32>
    %add3A_21 = arith.addf %mul3A_16, %add3A_20 : vector<2000x128xf32>
    %max3A = arith.constant 0.000000e+00 : f32
    %max3A_22 = vector.broadcast %max3A : f32 to vector<2000x128xf32>
    %max3A_23 = arith.maximumf %add3A_21, %max3A_22 : vector<2000x128xf32>
    %get3A_24 = arith.constant 0 : index
    %get3A_25 = arith.constant 0 : index
    %get3A_26 = vector.load %arg5[%get3A_24, %get3A_25] : memref<128x128xf32, #tpu.memory_space<vmem>>, vector<128x128xf32>
    %dot_general3A = arith.constant dense<0.000000e+00> : vector<2000x128xf32>
    %dot_general3A_27 = tpu.matmul %max3A_23, %get3A_26, %dot_general3A {dimension_numbers = #tpu.dot_dimension_numbers<[1], [1], [0], [0], [0, 0, 1, 0], [], []>, precision = #tpu.contract_precision<fp32>, transpose_lhs_hint = false} : vector<2000x128xf32>, vector<128x128xf32>, vector<2000x128xf32> -> vector<2000x128xf32>
    %add3A_28 = arith.addf %max3A_23, %dot_general3A_27 : vector<2000x128xf32>
    %max3A_29 = arith.constant 0.000000e+00 : f32
    %max3A_30 = vector.broadcast %max3A_29 : f32 to vector<2000x128xf32>
    %max3A_31 = arith.maximumf %add3A_28, %max3A_30 : vector<2000x128xf32>
    %get3A_32 = arith.constant 0 : index
    %get3A_33 = arith.constant 0 : index
    %get3A_34 = vector.load %arg6[%get3A_32, %get3A_33] : memref<128x128xf32, #tpu.memory_space<vmem>>, vector<128x128xf32>
    %dot_general3A_35 = arith.constant dense<0.000000e+00> : vector<2000x128xf32>
    %dot_general3A_36 = tpu.matmul %max3A_31, %get3A_34, %dot_general3A_35 {dimension_numbers = #tpu.dot_dimension_numbers<[1], [0], [0], [1], [0, 0, 1, 1], [], []>, precision = #tpu.contract_precision<fp32>, transpose_lhs_hint = false} : vector<2000x128xf32>, vector<128x128xf32>, vector<2000x128xf32> -> vector<2000x128xf32>
    %mul3A_37 = vector.broadcast %get3A_1 : vector<2000x1xf32> to vector<2000x128xf32>
    %mul3A_38 = arith.mulf %dot_general3A_36, %mul3A_37 : vector<2000x128xf32>
    %swap3A = arith.constant 0 : index
    %swap3A_39 = arith.constant 0 : index
    %swap3A_40 = vector.load %arg7[%swap3A, %swap3A_39] : memref<2000x128xf32, #tpu.memory_space<vmem>>, vector<2000x128xf32>
    tpu.vector_store %arg7[%swap3A, %swap3A_39], %mul3A_38 {strides = array<i32>} : memref<2000x128xf32, #tpu.memory_space<vmem>>, vector<2000x128xf32>,
    return
  }
  func.func @transform_0(%arg0: i32) -> (i32, i32, i32) {
    %c0_i32 = arith.constant 0 : i32
    %c0_i32_0 = arith.constant 0 : i32
    %c0_i32_1 = arith.constant 0 : i32
    return %c0_i32, %arg0, %c0_i32_0 : i32, i32, i32
  }
  func.func @transform_1(%arg0: i32) -> (i32, i32) {
    %c0_i32 = arith.constant 0 : i32
    %c0_i32_0 = arith.constant 0 : i32
    return %arg0, %c0_i32 : i32, i32
  }
  func.func @transform_2(%arg0: i32) -> (i32, i32) {
    %c0_i32 = arith.constant 0 : i32
    %c0_i32_0 = arith.constant 0 : i32
    return %arg0, %c0_i32 : i32, i32
  }
  func.func @transform_3(%arg0: i32) -> (i32, i32) {
    %c0_i32 = arith.constant 0 : i32
    %c0_i32_0 = arith.constant 0 : i32
    %c0_i32_1 = arith.constant 0 : i32
    return %c0_i32, %c0_i32_0 : i32, i32
  }
  func.func @transform_4(%arg0: i32) -> (i32, i32) {
    %c0_i32 = arith.constant 0 : i32
    %c0_i32_0 = arith.constant 0 : i32
    %c0_i32_1 = arith.constant 0 : i32
    return %c0_i32, %c0_i32_0 : i32, i32
  }
  func.func @transform_5(%arg0: i32) -> (i32, i32) {
    %c0_i32 = arith.constant 0 : i32
    %c0_i32_0 = arith.constant 0 : i32
    %c0_i32_1 = arith.constant 0 : i32
    return %c0_i32, %c0_i32_0 : i32, i32
  }
  func.func @transform_6(%arg0: i32) -> (i32, i32) {
    %c0_i32 = arith.constant 0 : i32
    %c0_i32_0 = arith.constant 0 : i32
    return %arg0, %c0_i32 : i32, i32
  }
}

module attributes {stable_mosaic.version = 14 : i64} {
  func.func @body(%arg0: i32, %arg1: memref<2x2000x128xf32, #tpu.memory_space<vmem>>, %arg2: memref<2000x128xf32, #tpu.memory_space<vmem>>, %arg3: memref<2000x1xf32, #tpu.memory_space<vmem>>, %arg4: memref<1x128xf32, #tpu.memory_space<vmem>>, %arg5: memref<128x128xf32, #tpu.memory_space<vmem>>, %arg6: memref<2000x128xf32, #tpu.memory_space<vmem>>) attributes {dimension_semantics = [#tpu.dimension_semantics<arbitrary>], iteration_bounds = array<i64: 5>, scalar_prefetch = 0 : i64, scratch_operands = 0 : i64, tpu.core_type = #tpu.core_type<tc>, window_params = [{transform_indices = @transform_0, window_bounds = array<i64: 2, 2000, 128>}, {transform_indices = @transform_1, window_bounds = array<i64: 2000, 128>}, {transform_indices = @transform_2, window_bounds = array<i64: 2000, 1>}, {pipeline_mode = #tpu.pipeline_mode<synchronous>, transform_indices = @transform_3, window_bounds = array<i64: 1, 128>}, {pipeline_mode = #tpu.pipeline_mode<synchronous>, transform_indices = @transform_4, window_bounds = array<i64: 128, 128>}, {transform_indices = @transform_5, window_bounds = array<i64: 2000, 128>}]} {
    %get3A = arith.constant 0 : index
    %get3A_0 = arith.constant 0 : index
    %get3A_1 = vector.load %arg3[%get3A, %get3A_0] : memref<2000x1xf32, #tpu.memory_space<vmem>>, vector<2000x1xf32>
    %get3A_2 = arith.constant 0 : index
    %get3A_3 = arith.constant 0 : index
    %get3A_4 = arith.constant 0 : index
    %get3A_5 = vector.load %arg1[%get3A_2, %get3A_3, %get3A_4] : memref<2x2000x128xf32, #tpu.memory_space<vmem>>, vector<1x2000x128xf32>
    %get3A_6 = vector.shape_cast %get3A_5 : vector<1x2000x128xf32> to vector<2000x128xf32>
    %get3A_7 = arith.constant 1 : index
    %get3A_8 = arith.constant 0 : index
    %get3A_9 = arith.constant 0 : index
    %get3A_10 = vector.load %arg1[%get3A_7, %get3A_8, %get3A_9] : memref<2x2000x128xf32, #tpu.memory_space<vmem>>, vector<1x2000x128xf32>
    %get3A_11 = vector.shape_cast %get3A_10 : vector<1x2000x128xf32> to vector<2000x128xf32>
    %add3A = arith.addf %get3A_6, %get3A_11 : vector<2000x128xf32>
    %get3A_12 = arith.constant 0 : index
    %get3A_13 = arith.constant 0 : index
    %get3A_14 = vector.load %arg2[%get3A_12, %get3A_13] : memref<2000x128xf32, #tpu.memory_space<vmem>>, vector<2000x128xf32>
    %add3A_15 = arith.addf %add3A, %get3A_14 : vector<2000x128xf32>
    %mul3A = vector.broadcast %get3A_1 : vector<2000x1xf32> to vector<2000x128xf32>
    %mul3A_16 = arith.mulf %add3A_15, %mul3A : vector<2000x128xf32>
    %get3A_17 = arith.constant 0 : index
    %get3A_18 = arith.constant 0 : index
    %get3A_19 = vector.load %arg4[%get3A_17, %get3A_18] : memref<1x128xf32, #tpu.memory_space<vmem>>, vector<1x128xf32>
    %add3A_20 = vector.broadcast %get3A_19 : vector<1x128xf32> to vector<2000x128xf32>
    %add3A_21 = arith.addf %mul3A_16, %add3A_20 : vector<2000x128xf32>
    %max3A = arith.constant 0.000000e+00 : f32
    %max3A_22 = vector.broadcast %max3A : f32 to vector<2000x128xf32>
    %max3A_23 = arith.maximumf %add3A_21, %max3A_22 : vector<2000x128xf32>
    %get3A_24 = arith.constant 0 : index
    %get3A_25 = arith.constant 0 : index
    %get3A_26 = vector.load %arg5[%get3A_24, %get3A_25] : memref<128x128xf32, #tpu.memory_space<vmem>>, vector<128x128xf32>
    %dot_general3A = arith.constant dense<0.000000e+00> : vector<2000x128xf32>
    %dot_general3A_27 = tpu.matmul %max3A_23, %get3A_26, %dot_general3A {dimension_numbers = #tpu.dot_dimension_numbers<[1], [1], [0], [0], [0, 0, 1, 0], [], []>, precision = #tpu.contract_precision<fp32>, transpose_lhs_hint = false} : vector<2000x128xf32>, vector<128x128xf32>, vector<2000x128xf32> -> vector<2000x128xf32>
    %add3A_28 = arith.addf %max3A_23, %dot_general3A_27 : vector<2000x128xf32>
    %max3A_29 = arith.constant 0.000000e+00 : f32
    %max3A_30 = vector.broadcast %max3A_29 : f32 to vector<2000x128xf32>
    %max3A_31 = arith.maximumf %add3A_28, %max3A_30 : vector<2000x128xf32>
    %swap3A = arith.constant 0 : index
    %swap3A_32 = arith.constant 0 : index
    %swap3A_33 = vector.load %arg6[%swap3A, %swap3A_32] : memref<2000x128xf32, #tpu.memory_space<vmem>>, vector<2000x128xf32>
    tpu.vector_store %arg6[%swap3A, %swap3A_32], %max3A_31 {strides = array<i32>} : memref<2000x128xf32, #tpu.memory_space<vmem>>, vector<2000x128xf32>,
    return
  }
  func.func @transform_0(%arg0: i32) -> (i32, i32, i32) {
    %c0_i32 = arith.constant 0 : i32
    %c0_i32_0 = arith.constant 0 : i32
    %c0_i32_1 = arith.constant 0 : i32
    return %c0_i32, %arg0, %c0_i32_0 : i32, i32, i32
  }
  func.func @transform_1(%arg0: i32) -> (i32, i32) {
    %c0_i32 = arith.constant 0 : i32
    %c0_i32_0 = arith.constant 0 : i32
    return %arg0, %c0_i32 : i32, i32
  }
  func.func @transform_2(%arg0: i32) -> (i32, i32) {
    %c0_i32 = arith.constant 0 : i32
    %c0_i32_0 = arith.constant 0 : i32
    return %arg0, %c0_i32 : i32, i32
  }
  func.func @transform_3(%arg0: i32) -> (i32, i32) {
    %c0_i32 = arith.constant 0 : i32
    %c0_i32_0 = arith.constant 0 : i32
    %c0_i32_1 = arith.constant 0 : i32
    return %c0_i32, %c0_i32_0 : i32, i32
  }
  func.func @transform_4(%arg0: i32) -> (i32, i32) {
    %c0_i32 = arith.constant 0 : i32
    %c0_i32_0 = arith.constant 0 : i32
    %c0_i32_1 = arith.constant 0 : i32
    return %c0_i32, %c0_i32_0 : i32, i32
  }
  func.func @transform_5(%arg0: i32) -> (i32, i32) {
    %c0_i32 = arith.constant 0 : i32
    %c0_i32_0 = arith.constant 0 : i32
    return %arg0, %c0_i32 : i32, i32
  }
}

</mosaic_0001>

<sc_bundles>
// kernel: kernel.10.cloned.1.call-start
scs
__scs_entry_jumppad:
0x0: {  	(pc) =	sbr.rel $0x88, $3  }
0x1: {  	(tag) =	ssettag $0x0;
	lr =	simm.s32 $0x1  }
0x2: {  	[smem:$0x3F96] =	sst lr;
	_ =	strace $0xD0000000  }
0x3: {  	_ = 	snop  }
0x4: {  	_ = 	snop  }
0x5: {  	_ = 	snop  }
0x6: {  	_ = 	snop  }
0x7: {  	_ = 	snop  }
__scs_overlays_trampoline_lowered:
0x8: {  	[smem:$0x3FA5] =	sst s0  }
0x9: {  	[smem:$0x3FA6] =	sst s1  }
0xa: {  	[smem:$0x3FA7] =	sst s2  }
0xb: {  	[smem:$0x3FA8] =	sst s3  }
0xc: {  	[smem:$0x3FA9] =	sst s4  }
0xd: {  	[smem:$0x3FAA] =	sst s5  }
0xe: {  	[smem:$0x3FAB] =	sst s6  }
0xf: {  	[smem:$0x3FAC] =	sst s7  }
0x10: {  	[smem:$0x3FAD] =	sst s8  }
0x11: {  	[smem:$0x3FAE] =	sst s9;
	s0 =	simm.s32 @!p0 $0x0  }
0x12: {  	s1 =	sld [smem:$0x3F94];
	s0 =	simm.s32 @p0 $0x1  }
0x13: {  	[smem:$0x3FAF] =	sst s0;
	s0 =	simm.s32 @!p1 $0x0  }
0x14: {  	s2 =	sld [smem:$0x3F93];
	s0 =	simm.s32 @p1 $0x1  }
0x15: {  	[smem:$0x3FB0] =	sst s0;
	s0 =	simm.s32 @!p2 $0x0  }
0x16: {  	s3 =	sld [smem:$0x3FDB];
	s0 =	simm.s32 @p2 $0x1  }
0x17: {  	s4 =	simm.s32 $0x1BF5;
	[smem:$0x3FB2] =	sst s0  }
0x18: {  	s0 =	sld [smem:$0x3F95];
	_ =	swait.ge [sflag:s4], $0x0  }
0x19: {  	s7 =	sld [smem:$0x3F96]  }
0x1a: {  	s8 =	sadd.s32 $0xFFFFE003, lr  }
0x1b: {  	s9 =	sadd.s32 $0xFFFFFEF7, lr;
	s5 =	simm.s32 $0xFFFFFFFF;
	p2 =	slt.u32 s8, $0xFFFFF086  }
0x1c: {  	p1 =	slt.u32 s9, $0xF7A;
	s5 =	simm.s32 @!p2 $0x0  }
0x1d: {  	s5 =	simm.s32 @p1 $0x1;
	p0 =	seq.s32 s7, s2  }
0x1e: {  	s7 =	smul.u32 @!p0 $0xF7A, s2;
	p2 =	seq.s32 @!p0 s5, $0x0  }
0x1f: {  	s9 =	smul.u32 $0xF7A, s1;
	s8 =	simm.s32 @!p0 $0x1BF5;
	p2 =	por !p2, p0  }
0x20: {  	[sflag:s8] =	ssyncset.s32 @!p0 $0xFFFFF086;
	s6 =	sadd.s32 @!p0 s3, s7;
	s7 =	simm.s32 @!p0 $0x108  }
0x21: {  	s3 =	sadd.s32 s3, s9;
	s6 =	sadd.s32 @!p0 $0x88, s6;
	s7 =	simm.s32 @p2 $0x1082  }
0x22: {  	[simem:s7], [sflag:s8] =	dma.local @!p0 [hbm:s6], $0xF7A  }
0x23: {  	s9 =	sor.u32 $0xD0000000, s2;
	s6 =	simm.s32 $0x108;
	_ =	swait.ge @!p0 [sflag:s8], $0x0  }
0x24: {  	s3 =	sadd.s32 $0x88, s3;
	s6 =	simm.s32 @!p1 $0x1082;
	[sflag:s4] =	ssyncset.s32 $0xFFFFF086  }
0x25: {  	[simem:s6], [sflag:s4] =	dma.local [hbm:s3], $0xF7A  }
0x26: {  	[smem:$0x3F96] =	sst s1;
	(tag) =	ssettag s2;
	_ =	strace s9  }
0x27: {  	s1 =	sld [smem:$0x3FA6]  }
0x28: {  	s2 =	sld [smem:$0x3FA7]  }
0x29: {  	s4 =	sld [smem:$0x3FA9]  }
0x2a: {  	p0 =	seq.s32 s5, $0x0;
	s5 =	sld [smem:$0x3FAA]  }
0x2b: {  	s6 =	sld [smem:$0x3FAB]  }
0x2c: {  	s7 =	sld [smem:$0x3FAC]  }
0x2d: {  	s3 =	simm.s32 $0x108;
	s8 =	sld [smem:$0x3FAD]  }
0x2e: {  	s3 =	simm.s32 @!p0 $0x1082;
	s9 =	sld [smem:$0x3FAE]  }
0x2f: {  	lr =	sadd.s32 s0, s3;
	s0 =	sld [smem:$0x3FA5]  }
0x30: {  	s3 =	sld [smem:$0x3FA8]  }
0x31: {  	[smem:$0x3FB1] =	sst s10  }
0x32: {  	s10 =	sld [smem:$0x3FAF];
	_ =	sdelay $0x3  }
0x33: {  	p0 =	seq.s32 s10, $0x1;
	s10 =	sld [smem:$0x3FB1];
	_ =	sdelay $0x3  }
0x34: {  	[smem:$0x3FB1] =	sst s10  }
0x35: {  	s10 =	sld [smem:$0x3FB0];
	_ =	sdelay $0x3  }
0x36: {  	p1 =	seq.s32 s10, $0x1;
	s10 =	sld [smem:$0x3FB1];
	_ =	sdelay $0x3  }
0x37: {  	[smem:$0x3FB1] =	sst s10  }
0x38: {  	s10 =	sld [smem:$0x3FB2]  }
0x39: {  	_ = 	snop;
	(pc) =	sbr.ind lr, $3  }
0x3a: {  	_ = 	snop  }
0x3b: {  	_ = 	snop  }
0x3c: {  	p2 =	seq.s32 s10, $0x1;
	s10 =	sld [smem:$0x3FB1]  }
0x3d: {  	_ =	shalt  }
0x3e: {  	_ =	shalt  }
0x3f: {  	_ =	shalt  }
0x40: {  	_ =	shalt  }
0x41: {  	_ =	shalt  }
0x42: {  	_ =	shalt  }
0x43: {  	_ =	shalt  }
0x44: {  	_ =	shalt  }
0x45: {  	_ =	shalt  }
0x46: {  	_ =	shalt  }
0x47: {  	_ =	shalt  }
0x48: {  	_ =	shalt  }
0x49: {  	_ =	shalt  }
0x4a: {  	_ =	shalt  }
0x4b: {  	_ =	shalt  }
0x4c: {  	_ =	shalt  }
0x4d: {  	_ =	shalt  }
0x4e: {  	_ =	shalt  }
0x4f: {  	_ =	shalt  }
0x50: {  	_ =	shalt  }
0x51: {  	_ =	shalt  }
0x52: {  	_ =	shalt  }
0x53: {  	_ =	shalt  }
0x54: {  	_ =	shalt  }
0x55: {  	_ =	shalt  }
0x56: {  	_ =	shalt  }
0x57: {  	_ =	shalt  }
0x58: {  	_ =	shalt  }
0x59: {  	_ =	shalt  }
0x5a: {  	_ =	shalt  }
0x5b: {  	_ =	shalt  }
0x5c: {  	_ =	shalt  }
0x5d: {  	_ =	shalt  }
0x5e: {  	_ =	shalt  }
0x5f: {  	_ =	shalt  }
0x60: {  	_ =	shalt  }
0x61: {  	_ =	shalt  }
0x62: {  	_ =	shalt  }
0x63: {  	_ =	shalt  }
0x64: {  	_ =	shalt  }
0x65: {  	_ =	shalt  }
0x66: {  	_ =	shalt  }
0x67: {  	_ =	shalt  }
0x68: {  	_ =	shalt  }
0x69: {  	_ =	shalt  }
0x6a: {  	_ =	shalt  }
0x6b: {  	_ =	shalt  }
0x6c: {  	_ =	shalt  }
0x6d: {  	_ =	shalt  }
0x6e: {  	_ =	shalt  }
0x6f: {  	_ =	shalt  }
0x70: {  	_ =	shalt  }
0x71: {  	_ =	shalt  }
0x72: {  	_ =	shalt  }
0x73: {  	_ =	shalt  }
0x74: {  	_ =	shalt  }
0x75: {  	_ =	shalt  }
0x76: {  	_ =	shalt  }
0x77: {  	_ =	shalt  }
0x78: {  	_ =	shalt  }
0x79: {  	_ =	shalt  }
0x7a: {  	_ =	shalt  }
0x7b: {  	_ =	shalt  }
0x7c: {  	_ =	shalt  }
0x7d: {  	_ =	shalt  }
0x7e: {  	_ =	shalt  }
0x7f: {  	_ =	shalt  }
0x80: {  	_ =	shalt  }
0x81: {  	_ =	shalt  }
0x82: {  	_ =	shalt  }
0x83: {  	_ =	shalt  }
0x84: {  	_ =	shalt  }
0x85: {  	_ =	shalt  }
0x86: {  	_ =	shalt  }
0x87: {  	_ =	shalt  }
.Lfunc_end0:
.L_simem_size_0:
called_computation_lowered:
.L_overlay_start_0:
0x88: {  	s2 =	sld [smem:$0x3FD9]  }
0x89: {  	s3 =	sld [smem:$0x3FFE];
	_ =	sdelay $0x1  }
0x8a: {  	s1 =	srdreg.scid  }
0x8b: {  	s0 =	sand.u32 $0x1, s1  }
0x8c: {  	s17 =	sshll.u32 s0, $0xA;
	s2 =	sadd.s32 s3, s2  }
0x8d: {  	s2 =	sadd.s32 s2, s17  }
0x8e: {  	[smem:$0x3FBD] =	sst s2  }
0x8f: {  	_ = 	snop  }
0x90: {  	s2 =	sld [smem:$0x3FD0];
	(tm) =	ssettm $0x1  }
0x91: {  	s18 =	sld [smem:$0x3FFB];
	_ =	sdelay $0x3  }
0x92: {  	_ =	strace s18  }
0x93: {  	s3 =	sld [smem:$0x3FFC];
	_ =	sdelay $0x3  }
0x94: {  	_ =	strace s3  }
0x95: {  	s3 =	sld [smem:$0x3FFD];
	_ =	sdelay $0x3  }
0x96: {  	_ =	strace s3  }
0x97: {  	_ =	strace $0x8FFFFFFF  }
0x98: {  	s19 =	sld [smem:$0x3FDB];
	_ =	sdelay $0x1  }
0x99: {  	s4 =	simm.s32 $_scs_section_size  }
0x9a: {  	s5 =	simm.s32 $_size__tile_overlayer_lowered;
	s6 =	simm.s32 $_tile_overlayer_lowered  }
0x9b: {  	s22 =	simm.s32 $0x1BFF;
	s21 =	sshll.u32 s6, $0x1;
	s3 =	sadd.s32 s4, s19  }
0x9c: {  	s7 =	simm.s32 $0x0;
	s20 =	sshll.u32 s5, $0x1;
	s5 =	sadd.s32 s21, s3  }
0x9d: {  	[timem:s7], [sflag:s22] =	dma.local [hbm:s5], s20  }
0x9e: {  	_ =	swait.ge [sflag:s22], s20  }
0x9f: {  	s4 =	ssub.s32 $0x0, s20;
	[sflag:s22] =	ssyncset.done $0x0  }
0xa0: {  	[sflag:s22] =	ssyncadd.s32 s4;
	_ =	sdelay $0x1  }
0xa1: {  	s23 =	simm.s32 $0x1B8B  }
0xa2: {  	_ =	swait.ge [sflag:s23], $0x1  }
0xa3: {  	[sflag:s23] =	ssyncset.done $0x0  }
0xa4: {  	s25 =	simm.s32 $0x1B8E;
	s24 =	sld [smem:$0x3FFE];
	[sflag:s23] =	ssyncadd.s32 $0xFFFFFFFF  }
0xa5: {  	s26 =	simm.s32 $execute0_lowered;
	[smem:$0x3FD2] =	sst s25  }
0xa6: {  	s5 =	sshll.u32 s26, $0x1;
	_ =	strace $0x80000046;
	[dreg:$0x1] =	wrdreg $0xFFFFFFFF  }
0xa7: {  	s28 =	simm.s32 $_size_execute0_lowered;
	s3 =	sadd.s32 s3, s5;
	[dreg:$0x0] =	wrdreg $0x0  }
0xa8: {  	s5 =	sshll.u32 s28, $0x1;
	[dreg:$0x2] =	wrdreg s3  }
0xa9: {  	[dreg:$0x3] =	wrdreg s5  }
0xaa: {  	[dreg:$0x4] =	wrdreg $0xC0  }
0xab: {  	_ =	task [dreg:s7], $0x5FFFF  }
0xac: {  	[dreg:$0x1] =	wrdreg $0xFFFFFFFF  }
0xad: {  	[dreg:$0x0] =	wrdreg $0x60  }
0xae: {  	[dreg:$0x2] =	wrdreg s24  }
0xaf: {  	[dreg:$0x3] =	wrdreg s2  }
0xb0: {  	[dreg:$0x4] =	wrdreg $0x29000  }
0xb1: {  	[dreg:$0x5] =	wrdreg $0x9  }
0xb2: {  	_ =	task.clear_ibuf [dreg:s7], $0x6FFFF;
	_ =	strace $0x90000046  }
0xb3: {  	s29 =	simm.s32 $0x9;
	_ =	strace $0x80000048  }
0xb4: {  	_ =	swait.ge [sflag:s29], $0x1  }
0xb5: {  	[sflag:s29] =	ssyncadd.s32 $0xFFFFFFFF  }
0xb6: {  	_ =	strace $0x90000048  }
0xb7: {  	_ =	sfence  }
0xb8: {  	s30 =	sld [smem:$0x0];
	_ =	sdelay $0x2  }
0xb9: {  	s31 =	sshll.u32 s1, $0xD;
	s1 =	sshrl.u32 s1, $0x2  }
0xba: {  	s3 =	sand.u32 $0x4000, s31;
	s1 =	sadd.s32 s1, s30  }
0xbb: {  	s0 =	sor.u32 s3, s0;
	s1 =	sshll.u32 s1, $0x11  }
0xbc: {  	s0 =	sor.u32 s1, s0  }
0xbd: {  	s0 =	sadd.s32 $0x8F2B, s0  }
0xbe: {  	[sflag:s0] =	ssyncadd.remote.s32 $0x1  }
0xbf: {  	_ =	sfence.sel $0xFFFF  }
0xc0: {  	[dreg:$0x0] =	wrdreg $0xFFFFFFFF;
	(pc) =	sbr.abs _section_cstart, $3  }
0xc1: {  	[dreg:$0x1] =	wrdreg $0xFFFFFFFF  }
0xc2: {  	_ =	task.clear_ibuf [dreg:s7], $0x2FFFF;
	_ =	strace $0x9FFFFFFF  }
0xc3: {  	(tm) =	ssettm $0x7FFFFFFF  }
tec
execute0_lowered:
.L_overlay_start_1:
0x0: {  	(tag) =	ssettag $0x1  }
0x1: {  	s4 =	rddreg [dreg:$0x0]  }
0x2: {  	s0 =	srdreg.scid;
	s14 =	rddreg [dreg:$0x1]  }
0x3: {  	s2 =	rddreg [dreg:$0x2];
	s3 =	simm.s32 $0x0;
	s19 =	simm.s32 $0x2800  }
0x4: {  	s21 =	simm.s32 $0x0;
	s8 =	sand.u32 $0x1, s0;
	s0 =	stileid.u32  }
0x5: {  	[smem:$0x7FF] =	sst s3;
	s1 =	sshll.u32 s8, $0x4;
	s9 =	smul.u32 $0x280, s0  }
0x6: {  	s6 =	ssub.s32 $0x2, s8;
	s16 =	smul.u32 $0x500, s0;
	s17 =	sshll.u32 s8, $0x7  }
0x7: {  	s20 =	sshll.u32 s0, $0x6;
	s5 =	sor.u32 s0, s1;
	s1 =	rddreg [dreg:$0x3]  }
0x8: {  	_ =	strace $0x80000047;
	s29 =	sshrl.u32 s6, $0x1;
	s20 =	sor.u32 $0x1C01, s20  }
0x9: {  	s5 =	smul.u32 $0x500, s5;
	s11 =	sadd.s32 $0x80, s9;
	s15 =	ssub.s32 s6, s29  }
0xa: {  	s12 =	sadd.s32 $0x100, s9;
	s13 =	sadd.s32 $0x180, s9;
	s18 =	sadd.s32 $0x200, s9  }
0xb: {  	s30 =	sor.u32 s17, s16;
	s6 =	sadd.s32 s12, s2;
	s7 =	sadd.s32 s13, s2  }
0xc: {  	s8 =	sadd.s32 s18, s2;
	s16 =	sshrl.u32 s30, $0x3;
	s12 =	sshll.u32 s12, $0x1  }
0xd: {  	s13 =	sshll.u32 s13, $0x1;
	s31 =	sshll.u32 s18, $0x1;
	s15 =	smax.u32 s15, $0x1  }
0xe: {  	s18 =	simm.s32 $0x7D;
	s10 =	sadd.s32 s5, s4;
	s4 =	sadd.s32 s9, s2  }
0xf: {  	s5 =	sadd.s32 s11, s2;
	s11 =	sshll.u32 s11, $0x1;
	s12 =	sor.u32 s17, s12  }
0x10: {  	s13 =	sor.u32 s17, s13;
	s11 =	sor.u32 s17, s11;
	s9 =	sadd.s32 $0x3600, s10  }
0x11: {  	s10 =	sadd.s32 s14, s16;
	s12 =	sshrl.u32 s12, $0x3;
	s13 =	sshrl.u32 s13, $0x3  }
0x12: {  	s16 =	sor.u32 s17, s31;
	s17 =	simm.s32 $0x1;
	s11 =	sshrl.u32 s11, $0x3  }
0x13: {  	s12 =	sadd.s32 s14, s12;
	s13 =	sadd.s32 s14, s13;
	s16 =	sshrl.u32 s16, $0x3  }
0x14: {  	v0 =	vimm.f32 $1.000000000e+00;
	v1 =	vimm.f32 $0.0e+00;
	s11 =	sadd.s32 s14, s11;
	s14 =	sadd.s32 s14, s16;
	s16 =	simm.s32 $0x2880  }
.LBB2_1:
0x15: {  	[tilespmem:$0x2800] =	vst v0  }
0x16: {  	[tilespmem:$0x2880] =	vst v1  }
0x17: {  	[tilespmem:$0x2810] =	vst v0  }
0x18: {  	[tilespmem:$0x2890] =	vst v1  }
0x19: {  	[tilespmem:$0x2820] =	vst v0  }
0x1a: {  	[tilespmem:$0x28A0] =	vst v1  }
0x1b: {  	[tilespmem:$0x2830] =	vst v0  }
0x1c: {  	[tilespmem:$0x28B0] =	vst v1  }
0x1d: {  	[tilespmem:$0x2840] =	vst v0  }
0x1e: {  	[tilespmem:$0x28C0] =	vst v1  }
0x1f: {  	[tilespmem:$0x2850] =	vst v0  }
0x20: {  	[tilespmem:$0x28D0] =	vst v1  }
0x21: {  	[tilespmem:$0x2860] =	vst v0  }
0x22: {  	[tilespmem:$0x28E0] =	vst v1  }
0x23: {  	[tilespmem:$0x2870] =	vst v0  }
0x24: {  	[tilespmem:$0x28F0] =	vst v1  }
0x25: {  	[spmem:s4] =	stream.linear.scatter [tilespmem:s16], [sflag:$0x1], $0x80, $0x38;
	[tilespmem:$0x2B80] =	vst v63  }
0x26: {  	_ =	swait.ge [sflag:s17], $0x80  }
0x27: {  	[sflag:s17] =	ssyncset.done $0x0  }
0x28: {  	[sflag:s17] =	ssyncadd.s32 $0xFFFFFF80  }
0x29: {  	[spmem:s5] =	stream.linear.scatter [tilespmem:s16], [sflag:$0x1], $0x80, $0x38;
	[tilespmem:$0x2B80] =	vst v63  }
0x2a: {  	_ =	swait.ge [sflag:s17], $0x80  }
0x2b: {  	[sflag:s17] =	ssyncset.done $0x0  }
0x2c: {  	[sflag:s17] =	ssyncadd.s32 $0xFFFFFF80  }
0x2d: {  	[spmem:s6] =	stream.linear.scatter [tilespmem:s16], [sflag:$0x1], $0x80, $0x38;
	[tilespmem:$0x2B80] =	vst v63  }
0x2e: {  	_ =	swait.ge [sflag:s17], $0x80  }
0x2f: {  	[sflag:s17] =	ssyncset.done $0x0  }
0x30: {  	[sflag:s17] =	ssyncadd.s32 $0xFFFFFF80  }
0x31: {  	[spmem:s7] =	stream.linear.scatter [tilespmem:s16], [sflag:$0x1], $0x80, $0x38;
	[tilespmem:$0x2B80] =	vst v63  }
0x32: {  	_ =	swait.ge [sflag:s17], $0x80  }
0x33: {  	[sflag:s17] =	ssyncset.done $0x0  }
0x34: {  	[sflag:s17] =	ssyncadd.s32 $0xFFFFFF80  }
0x35: {  	[spmem:s8] =	stream.linear.scatter [tilespmem:s16], [sflag:$0x1], $0x80, $0x38;
	[tilespmem:$0x2B80] =	vst v63  }
0x36: {  	_ =	swait.ge [sflag:s17], $0x80  }
0x37: {  	[sflag:s17] =	ssyncset.done $0x0  }
0x38: {  	[sflag:s17] =	ssyncadd.s32 $0xFFFFFF80  }
0x39: {  	[bflag:$0x0] =	sbarrier.arrive $0xFFFF  }
0x3a: {  	[tilespmem:s3], [sflag:$0x1] =	stream.linear.gather [hbm4b:s9+s3], $0x2800, $0x38;
	[tilespmem:$0x2B80] =	vst v63  }
0x3b: {  	_ =	swait.ge [sflag:s17], $0x2800  }
0x3c: {  	[sflag:s17] =	ssyncset.done $0x0  }
0x3d: {  	s22 =	simm.s32 $0x0;
	[sflag:s17] =	ssyncadd.s32 $0xFFFFD800  }
0x3e: {  	[spmem:s2] =	stream.indirect.scatter.add.f32 [tilespmem:s19], [sflag:$0x1], $0x1, s22, s18, $0xb8;
	[tilespmem:$0x2B80] =	vst v63  }
0x3f: {  	_ =	swait.ge [sflag:s17], $0x7D  }
0x40: {  	s22 =	simm.s32 $0x200;
	[sflag:s17] =	ssyncset.done $0x0  }
.LBB2_2:
0x41: {  	s23 =	sshra.s32 s22, $0x2;
	[sflag:s17] =	ssyncadd.s32 $0xFFFFFF83;
	p0 =	sne.s32 s22, $0x9E00  }
0x42: {  	[spmem:s2] =	stream.indirect.scatter.add.f32 [tilespmem:s19], [sflag:$0x1], $0x1, s23, s18, $0xb8;
	[tilespmem:$0x2B80] =	vst v63  }
.Ltmp0:
0x43: {  	_ = 	snop;
	(pc) =	sbr.rel @p0 .LBB2_2-.Ltmp0, $4  }
0x44: {  	_ = 	snop  }
0x45: {  	s22 =	sadd.s32 $0x200, s22  }
0x46: {  	_ =	swait.ge [sflag:s17], $0x7D  }
0x47: {  	[sflag:s17] =	ssyncset.done $0x0  }
0x48: {  	[sflag:s17] =	ssyncadd.s32 $0xFFFFFF83  }
0x49: {  	s22 =	sshrl.u32 s4, $0x3;
	[bflag:$0x0] =	sbarrier.arrive $0xFFFF  }
0x4a: {  	[hbm:s10], [sflag:s20] =	dma.local [spmem:s22], $0x10  }
0x4b: {  	_ =	swait.ge [sflag:s17], $0x10  }
0x4c: {  	[sflag:s17] =	ssyncset.done $0x0  }
0x4d: {  	s28 =	sshrl.u32 s5, $0x3;
	[sflag:s17] =	ssyncadd.s32 $0xFFFFFFF0  }
0x4e: {  	[hbm:s11], [sflag:s20] =	dma.local [spmem:s28], $0x10  }
0x4f: {  	_ =	swait.ge [sflag:s17], $0x10  }
0x50: {  	[sflag:s17] =	ssyncset.done $0x0  }
0x51: {  	s29 =	sshrl.u32 s6, $0x3;
	[sflag:s17] =	ssyncadd.s32 $0xFFFFFFF0  }
0x52: {  	[hbm:s12], [sflag:s20] =	dma.local [spmem:s29], $0x10  }
0x53: {  	_ =	swait.ge [sflag:s17], $0x10  }
0x54: {  	[sflag:s17] =	ssyncset.done $0x0  }
0x55: {  	s30 =	sshrl.u32 s7, $0x3;
	[sflag:s17] =	ssyncadd.s32 $0xFFFFFFF0  }
0x56: {  	[hbm:s13], [sflag:s20] =	dma.local [spmem:s30], $0x10  }
0x57: {  	s21 =	sadd.s32 $0x1, s21;
	_ =	swait.ge [sflag:s17], $0x10  }
0x58: {  	p0 =	sne.s32 s21, s15;
	[sflag:s17] =	ssyncset.done $0x0  }
.Ltmp1:
0x59: {  	s31 =	sshrl.u32 s8, $0x3;
	[sflag:s17] =	ssyncadd.s32 $0xFFFFFFF0;
	(pc) =	sbr.rel @p0 .LBB2_1-.Ltmp1, $4  }
0x5a: {  	[hbm:s14], [sflag:s20] =	dma.local [spmem:s31], $0x10  }
0x5b: {  	_ =	swait.ge [sflag:s17], $0x10  }
0x5c: {  	[sflag:s17] =	ssyncset.done $0x0  }
0x5d: {  	[sflag:s17] =	ssyncadd.s32 $0xFFFFFFF0  }
0x5e: {  	_ =	sfence.sel $0x180000  }
0x5f: {  	[bflag:$0x0] =	sbarrier.arrive $0xFFFF  }
0x60: {  	p0 =	sne.s32 s0, $0x0;
	_ =	strace $0x90000047  }
0x61: {  	s0 =	sadd.s32 @!p0 $0x100000, s1;
	[bflag:$0x2] =	sbarrier.arrive $0xFFFF  }
0x62: {  	[sflag:s0] =	ssyncadd.tile.s32 @!p0 $0x1;
	_ =	shalt  }
.Lfunc_end2:
_tile_overlayer_lowered:
.L_overlay_start_2:
0x63: {  	(tag) =	ssettag $0x2  }
0x64: {  	s0 =	rddreg [dreg:$0x0];
	s2 =	stileid.u32  }
0x65: {  	s1 =	rddreg [dreg:$0x1];
	p0 =	sne.s32 s2, $0x0  }
0x66: {  	s3 =	rddreg [dreg:$0x2];
	[bflag:$0x3] =	sbarrier.arrive $0xFFFF;
	s2 =	simm.s32 @!p0 $0x1C01  }
0x67: {  	[timem:s3], [sflag:s2] =	dma.local @!p0 [hbm:s0], s1  }
0x68: {  	s0 =	simm.s32 @!p0 $0x1  }
0x69: {  	_ =	swait.ge @!p0 [sflag:s0], s1  }
0x6a: {  	s1 =	ssub.s32 @!p0 $0x0, s1;
	[sflag:s0] =	ssyncset.done @!p0 $0x0  }
0x6b: {  	[sflag:s0] =	ssyncadd.s32 @!p0 s1  }
0x6c: {  	[bflag:$0x3] =	sbarrier.arrive $0xFFFF  }
0x6d: {  	_ =	shalt  }

// kernel: kernel.13.cloned.1.call-start
scs
__scs_entry_jumppad:
0x0: {  	(pc) =	sbr.rel $0x88, $3  }
0x1: {  	(tag) =	ssettag $0x0;
	lr =	simm.s32 $0x1  }
0x2: {  	[smem:$0x3F96] =	sst lr;
	_ =	strace $0xD0000000  }
0x3: {  	_ = 	snop  }
0x4: {  	_ = 	snop  }
0x5: {  	_ = 	snop  }
0x6: {  	_ = 	snop  }
0x7: {  	_ = 	snop  }
__scs_overlays_trampoline_lowered:
0x8: {  	[smem:$0x3FA5] =	sst s0  }
0x9: {  	[smem:$0x3FA6] =	sst s1  }
0xa: {  	[smem:$0x3FA7] =	sst s2  }
0xb: {  	[smem:$0x3FA8] =	sst s3  }
0xc: {  	[smem:$0x3FA9] =	sst s4  }
0xd: {  	[smem:$0x3FAA] =	sst s5  }
0xe: {  	[smem:$0x3FAB] =	sst s6  }
0xf: {  	[smem:$0x3FAC] =	sst s7  }
0x10: {  	[smem:$0x3FAD] =	sst s8  }
0x11: {  	[smem:$0x3FAE] =	sst s9;
	s0 =	simm.s32 @!p0 $0x0  }
0x12: {  	s1 =	sld [smem:$0x3F94];
	s0 =	simm.s32 @p0 $0x1  }
0x13: {  	[smem:$0x3FAF] =	sst s0;
	s0 =	simm.s32 @!p1 $0x0  }
0x14: {  	s2 =	sld [smem:$0x3F93];
	s0 =	simm.s32 @p1 $0x1  }
0x15: {  	[smem:$0x3FB0] =	sst s0;
	s0 =	simm.s32 @!p2 $0x0  }
0x16: {  	s3 =	sld [smem:$0x3FDB];
	s0 =	simm.s32 @p2 $0x1  }
0x17: {  	s4 =	simm.s32 $0x1BF5;
	[smem:$0x3FB2] =	sst s0  }
0x18: {  	s0 =	sld [smem:$0x3F95];
	_ =	swait.ge [sflag:s4], $0x0  }
0x19: {  	s7 =	sld [smem:$0x3F96]  }
0x1a: {  	s8 =	sadd.s32 $0xFFFFE003, lr  }
0x1b: {  	s9 =	sadd.s32 $0xFFFFFEF7, lr;
	s5 =	simm.s32 $0xFFFFFFFF;
	p2 =	slt.u32 s8, $0xFFFFF086  }
0x1c: {  	p1 =	slt.u32 s9, $0xF7A;
	s5 =	simm.s32 @!p2 $0x0  }
0x1d: {  	s5 =	simm.s32 @p1 $0x1;
	p0 =	seq.s32 s7, s2  }
0x1e: {  	s7 =	smul.u32 @!p0 $0xF7A, s2;
	p2 =	seq.s32 @!p0 s5, $0x0  }
0x1f: {  	s9 =	smul.u32 $0xF7A, s1;
	s8 =	simm.s32 @!p0 $0x1BF5;
	p2 =	por !p2, p0  }
0x20: {  	[sflag:s8] =	ssyncset.s32 @!p0 $0xFFFFF086;
	s6 =	sadd.s32 @!p0 s3, s7;
	s7 =	simm.s32 @!p0 $0x108  }
0x21: {  	s3 =	sadd.s32 s3, s9;
	s6 =	sadd.s32 @!p0 $0x88, s6;
	s7 =	simm.s32 @p2 $0x1082  }
0x22: {  	[simem:s7], [sflag:s8] =	dma.local @!p0 [hbm:s6], $0xF7A  }
0x23: {  	s9 =	sor.u32 $0xD0000000, s2;
	s6 =	simm.s32 $0x108;
	_ =	swait.ge @!p0 [sflag:s8], $0x0  }
0x24: {  	s3 =	sadd.s32 $0x88, s3;
	s6 =	simm.s32 @!p1 $0x1082;
	[sflag:s4] =	ssyncset.s32 $0xFFFFF086  }
0x25: {  	[simem:s6], [sflag:s4] =	dma.local [hbm:s3], $0xF7A  }
0x26: {  	[smem:$0x3F96] =	sst s1;
	(tag) =	ssettag s2;
	_ =	strace s9  }
0x27: {  	s1 =	sld [smem:$0x3FA6]  }
0x28: {  	s2 =	sld [smem:$0x3FA7]  }
0x29: {  	s4 =	sld [smem:$0x3FA9]  }
0x2a: {  	p0 =	seq.s32 s5, $0x0;
	s5 =	sld [smem:$0x3FAA]  }
0x2b: {  	s6 =	sld [smem:$0x3FAB]  }
0x2c: {  	s7 =	sld [smem:$0x3FAC]  }
0x2d: {  	s3 =	simm.s32 $0x108;
	s8 =	sld [smem:$0x3FAD]  }
0x2e: {  	s3 =	simm.s32 @!p0 $0x1082;
	s9 =	sld [smem:$0x3FAE]  }
0x2f: {  	lr =	sadd.s32 s0, s3;
	s0 =	sld [smem:$0x3FA5]  }
0x30: {  	s3 =	sld [smem:$0x3FA8]  }
0x31: {  	[smem:$0x3FB1] =	sst s10  }
0x32: {  	s10 =	sld [smem:$0x3FAF];
	_ =	sdelay $0x3  }
0x33: {  	p0 =	seq.s32 s10, $0x1;
	s10 =	sld [smem:$0x3FB1];
	_ =	sdelay $0x3  }
0x34: {  	[smem:$0x3FB1] =	sst s10  }
0x35: {  	s10 =	sld [smem:$0x3FB0];
	_ =	sdelay $0x3  }
0x36: {  	p1 =	seq.s32 s10, $0x1;
	s10 =	sld [smem:$0x3FB1];
	_ =	sdelay $0x3  }
0x37: {  	[smem:$0x3FB1] =	sst s10  }
0x38: {  	s10 =	sld [smem:$0x3FB2]  }
0x39: {  	_ = 	snop;
	(pc) =	sbr.ind lr, $3  }
0x3a: {  	_ = 	snop  }
0x3b: {  	_ = 	snop  }
0x3c: {  	p2 =	seq.s32 s10, $0x1;
	s10 =	sld [smem:$0x3FB1]  }
0x3d: {  	_ =	shalt  }
0x3e: {  	_ =	shalt  }
0x3f: {  	_ =	shalt  }
0x40: {  	_ =	shalt  }
0x41: {  	_ =	shalt  }
0x42: {  	_ =	shalt  }
0x43: {  	_ =	shalt  }
0x44: {  	_ =	shalt  }
0x45: {  	_ =	shalt  }
0x46: {  	_ =	shalt  }
0x47: {  	_ =	shalt  }
0x48: {  	_ =	shalt  }
0x49: {  	_ =	shalt  }
0x4a: {  	_ =	shalt  }
0x4b: {  	_ =	shalt  }
0x4c: {  	_ =	shalt  }
0x4d: {  	_ =	shalt  }
0x4e: {  	_ =	shalt  }
0x4f: {  	_ =	shalt  }
0x50: {  	_ =	shalt  }
0x51: {  	_ =	shalt  }
0x52: {  	_ =	shalt  }
0x53: {  	_ =	shalt  }
0x54: {  	_ =	shalt  }
0x55: {  	_ =	shalt  }
0x56: {  	_ =	shalt  }
0x57: {  	_ =	shalt  }
0x58: {  	_ =	shalt  }
0x59: {  	_ =	shalt  }
0x5a: {  	_ =	shalt  }
0x5b: {  	_ =	shalt  }
0x5c: {  	_ =	shalt  }
0x5d: {  	_ =	shalt  }
0x5e: {  	_ =	shalt  }
0x5f: {  	_ =	shalt  }
0x60: {  	_ =	shalt  }
0x61: {  	_ =	shalt  }
0x62: {  	_ =	shalt  }
0x63: {  	_ =	shalt  }
0x64: {  	_ =	shalt  }
0x65: {  	_ =	shalt  }
0x66: {  	_ =	shalt  }
0x67: {  	_ =	shalt  }
0x68: {  	_ =	shalt  }
0x69: {  	_ =	shalt  }
0x6a: {  	_ =	shalt  }
0x6b: {  	_ =	shalt  }
0x6c: {  	_ =	shalt  }
0x6d: {  	_ =	shalt  }
0x6e: {  	_ =	shalt  }
0x6f: {  	_ =	shalt  }
0x70: {  	_ =	shalt  }
0x71: {  	_ =	shalt  }
0x72: {  	_ =	shalt  }
0x73: {  	_ =	shalt  }
0x74: {  	_ =	shalt  }
0x75: {  	_ =	shalt  }
0x76: {  	_ =	shalt  }
0x77: {  	_ =	shalt  }
0x78: {  	_ =	shalt  }
0x79: {  	_ =	shalt  }
0x7a: {  	_ =	shalt  }
0x7b: {  	_ =	shalt  }
0x7c: {  	_ =	shalt  }
0x7d: {  	_ =	shalt  }
0x7e: {  	_ =	shalt  }
0x7f: {  	_ =	shalt  }
0x80: {  	_ =	shalt  }
0x81: {  	_ =	shalt  }
0x82: {  	_ =	shalt  }
0x83: {  	_ =	shalt  }
0x84: {  	_ =	shalt  }
0x85: {  	_ =	shalt  }
0x86: {  	_ =	shalt  }
0x87: {  	_ =	shalt  }
.Lfunc_end0:
.L_simem_size_0:
called_computation.1_lowered:
.L_overlay_start_0:
0x88: {  	s2 =	sld [smem:$0x3FD9]  }
0x89: {  	s3 =	sld [smem:$0x3FFE];
	_ =	sdelay $0x1  }
0x8a: {  	s1 =	srdreg.scid  }
0x8b: {  	s0 =	sand.u32 $0x1, s1  }
0x8c: {  	s17 =	sshll.u32 s0, $0xA;
	s2 =	sadd.s32 s3, s2  }
0x8d: {  	s2 =	sadd.s32 s2, s17  }
0x8e: {  	[smem:$0x3FBD] =	sst s2  }
0x8f: {  	_ = 	snop  }
0x90: {  	s2 =	sld [smem:$0x3FD0];
	(tm) =	ssettm $0x1  }
0x91: {  	s18 =	sld [smem:$0x3FFB];
	_ =	sdelay $0x3  }
0x92: {  	_ =	strace s18  }
0x93: {  	s3 =	sld [smem:$0x3FFC];
	_ =	sdelay $0x3  }
0x94: {  	_ =	strace s3  }
0x95: {  	s3 =	sld [smem:$0x3FFD];
	_ =	sdelay $0x3  }
0x96: {  	_ =	strace s3  }
0x97: {  	_ =	strace $0x8FFFFFFF  }
0x98: {  	s19 =	sld [smem:$0x3FDB];
	_ =	sdelay $0x1  }
0x99: {  	s4 =	simm.s32 $_scs_section_size  }
0x9a: {  	s5 =	simm.s32 $_size__tile_overlayer_lowered;
	s6 =	simm.s32 $_tile_overlayer_lowered  }
0x9b: {  	s22 =	simm.s32 $0x1BFF;
	s21 =	sshll.u32 s6, $0x1;
	s3 =	sadd.s32 s4, s19  }
0x9c: {  	s7 =	simm.s32 $0x0;
	s20 =	sshll.u32 s5, $0x1;
	s5 =	sadd.s32 s21, s3  }
0x9d: {  	[timem:s7], [sflag:s22] =	dma.local [hbm:s5], s20  }
0x9e: {  	_ =	swait.ge [sflag:s22], s20  }
0x9f: {  	s4 =	ssub.s32 $0x0, s20;
	[sflag:s22] =	ssyncset.done $0x0  }
0xa0: {  	[sflag:s22] =	ssyncadd.s32 s4;
	_ =	sdelay $0x1  }
0xa1: {  	s23 =	simm.s32 $0x1B8B  }
0xa2: {  	_ =	swait.ge [sflag:s23], $0x1  }
0xa3: {  	[sflag:s23] =	ssyncset.done $0x0  }
0xa4: {  	s25 =	simm.s32 $0x1B8E;
	s24 =	sld [smem:$0x3FFE];
	[sflag:s23] =	ssyncadd.s32 $0xFFFFFFFF  }
0xa5: {  	s26 =	simm.s32 $execute0_lowered;
	[smem:$0x3FD2] =	sst s25  }
0xa6: {  	s5 =	sshll.u32 s26, $0x1;
	_ =	strace $0x80000049;
	[dreg:$0x1] =	wrdreg $0xFFFFFFFF  }
0xa7: {  	s28 =	simm.s32 $_size_execute0_lowered;
	s3 =	sadd.s32 s3, s5;
	[dreg:$0x0] =	wrdreg $0x0  }
0xa8: {  	s5 =	sshll.u32 s28, $0x1;
	[dreg:$0x2] =	wrdreg s3  }
0xa9: {  	[dreg:$0x3] =	wrdreg s5  }
0xaa: {  	[dreg:$0x4] =	wrdreg $0xC0  }
0xab: {  	_ =	task [dreg:s7], $0x5FFFF  }
0xac: {  	[dreg:$0x1] =	wrdreg $0xFFFFFFFF  }
0xad: {  	[dreg:$0x0] =	wrdreg $0x60  }
0xae: {  	[dreg:$0x2] =	wrdreg s2  }
0xaf: {  	[dreg:$0x3] =	wrdreg s24  }
0xb0: {  	[dreg:$0x4] =	wrdreg $0x90000  }
0xb1: {  	[dreg:$0x5] =	wrdreg $0x9  }
0xb2: {  	_ =	task.clear_ibuf [dreg:s7], $0x6FFFF;
	_ =	strace $0x90000049  }
0xb3: {  	s29 =	simm.s32 $0x9;
	_ =	strace $0x8000004B  }
0xb4: {  	_ =	swait.ge [sflag:s29], $0x1  }
0xb5: {  	[sflag:s29] =	ssyncadd.s32 $0xFFFFFFFF  }
0xb6: {  	_ =	strace $0x9000004B  }
0xb7: {  	_ =	sfence  }
0xb8: {  	s30 =	sld [smem:$0x0];
	_ =	sdelay $0x2  }
0xb9: {  	s31 =	sshll.u32 s1, $0xD;
	s1 =	sshrl.u32 s1, $0x2  }
0xba: {  	s3 =	sand.u32 $0x4000, s31;
	s1 =	sadd.s32 s1, s30  }
0xbb: {  	s0 =	sor.u32 s3, s0;
	s1 =	sshll.u32 s1, $0x11  }
0xbc: {  	s0 =	sor.u32 s1, s0  }
0xbd: {  	s0 =	sadd.s32 $0x8F2B, s0  }
0xbe: {  	[sflag:s0] =	ssyncadd.remote.s32 $0x1  }
0xbf: {  	_ =	sfence.sel $0xFFFF  }
0xc0: {  	[dreg:$0x0] =	wrdreg $0xFFFFFFFF;
	(pc) =	sbr.abs _section_cstart, $3  }
0xc1: {  	[dreg:$0x1] =	wrdreg $0xFFFFFFFF  }
0xc2: {  	_ =	task.clear_ibuf [dreg:s7], $0x2FFFF;
	_ =	strace $0x9FFFFFFF  }
0xc3: {  	(tm) =	ssettm $0x7FFFFFFF  }
tec
execute0_lowered:
.L_overlay_start_1:
0x0: {  	(tag) =	ssettag $0x1  }
0x1: {  	s1 =	rddreg [dreg:$0x0]  }
0x2: {  	s0 =	srdreg.scid;
	s5 =	rddreg [dreg:$0x1]  }
0x3: {  	s3 =	rddreg [dreg:$0x2];
	s4 =	simm.s32 $0x0;
	s21 =	simm.s32 $0x7D  }
0x4: {  	s22 =	simm.s32 $0x1;
	s7 =	sand.u32 $0x1, s0;
	s0 =	stileid.u32  }
0x5: {  	[smem:$0x7FF] =	sst s4;
	s16 =	sadd.s32 $0x17600, s5;
	s8 =	smul.u32 $0x50000, s0  }
0x6: {  	s2 =	sshll.u32 s7, $0x4;
	s10 =	smul.u32 $0x14000, s0;
	s30 =	ssub.s32 $0x2, s7  }
0x7: {  	s18 =	smul.u32 $0x140000, s7;
	s6 =	sor.u32 s0, s2;
	s2 =	rddreg [dreg:$0x3]  }
0x8: {  	_ =	strace $0x8000004A;
	s31 =	sshrl.u32 s30, $0x1;
	s6 =	smul.u32 $0x500, s6  }
0x9: {  	s8 =	sshrl.u32 s8, $0x2;
	s12 =	sadd.s32 $0x4000, s10;
	s17 =	ssub.s32 s30, s31  }
0xa: {  	s14 =	sadd.s32 $0x8000, s10;
	s15 =	sadd.s32 $0xC000, s10;
	s19 =	sadd.s32 $0x10000, s10  }
0xb: {  	s13 =	sadd.s32 s10, s18;
	s7 =	sadd.s32 s14, s3;
	s9 =	sadd.s32 s19, s3  }
0xc: {  	s13 =	sshrl.u32 s13, $0x3;
	s14 =	sadd.s32 s18, s14;
	s17 =	smax.u32 s17, $0x1  }
0xd: {  	s11 =	sadd.s32 s6, s5;
	s5 =	sadd.s32 s8, s3;
	s6 =	sadd.s32 s12, s3  }
0xe: {  	s8 =	sadd.s32 s15, s3;
	s12 =	sadd.s32 s18, s12;
	s15 =	sadd.s32 s18, s15  }
0xf: {  	s18 =	sadd.s32 s18, s19;
	s14 =	sshrl.u32 s14, $0x3;
	s19 =	simm.s32 $0x2  }
0x10: {  	s10 =	sadd.s32 $0xD600, s11;
	s20 =	sshrl.u32 s12, $0x3;
	s11 =	sadd.s32 $0x3600, s11  }
0x11: {  	s12 =	sadd.s32 s16, s13;
	s15 =	sshrl.u32 s15, $0x3;
	s18 =	sshrl.u32 s18, $0x3  }
0x12: {  	s14 =	sadd.s32 s16, s14;
	s13 =	sadd.s32 s16, s20;
	s15 =	sadd.s32 s16, s15  }
0x13: {  	v0 =	vimm.f32 $0.0e+00;
	s16 =	sadd.s32 s16, s18;
	s18 =	simm.s32 $0x5000;
	s20 =	simm.s32 $0x2800  }
.LBB2_1:
0x14: {  	s23 =	simm.s32 $0x0;
	s24 =	simm.s32 $0x200  }
.LBB2_2:
0x15: {  	p0 =	sne.s32 s24, $0xFE00;
	[tilespmem:s23+$0x5070] =	vst v0  }
0x16: {  	[tilespmem:s23+$0x5000] =	vst v0  }
0x17: {  	[tilespmem:s23+$0x5010] =	vst v0  }
.Ltmp0:
0x18: {  	[tilespmem:s23+$0x5020] =	vst v0;
	(pc) =	sbr.rel @p0 .LBB2_2-.Ltmp0, $4  }
0x19: {  	[tilespmem:s23+$0x5030] =	vst v0  }
0x1a: {  	[tilespmem:s23+$0x5040] =	vst v0  }
0x1b: {  	[tilespmem:s23+$0x5050] =	vst v0  }
0x1c: {  	[tilespmem:s23+$0x5060] =	vst v0;
	s23 =	sshra.s32 s24, $0x2;
	s24 =	sadd.s32 $0x200, s24  }
0x1d: {  	[tilespmem:s23+$0x5070] =	vst v0  }
0x1e: {  	[tilespmem:s23+$0x5000] =	vst v0  }
0x1f: {  	[tilespmem:s23+$0x5010] =	vst v0  }
0x20: {  	[tilespmem:s23+$0x5020] =	vst v0  }
0x21: {  	[tilespmem:s23+$0x5030] =	vst v0  }
0x22: {  	[tilespmem:s23+$0x5040] =	vst v0  }
0x23: {  	[tilespmem:s23+$0x5050] =	vst v0  }
0x24: {  	[tilespmem:s23+$0x5060] =	vst v0  }
0x25: {  	[spmem:s5] =	stream.linear.scatter [tilespmem:s18], [sflag:$0x2], $0x4000, $0x38;
	[tilespmem:$0x1D000] =	vst v63  }
0x26: {  	_ =	swait.ge [sflag:s19], $0x4000  }
0x27: {  	[sflag:s19] =	ssyncset.done $0x0  }
0x28: {  	[sflag:s19] =	ssyncadd.s32 $0xFFFFC000  }
0x29: {  	[spmem:s6] =	stream.linear.scatter [tilespmem:s18], [sflag:$0x2], $0x4000, $0x38;
	[tilespmem:$0x1D000] =	vst v63  }
0x2a: {  	_ =	swait.ge [sflag:s19], $0x4000  }
0x2b: {  	[sflag:s19] =	ssyncset.done $0x0  }
0x2c: {  	[sflag:s19] =	ssyncadd.s32 $0xFFFFC000  }
0x2d: {  	[spmem:s7] =	stream.linear.scatter [tilespmem:s18], [sflag:$0x2], $0x4000, $0x38;
	[tilespmem:$0x1D000] =	vst v63  }
0x2e: {  	_ =	swait.ge [sflag:s19], $0x4000  }
0x2f: {  	[sflag:s19] =	ssyncset.done $0x0  }
0x30: {  	[sflag:s19] =	ssyncadd.s32 $0xFFFFC000  }
0x31: {  	[spmem:s8] =	stream.linear.scatter [tilespmem:s18], [sflag:$0x2], $0x4000, $0x38;
	[tilespmem:$0x1D000] =	vst v63  }
0x32: {  	_ =	swait.ge [sflag:s19], $0x4000  }
0x33: {  	[sflag:s19] =	ssyncset.done $0x0  }
0x34: {  	[sflag:s19] =	ssyncadd.s32 $0xFFFFC000  }
0x35: {  	[spmem:s9] =	stream.linear.scatter [tilespmem:s18], [sflag:$0x2], $0x4000, $0x38;
	[tilespmem:$0x1D000] =	vst v63  }
0x36: {  	_ =	swait.ge [sflag:s19], $0x4000  }
0x37: {  	[sflag:s19] =	ssyncset.done $0x0  }
0x38: {  	[sflag:s19] =	ssyncadd.s32 $0xFFFFC000  }
0x39: {  	s29 =	simm.s32 $0x0;
	[bflag:$0x0] =	sbarrier.arrive $0xFFFF  }
0x3a: {  	[tilespmem:s29], [sflag:$0x2] =	stream.linear.gather [hbm4b:s10+s29], $0x2800, $0x38;
	[tilespmem:$0x1D000] =	vst v63  }
0x3b: {  	_ =	swait.ge [sflag:s19], $0x2800  }
0x3c: {  	[sflag:s19] =	ssyncset.done $0x0  }
0x3d: {  	[sflag:s19] =	ssyncadd.s32 $0xFFFFD800  }
0x3e: {  	[tilespmem:s20], [sflag:$0x2] =	stream.linear.gather [hbm4b:s11+s29], $0x2800, $0x38;
	[tilespmem:$0x1D000] =	vst v63  }
0x3f: {  	_ =	swait.ge [sflag:s19], $0x2800  }
0x40: {  	[sflag:s19] =	ssyncset.done $0x0  }
0x41: {  	s30 =	simm.s32 $0x0;
	[sflag:s19] =	ssyncadd.s32 $0xFFFFD800  }
0x42: {  	[tilespmem:s18], [sflag:$0x1] =	stream.indirect.gather [hbm4b:s1+s21], $0x80, s30, s21, $0xb8;
	[tilespmem:$0x1D000] =	vst v63  }
0x43: {  	_ =	swait.ge [sflag:s22], $0x3E80  }
0x44: {  	[sflag:s22] =	ssyncset.done $0x0  }
0x45: {  	s31 =	simm.s32 $0x2800;
	[sflag:s22] =	ssyncadd.s32 $0xFFFFC180  }
0x46: {  	[spmem:s3] =	stream.indirect.scatter.add.f32 [tilespmem:s18], [sflag:$0x2], $0x80, s31, s21, $0xb8;
	[tilespmem:$0x1D000] =	vst v63  }
0x47: {  	_ =	swait.ge [sflag:s19], $0x3E80  }
0x48: {  	s23 =	simm.s32 $0x200;
	s24 =	simm.s32 $0x400;
	[sflag:s19] =	ssyncset.done $0x0  }
.LBB2_4:
0x49: {  	s25 =	sshra.s32 s23, $0x2  }
0x4a: {  	[sflag:s19] =	ssyncadd.s32 $0xFFFFC180;
	s23 =	smov.u32 s24;
	s26 =	sadd.s32 $0x200, s24  }
0x4b: {  	[tilespmem:s18], [sflag:$0x1] =	stream.indirect.gather [hbm4b:s1+s21], $0x80, s25, s21, $0xb8;
	[tilespmem:$0x1D000] =	vst v63  }
0x4c: {  	p0 =	sne.s32 s24, $0x9E00;
	_ =	swait.ge [sflag:s22], $0x3E80  }
.Ltmp1:
0x4d: {  	[sflag:s22] =	ssyncset.done $0x0;
	(pc) =	sbr.rel @p0 .LBB2_4-.Ltmp1, $4  }
0x4e: {  	s24 =	sadd.s32 $0x2800, s25;
	[sflag:s22] =	ssyncadd.s32 $0xFFFFC180  }
0x4f: {  	[spmem:s3] =	stream.indirect.scatter.add.f32 [tilespmem:s18], [sflag:$0x2], $0x80, s24, s21, $0xb8;
	[tilespmem:$0x1D000] =	vst v63  }
0x50: {  	_ =	swait.ge [sflag:s19], $0x3E80  }
0x51: {  	s24 =	smov.u32 s26;
	[sflag:s19] =	ssyncset.done $0x0  }
0x52: {  	s23 =	sshra.s32 s23, $0x2;
	[sflag:s19] =	ssyncadd.s32 $0xFFFFC180  }
0x53: {  	[tilespmem:s18], [sflag:$0x1] =	stream.indirect.gather [hbm4b:s1+s21], $0x80, s23, s21, $0xb8;
	[tilespmem:$0x1D000] =	vst v63  }
0x54: {  	_ =	swait.ge [sflag:s22], $0x3E80  }
0x55: {  	[sflag:s22] =	ssyncset.done $0x0  }
0x56: {  	s23 =	sadd.s32 $0x2800, s23;
	[sflag:s22] =	ssyncadd.s32 $0xFFFFC180  }
0x57: {  	[spmem:s3] =	stream.indirect.scatter.add.f32 [tilespmem:s18], [sflag:$0x2], $0x80, s23, s21, $0xb8;
	[tilespmem:$0x1D000] =	vst v63  }
0x58: {  	_ =	swait.ge [sflag:s19], $0x3E80  }
0x59: {  	[sflag:s19] =	ssyncset.done $0x0  }
0x5a: {  	s26 =	sshll.u32 s0, $0x6;
	[sflag:s19] =	ssyncadd.s32 $0xFFFFC180  }
0x5b: {  	s24 =	sshrl.u32 s5, $0x3;
	s23 =	sor.u32 $0x1C02, s26;
	[bflag:$0x0] =	sbarrier.arrive $0xFFFF  }
0x5c: {  	[hbm:s12], [sflag:s23] =	dma.local [spmem:s24], $0x800  }
0x5d: {  	_ =	swait.ge [sflag:s19], $0x800  }
0x5e: {  	[sflag:s19] =	ssyncset.done $0x0  }
0x5f: {  	s28 =	sshrl.u32 s6, $0x3;
	[sflag:s19] =	ssyncadd.s32 $0xFFFFF800  }
0x60: {  	[hbm:s13], [sflag:s23] =	dma.local [spmem:s28], $0x800  }
0x61: {  	_ =	swait.ge [sflag:s19], $0x800  }
0x62: {  	[sflag:s19] =	ssyncset.done $0x0  }
0x63: {  	s29 =	sshrl.u32 s7, $0x3;
	[sflag:s19] =	ssyncadd.s32 $0xFFFFF800  }
0x64: {  	[hbm:s14], [sflag:s23] =	dma.local [spmem:s29], $0x800  }
0x65: {  	_ =	swait.ge [sflag:s19], $0x800  }
0x66: {  	[sflag:s19] =	ssyncset.done $0x0  }
0x67: {  	s30 =	sshrl.u32 s8, $0x3;
	[sflag:s19] =	ssyncadd.s32 $0xFFFFF800  }
0x68: {  	[hbm:s15], [sflag:s23] =	dma.local [spmem:s30], $0x800  }
0x69: {  	s4 =	sadd.s32 $0x1, s4;
	_ =	swait.ge [sflag:s19], $0x800  }
0x6a: {  	p0 =	sne.s32 s4, s17;
	[sflag:s19] =	ssyncset.done $0x0  }
.Ltmp2:
0x6b: {  	s31 =	sshrl.u32 s9, $0x3;
	[sflag:s19] =	ssyncadd.s32 $0xFFFFF800;
	(pc) =	sbr.rel @p0 .LBB2_1-.Ltmp2, $4  }
0x6c: {  	[hbm:s16], [sflag:s23] =	dma.local [spmem:s31], $0x800  }
0x6d: {  	_ =	swait.ge [sflag:s19], $0x800  }
0x6e: {  	[sflag:s19] =	ssyncset.done $0x0  }
0x6f: {  	[sflag:s19] =	ssyncadd.s32 $0xFFFFF800  }
0x70: {  	_ =	sfence.sel $0x180000  }
0x71: {  	[bflag:$0x0] =	sbarrier.arrive $0xFFFF  }
0x72: {  	p0 =	sne.s32 s0, $0x0;
	_ =	strace $0x9000004A  }
0x73: {  	s0 =	sadd.s32 @!p0 $0x100000, s2;
	[bflag:$0x2] =	sbarrier.arrive $0xFFFF  }
0x74: {  	[sflag:s0] =	ssyncadd.tile.s32 @!p0 $0x1;
	_ =	shalt  }
.Lfunc_end2:
_tile_overlayer_lowered:
.L_overlay_start_2:
0x75: {  	(tag) =	ssettag $0x2  }
0x76: {  	s0 =	rddreg [dreg:$0x0];
	s2 =	stileid.u32  }
0x77: {  	s1 =	rddreg [dreg:$0x1];
	p0 =	sne.s32 s2, $0x0  }
0x78: {  	s3 =	rddreg [dreg:$0x2];
	[bflag:$0x3] =	sbarrier.arrive $0xFFFF;
	s2 =	simm.s32 @!p0 $0x1C02  }
0x79: {  	[timem:s3], [sflag:s2] =	dma.local @!p0 [hbm:s0], s1  }
0x7a: {  	s0 =	simm.s32 @!p0 $0x2  }
0x7b: {  	_ =	swait.ge @!p0 [sflag:s0], s1  }
0x7c: {  	s1 =	ssub.s32 @!p0 $0x0, s1;
	[sflag:s0] =	ssyncset.done @!p0 $0x0  }
0x7d: {  	[sflag:s0] =	ssyncadd.s32 @!p0 s1  }
0x7e: {  	[bflag:$0x3] =	sbarrier.arrive $0xFFFF  }
0x7f: {  	_ =	shalt  }

// kernel: kernel.16.cloned.1.call-start
scs
__scs_entry_jumppad:
0x0: {  	(pc) =	sbr.rel $0x88, $3  }
0x1: {  	(tag) =	ssettag $0x0;
	lr =	simm.s32 $0x1  }
0x2: {  	[smem:$0x3F96] =	sst lr;
	_ =	strace $0xD0000000  }
0x3: {  	_ = 	snop  }
0x4: {  	_ = 	snop  }
0x5: {  	_ = 	snop  }
0x6: {  	_ = 	snop  }
0x7: {  	_ = 	snop  }
__scs_overlays_trampoline_lowered:
0x8: {  	[smem:$0x3FA5] =	sst s0  }
0x9: {  	[smem:$0x3FA6] =	sst s1  }
0xa: {  	[smem:$0x3FA7] =	sst s2  }
0xb: {  	[smem:$0x3FA8] =	sst s3  }
0xc: {  	[smem:$0x3FA9] =	sst s4  }
0xd: {  	[smem:$0x3FAA] =	sst s5  }
0xe: {  	[smem:$0x3FAB] =	sst s6  }
0xf: {  	[smem:$0x3FAC] =	sst s7  }
0x10: {  	[smem:$0x3FAD] =	sst s8  }
0x11: {  	[smem:$0x3FAE] =	sst s9;
	s0 =	simm.s32 @!p0 $0x0  }
0x12: {  	s1 =	sld [smem:$0x3F94];
	s0 =	simm.s32 @p0 $0x1  }
0x13: {  	[smem:$0x3FAF] =	sst s0;
	s0 =	simm.s32 @!p1 $0x0  }
0x14: {  	s2 =	sld [smem:$0x3F93];
	s0 =	simm.s32 @p1 $0x1  }
0x15: {  	[smem:$0x3FB0] =	sst s0;
	s0 =	simm.s32 @!p2 $0x0  }
0x16: {  	s3 =	sld [smem:$0x3FDB];
	s0 =	simm.s32 @p2 $0x1  }
0x17: {  	s4 =	simm.s32 $0x1BF5;
	[smem:$0x3FB2] =	sst s0  }
0x18: {  	s0 =	sld [smem:$0x3F95];
	_ =	swait.ge [sflag:s4], $0x0  }
0x19: {  	s7 =	sld [smem:$0x3F96]  }
0x1a: {  	s8 =	sadd.s32 $0xFFFFE003, lr  }
0x1b: {  	s9 =	sadd.s32 $0xFFFFFEF7, lr;
	s5 =	simm.s32 $0xFFFFFFFF;
	p2 =	slt.u32 s8, $0xFFFFF086  }
0x1c: {  	p1 =	slt.u32 s9, $0xF7A;
	s5 =	simm.s32 @!p2 $0x0  }
0x1d: {  	s5 =	simm.s32 @p1 $0x1;
	p0 =	seq.s32 s7, s2  }
0x1e: {  	s7 =	smul.u32 @!p0 $0xF7A, s2;
	p2 =	seq.s32 @!p0 s5, $0x0  }
0x1f: {  	s9 =	smul.u32 $0xF7A, s1;
	s8 =	simm.s32 @!p0 $0x1BF5;
	p2 =	por !p2, p0  }
0x20: {  	[sflag:s8] =	ssyncset.s32 @!p0 $0xFFFFF086;
	s6 =	sadd.s32 @!p0 s3, s7;
	s7 =	simm.s32 @!p0 $0x108  }
0x21: {  	s3 =	sadd.s32 s3, s9;
	s6 =	sadd.s32 @!p0 $0x88, s6;
	s7 =	simm.s32 @p2 $0x1082  }
0x22: {  	[simem:s7], [sflag:s8] =	dma.local @!p0 [hbm:s6], $0xF7A  }
0x23: {  	s9 =	sor.u32 $0xD0000000, s2;
	s6 =	simm.s32 $0x108;
	_ =	swait.ge @!p0 [sflag:s8], $0x0  }
0x24: {  	s3 =	sadd.s32 $0x88, s3;
	s6 =	simm.s32 @!p1 $0x1082;
	[sflag:s4] =	ssyncset.s32 $0xFFFFF086  }
0x25: {  	[simem:s6], [sflag:s4] =	dma.local [hbm:s3], $0xF7A  }
0x26: {  	[smem:$0x3F96] =	sst s1;
	(tag) =	ssettag s2;
	_ =	strace s9  }
0x27: {  	s1 =	sld [smem:$0x3FA6]  }
0x28: {  	s2 =	sld [smem:$0x3FA7]  }
0x29: {  	s4 =	sld [smem:$0x3FA9]  }
0x2a: {  	p0 =	seq.s32 s5, $0x0;
	s5 =	sld [smem:$0x3FAA]  }
0x2b: {  	s6 =	sld [smem:$0x3FAB]  }
0x2c: {  	s7 =	sld [smem:$0x3FAC]  }
0x2d: {  	s3 =	simm.s32 $0x108;
	s8 =	sld [smem:$0x3FAD]  }
0x2e: {  	s3 =	simm.s32 @!p0 $0x1082;
	s9 =	sld [smem:$0x3FAE]  }
0x2f: {  	lr =	sadd.s32 s0, s3;
	s0 =	sld [smem:$0x3FA5]  }
0x30: {  	s3 =	sld [smem:$0x3FA8]  }
0x31: {  	[smem:$0x3FB1] =	sst s10  }
0x32: {  	s10 =	sld [smem:$0x3FAF];
	_ =	sdelay $0x3  }
0x33: {  	p0 =	seq.s32 s10, $0x1;
	s10 =	sld [smem:$0x3FB1];
	_ =	sdelay $0x3  }
0x34: {  	[smem:$0x3FB1] =	sst s10  }
0x35: {  	s10 =	sld [smem:$0x3FB0];
	_ =	sdelay $0x3  }
0x36: {  	p1 =	seq.s32 s10, $0x1;
	s10 =	sld [smem:$0x3FB1];
	_ =	sdelay $0x3  }
0x37: {  	[smem:$0x3FB1] =	sst s10  }
0x38: {  	s10 =	sld [smem:$0x3FB2]  }
0x39: {  	_ = 	snop;
	(pc) =	sbr.ind lr, $3  }
0x3a: {  	_ = 	snop  }
0x3b: {  	_ = 	snop  }
0x3c: {  	p2 =	seq.s32 s10, $0x1;
	s10 =	sld [smem:$0x3FB1]  }
0x3d: {  	_ =	shalt  }
0x3e: {  	_ =	shalt  }
0x3f: {  	_ =	shalt  }
0x40: {  	_ =	shalt  }
0x41: {  	_ =	shalt  }
0x42: {  	_ =	shalt  }
0x43: {  	_ =	shalt  }
0x44: {  	_ =	shalt  }
0x45: {  	_ =	shalt  }
0x46: {  	_ =	shalt  }
0x47: {  	_ =	shalt  }
0x48: {  	_ =	shalt  }
0x49: {  	_ =	shalt  }
0x4a: {  	_ =	shalt  }
0x4b: {  	_ =	shalt  }
0x4c: {  	_ =	shalt  }
0x4d: {  	_ =	shalt  }
0x4e: {  	_ =	shalt  }
0x4f: {  	_ =	shalt  }
0x50: {  	_ =	shalt  }
0x51: {  	_ =	shalt  }
0x52: {  	_ =	shalt  }
0x53: {  	_ =	shalt  }
0x54: {  	_ =	shalt  }
0x55: {  	_ =	shalt  }
0x56: {  	_ =	shalt  }
0x57: {  	_ =	shalt  }
0x58: {  	_ =	shalt  }
0x59: {  	_ =	shalt  }
0x5a: {  	_ =	shalt  }
0x5b: {  	_ =	shalt  }
0x5c: {  	_ =	shalt  }
0x5d: {  	_ =	shalt  }
0x5e: {  	_ =	shalt  }
0x5f: {  	_ =	shalt  }
0x60: {  	_ =	shalt  }
0x61: {  	_ =	shalt  }
0x62: {  	_ =	shalt  }
0x63: {  	_ =	shalt  }
0x64: {  	_ =	shalt  }
0x65: {  	_ =	shalt  }
0x66: {  	_ =	shalt  }
0x67: {  	_ =	shalt  }
0x68: {  	_ =	shalt  }
0x69: {  	_ =	shalt  }
0x6a: {  	_ =	shalt  }
0x6b: {  	_ =	shalt  }
0x6c: {  	_ =	shalt  }
0x6d: {  	_ =	shalt  }
0x6e: {  	_ =	shalt  }
0x6f: {  	_ =	shalt  }
0x70: {  	_ =	shalt  }
0x71: {  	_ =	shalt  }
0x72: {  	_ =	shalt  }
0x73: {  	_ =	shalt  }
0x74: {  	_ =	shalt  }
0x75: {  	_ =	shalt  }
0x76: {  	_ =	shalt  }
0x77: {  	_ =	shalt  }
0x78: {  	_ =	shalt  }
0x79: {  	_ =	shalt  }
0x7a: {  	_ =	shalt  }
0x7b: {  	_ =	shalt  }
0x7c: {  	_ =	shalt  }
0x7d: {  	_ =	shalt  }
0x7e: {  	_ =	shalt  }
0x7f: {  	_ =	shalt  }
0x80: {  	_ =	shalt  }
0x81: {  	_ =	shalt  }
0x82: {  	_ =	shalt  }
0x83: {  	_ =	shalt  }
0x84: {  	_ =	shalt  }
0x85: {  	_ =	shalt  }
0x86: {  	_ =	shalt  }
0x87: {  	_ =	shalt  }
.Lfunc_end0:
.L_simem_size_0:
called_computation.2_lowered:
.L_overlay_start_0:
0x88: {  	s2 =	sld [smem:$0x3FD9]  }
0x89: {  	s3 =	sld [smem:$0x3FFE];
	_ =	sdelay $0x1  }
0x8a: {  	s1 =	srdreg.scid  }
0x8b: {  	s0 =	sand.u32 $0x1, s1  }
0x8c: {  	s17 =	sshll.u32 s0, $0xA;
	s2 =	sadd.s32 s3, s2  }
0x8d: {  	s2 =	sadd.s32 s2, s17  }
0x8e: {  	[smem:$0x3FBD] =	sst s2  }
0x8f: {  	_ = 	snop  }
0x90: {  	s2 =	sld [smem:$0x3FD0];
	(tm) =	ssettm $0x1  }
0x91: {  	s18 =	sld [smem:$0x3FFB];
	_ =	sdelay $0x3  }
0x92: {  	_ =	strace s18  }
0x93: {  	s3 =	sld [smem:$0x3FFC];
	_ =	sdelay $0x3  }
0x94: {  	_ =	strace s3  }
0x95: {  	s3 =	sld [smem:$0x3FFD];
	_ =	sdelay $0x3  }
0x96: {  	_ =	strace s3  }
0x97: {  	_ =	strace $0x8FFFFFFF  }
0x98: {  	s19 =	sld [smem:$0x3FDB];
	_ =	sdelay $0x1  }
0x99: {  	s4 =	simm.s32 $_scs_section_size  }
0x9a: {  	s5 =	simm.s32 $_size__tile_overlayer_lowered;
	s6 =	simm.s32 $_tile_overlayer_lowered  }
0x9b: {  	s22 =	simm.s32 $0x1BFF;
	s21 =	sshll.u32 s6, $0x1;
	s3 =	sadd.s32 s4, s19  }
0x9c: {  	s7 =	simm.s32 $0x0;
	s20 =	sshll.u32 s5, $0x1;
	s5 =	sadd.s32 s21, s3  }
0x9d: {  	[timem:s7], [sflag:s22] =	dma.local [hbm:s5], s20  }
0x9e: {  	_ =	swait.ge [sflag:s22], s20  }
0x9f: {  	s4 =	ssub.s32 $0x0, s20;
	[sflag:s22] =	ssyncset.done $0x0  }
0xa0: {  	[sflag:s22] =	ssyncadd.s32 s4;
	_ =	sdelay $0x1  }
0xa1: {  	s23 =	simm.s32 $0x1B8B  }
0xa2: {  	_ =	swait.ge [sflag:s23], $0x1  }
0xa3: {  	[sflag:s23] =	ssyncset.done $0x0  }
0xa4: {  	s25 =	simm.s32 $0x1B8E;
	s24 =	sld [smem:$0x3FFE];
	[sflag:s23] =	ssyncadd.s32 $0xFFFFFFFF  }
0xa5: {  	s26 =	simm.s32 $execute0_lowered;
	[smem:$0x3FD2] =	sst s25  }
0xa6: {  	s5 =	sshll.u32 s26, $0x1;
	_ =	strace $0x8000004C;
	[dreg:$0x1] =	wrdreg $0xFFFFFFFF  }
0xa7: {  	s28 =	simm.s32 $_size_execute0_lowered;
	s3 =	sadd.s32 s3, s5;
	[dreg:$0x0] =	wrdreg $0x0  }
0xa8: {  	s5 =	sshll.u32 s28, $0x1;
	[dreg:$0x2] =	wrdreg s3  }
0xa9: {  	[dreg:$0x3] =	wrdreg s5  }
0xaa: {  	[dreg:$0x4] =	wrdreg $0xC0  }
0xab: {  	_ =	task [dreg:s7], $0x5FFFF  }
0xac: {  	[dreg:$0x1] =	wrdreg $0xFFFFFFFF  }
0xad: {  	[dreg:$0x0] =	wrdreg $0x60  }
0xae: {  	[dreg:$0x2] =	wrdreg s2  }
0xaf: {  	[dreg:$0x3] =	wrdreg s24  }
0xb0: {  	[dreg:$0x4] =	wrdreg $0x90000  }
0xb1: {  	[dreg:$0x5] =	wrdreg $0x9  }
0xb2: {  	_ =	task.clear_ibuf [dreg:s7], $0x6FFFF;
	_ =	strace $0x9000004C  }
0xb3: {  	s29 =	simm.s32 $0x9;
	_ =	strace $0x8000004E  }
0xb4: {  	_ =	swait.ge [sflag:s29], $0x1  }
0xb5: {  	[sflag:s29] =	ssyncadd.s32 $0xFFFFFFFF  }
0xb6: {  	_ =	strace $0x9000004E  }
0xb7: {  	_ =	sfence  }
0xb8: {  	s30 =	sld [smem:$0x0];
	_ =	sdelay $0x2  }
0xb9: {  	s31 =	sshll.u32 s1, $0xD;
	s1 =	sshrl.u32 s1, $0x2  }
0xba: {  	s3 =	sand.u32 $0x4000, s31;
	s1 =	sadd.s32 s1, s30  }
0xbb: {  	s0 =	sor.u32 s3, s0;
	s1 =	sshll.u32 s1, $0x11  }
0xbc: {  	s0 =	sor.u32 s1, s0  }
0xbd: {  	s0 =	sadd.s32 $0x8F2B, s0  }
0xbe: {  	[sflag:s0] =	ssyncadd.remote.s32 $0x1  }
0xbf: {  	_ =	sfence.sel $0xFFFF  }
0xc0: {  	[dreg:$0x0] =	wrdreg $0xFFFFFFFF;
	(pc) =	sbr.abs _section_cstart, $3  }
0xc1: {  	[dreg:$0x1] =	wrdreg $0xFFFFFFFF  }
0xc2: {  	_ =	task.clear_ibuf [dreg:s7], $0x2FFFF;
	_ =	strace $0x9FFFFFFF  }
0xc3: {  	(tm) =	ssettm $0x7FFFFFFF  }
tec
execute0_lowered:
.L_overlay_start_1:
0x0: {  	(tag) =	ssettag $0x1  }
0x1: {  	s1 =	rddreg [dreg:$0x0]  }
0x2: {  	s0 =	srdreg.scid;
	s5 =	rddreg [dreg:$0x1]  }
0x3: {  	s3 =	rddreg [dreg:$0x2];
	s4 =	simm.s32 $0x0;
	s21 =	simm.s32 $0x7D  }
0x4: {  	s22 =	simm.s32 $0x1;
	s7 =	sand.u32 $0x1, s0;
	s0 =	stileid.u32  }
0x5: {  	[smem:$0x7FF] =	sst s4;
	s16 =	sadd.s32 $0x17600, s5;
	s8 =	smul.u32 $0x50000, s0  }
0x6: {  	s2 =	sshll.u32 s7, $0x4;
	s10 =	smul.u32 $0x14000, s0;
	s30 =	ssub.s32 $0x2, s7  }
0x7: {  	s18 =	smul.u32 $0x140000, s7;
	s6 =	sor.u32 s0, s2;
	s2 =	rddreg [dreg:$0x3]  }
0x8: {  	_ =	strace $0x8000004D;
	s31 =	sshrl.u32 s30, $0x1;
	s6 =	smul.u32 $0x500, s6  }
0x9: {  	s8 =	sshrl.u32 s8, $0x2;
	s12 =	sadd.s32 $0x4000, s10;
	s17 =	ssub.s32 s30, s31  }
0xa: {  	s14 =	sadd.s32 $0x8000, s10;
	s15 =	sadd.s32 $0xC000, s10;
	s19 =	sadd.s32 $0x10000, s10  }
0xb: {  	s13 =	sadd.s32 s10, s18;
	s7 =	sadd.s32 s14, s3;
	s9 =	sadd.s32 s19, s3  }
0xc: {  	s13 =	sshrl.u32 s13, $0x3;
	s14 =	sadd.s32 s18, s14;
	s17 =	smax.u32 s17, $0x1  }
0xd: {  	s11 =	sadd.s32 s6, s5;
	s5 =	sadd.s32 s8, s3;
	s6 =	sadd.s32 s12, s3  }
0xe: {  	s8 =	sadd.s32 s15, s3;
	s12 =	sadd.s32 s18, s12;
	s15 =	sadd.s32 s18, s15  }
0xf: {  	s18 =	sadd.s32 s18, s19;
	s14 =	sshrl.u32 s14, $0x3;
	s19 =	simm.s32 $0x2  }
0x10: {  	s10 =	sadd.s32 $0xD600, s11;
	s20 =	sshrl.u32 s12, $0x3;
	s11 =	sadd.s32 $0x3600, s11  }
0x11: {  	s12 =	sadd.s32 s16, s13;
	s15 =	sshrl.u32 s15, $0x3;
	s18 =	sshrl.u32 s18, $0x3  }
0x12: {  	s14 =	sadd.s32 s16, s14;
	s13 =	sadd.s32 s16, s20;
	s15 =	sadd.s32 s16, s15  }
0x13: {  	v0 =	vimm.f32 $0.0e+00;
	s16 =	sadd.s32 s16, s18;
	s18 =	simm.s32 $0x5000;
	s20 =	simm.s32 $0x2800  }
.LBB2_1:
0x14: {  	s23 =	simm.s32 $0x0;
	s24 =	simm.s32 $0x200  }
.LBB2_2:
0x15: {  	p0 =	sne.s32 s24, $0xFE00;
	[tilespmem:s23+$0x5070] =	vst v0  }
0x16: {  	[tilespmem:s23+$0x5000] =	vst v0  }
0x17: {  	[tilespmem:s23+$0x5010] =	vst v0  }
.Ltmp0:
0x18: {  	[tilespmem:s23+$0x5020] =	vst v0;
	(pc) =	sbr.rel @p0 .LBB2_2-.Ltmp0, $4  }
0x19: {  	[tilespmem:s23+$0x5030] =	vst v0  }
0x1a: {  	[tilespmem:s23+$0x5040] =	vst v0  }
0x1b: {  	[tilespmem:s23+$0x5050] =	vst v0  }
0x1c: {  	[tilespmem:s23+$0x5060] =	vst v0;
	s23 =	sshra.s32 s24, $0x2;
	s24 =	sadd.s32 $0x200, s24  }
0x1d: {  	[tilespmem:s23+$0x5070] =	vst v0  }
0x1e: {  	[tilespmem:s23+$0x5000] =	vst v0  }
0x1f: {  	[tilespmem:s23+$0x5010] =	vst v0  }
0x20: {  	[tilespmem:s23+$0x5020] =	vst v0  }
0x21: {  	[tilespmem:s23+$0x5030] =	vst v0  }
0x22: {  	[tilespmem:s23+$0x5040] =	vst v0  }
0x23: {  	[tilespmem:s23+$0x5050] =	vst v0  }
0x24: {  	[tilespmem:s23+$0x5060] =	vst v0  }
0x25: {  	[spmem:s5] =	stream.linear.scatter [tilespmem:s18], [sflag:$0x2], $0x4000, $0x38;
	[tilespmem:$0x1D000] =	vst v63  }
0x26: {  	_ =	swait.ge [sflag:s19], $0x4000  }
0x27: {  	[sflag:s19] =	ssyncset.done $0x0  }
0x28: {  	[sflag:s19] =	ssyncadd.s32 $0xFFFFC000  }
0x29: {  	[spmem:s6] =	stream.linear.scatter [tilespmem:s18], [sflag:$0x2], $0x4000, $0x38;
	[tilespmem:$0x1D000] =	vst v63  }
0x2a: {  	_ =	swait.ge [sflag:s19], $0x4000  }
0x2b: {  	[sflag:s19] =	ssyncset.done $0x0  }
0x2c: {  	[sflag:s19] =	ssyncadd.s32 $0xFFFFC000  }
0x2d: {  	[spmem:s7] =	stream.linear.scatter [tilespmem:s18], [sflag:$0x2], $0x4000, $0x38;
	[tilespmem:$0x1D000] =	vst v63  }
0x2e: {  	_ =	swait.ge [sflag:s19], $0x4000  }
0x2f: {  	[sflag:s19] =	ssyncset.done $0x0  }
0x30: {  	[sflag:s19] =	ssyncadd.s32 $0xFFFFC000  }
0x31: {  	[spmem:s8] =	stream.linear.scatter [tilespmem:s18], [sflag:$0x2], $0x4000, $0x38;
	[tilespmem:$0x1D000] =	vst v63  }
0x32: {  	_ =	swait.ge [sflag:s19], $0x4000  }
0x33: {  	[sflag:s19] =	ssyncset.done $0x0  }
0x34: {  	[sflag:s19] =	ssyncadd.s32 $0xFFFFC000  }
0x35: {  	[spmem:s9] =	stream.linear.scatter [tilespmem:s18], [sflag:$0x2], $0x4000, $0x38;
	[tilespmem:$0x1D000] =	vst v63  }
0x36: {  	_ =	swait.ge [sflag:s19], $0x4000  }
0x37: {  	[sflag:s19] =	ssyncset.done $0x0  }
0x38: {  	[sflag:s19] =	ssyncadd.s32 $0xFFFFC000  }
0x39: {  	s29 =	simm.s32 $0x0;
	[bflag:$0x0] =	sbarrier.arrive $0xFFFF  }
0x3a: {  	[tilespmem:s29], [sflag:$0x2] =	stream.linear.gather [hbm4b:s10+s29], $0x2800, $0x38;
	[tilespmem:$0x1D000] =	vst v63  }
0x3b: {  	_ =	swait.ge [sflag:s19], $0x2800  }
0x3c: {  	[sflag:s19] =	ssyncset.done $0x0  }
0x3d: {  	[sflag:s19] =	ssyncadd.s32 $0xFFFFD800  }
0x3e: {  	[tilespmem:s20], [sflag:$0x2] =	stream.linear.gather [hbm4b:s11+s29], $0x2800, $0x38;
	[tilespmem:$0x1D000] =	vst v63  }
0x3f: {  	_ =	swait.ge [sflag:s19], $0x2800  }
0x40: {  	[sflag:s19] =	ssyncset.done $0x0  }
0x41: {  	s30 =	simm.s32 $0x0;
	[sflag:s19] =	ssyncadd.s32 $0xFFFFD800  }
0x42: {  	[tilespmem:s18], [sflag:$0x1] =	stream.indirect.gather [hbm4b:s1+s21], $0x80, s30, s21, $0xb8;
	[tilespmem:$0x1D000] =	vst v63  }
0x43: {  	_ =	swait.ge [sflag:s22], $0x3E80  }
0x44: {  	[sflag:s22] =	ssyncset.done $0x0  }
0x45: {  	s31 =	simm.s32 $0x2800;
	[sflag:s22] =	ssyncadd.s32 $0xFFFFC180  }
0x46: {  	[spmem:s3] =	stream.indirect.scatter.add.f32 [tilespmem:s18], [sflag:$0x2], $0x80, s31, s21, $0xb8;
	[tilespmem:$0x1D000] =	vst v63  }
0x47: {  	_ =	swait.ge [sflag:s19], $0x3E80  }
0x48: {  	s23 =	simm.s32 $0x200;
	s24 =	simm.s32 $0x400;
	[sflag:s19] =	ssyncset.done $0x0  }
.LBB2_4:
0x49: {  	s25 =	sshra.s32 s23, $0x2  }
0x4a: {  	[sflag:s19] =	ssyncadd.s32 $0xFFFFC180;
	s23 =	smov.u32 s24;
	s26 =	sadd.s32 $0x200, s24  }
0x4b: {  	[tilespmem:s18], [sflag:$0x1] =	stream.indirect.gather [hbm4b:s1+s21], $0x80, s25, s21, $0xb8;
	[tilespmem:$0x1D000] =	vst v63  }
0x4c: {  	p0 =	sne.s32 s24, $0x9E00;
	_ =	swait.ge [sflag:s22], $0x3E80  }
.Ltmp1:
0x4d: {  	[sflag:s22] =	ssyncset.done $0x0;
	(pc) =	sbr.rel @p0 .LBB2_4-.Ltmp1, $4  }
0x4e: {  	s24 =	sadd.s32 $0x2800, s25;
	[sflag:s22] =	ssyncadd.s32 $0xFFFFC180  }
0x4f: {  	[spmem:s3] =	stream.indirect.scatter.add.f32 [tilespmem:s18], [sflag:$0x2], $0x80, s24, s21, $0xb8;
	[tilespmem:$0x1D000] =	vst v63  }
0x50: {  	_ =	swait.ge [sflag:s19], $0x3E80  }
0x51: {  	s24 =	smov.u32 s26;
	[sflag:s19] =	ssyncset.done $0x0  }
0x52: {  	s23 =	sshra.s32 s23, $0x2;
	[sflag:s19] =	ssyncadd.s32 $0xFFFFC180  }
0x53: {  	[tilespmem:s18], [sflag:$0x1] =	stream.indirect.gather [hbm4b:s1+s21], $0x80, s23, s21, $0xb8;
	[tilespmem:$0x1D000] =	vst v63  }
0x54: {  	_ =	swait.ge [sflag:s22], $0x3E80  }
0x55: {  	[sflag:s22] =	ssyncset.done $0x0  }
0x56: {  	s23 =	sadd.s32 $0x2800, s23;
	[sflag:s22] =	ssyncadd.s32 $0xFFFFC180  }
0x57: {  	[spmem:s3] =	stream.indirect.scatter.add.f32 [tilespmem:s18], [sflag:$0x2], $0x80, s23, s21, $0xb8;
	[tilespmem:$0x1D000] =	vst v63  }
0x58: {  	_ =	swait.ge [sflag:s19], $0x3E80  }
0x59: {  	[sflag:s19] =	ssyncset.done $0x0  }
0x5a: {  	s26 =	sshll.u32 s0, $0x6;
	[sflag:s19] =	ssyncadd.s32 $0xFFFFC180  }
0x5b: {  	s24 =	sshrl.u32 s5, $0x3;
	s23 =	sor.u32 $0x1C02, s26;
	[bflag:$0x0] =	sbarrier.arrive $0xFFFF  }
0x5c: {  	[hbm:s12], [sflag:s23] =	dma.local [spmem:s24], $0x800  }
0x5d: {  	_ =	swait.ge [sflag:s19], $0x800  }
0x5e: {  	[sflag:s19] =	ssyncset.done $0x0  }
0x5f: {  	s28 =	sshrl.u32 s6, $0x3;
	[sflag:s19] =	ssyncadd.s32 $0xFFFFF800  }
0x60: {  	[hbm:s13], [sflag:s23] =	dma.local [spmem:s28], $0x800  }
0x61: {  	_ =	swait.ge [sflag:s19], $0x800  }
0x62: {  	[sflag:s19] =	ssyncset.done $0x0  }
0x63: {  	s29 =	sshrl.u32 s7, $0x3;
	[sflag:s19] =	ssyncadd.s32 $0xFFFFF800  }
0x64: {  	[hbm:s14], [sflag:s23] =	dma.local [spmem:s29], $0x800  }
0x65: {  	_ =	swait.ge [sflag:s19], $0x800  }
0x66: {  	[sflag:s19] =	ssyncset.done $0x0  }
0x67: {  	s30 =	sshrl.u32 s8, $0x3;
	[sflag:s19] =	ssyncadd.s32 $0xFFFFF800  }
0x68: {  	[hbm:s15], [sflag:s23] =	dma.local [spmem:s30], $0x800  }
0x69: {  	s4 =	sadd.s32 $0x1, s4;
	_ =	swait.ge [sflag:s19], $0x800  }
0x6a: {  	p0 =	sne.s32 s4, s17;
	[sflag:s19] =	ssyncset.done $0x0  }
.Ltmp2:
0x6b: {  	s31 =	sshrl.u32 s9, $0x3;
	[sflag:s19] =	ssyncadd.s32 $0xFFFFF800;
	(pc) =	sbr.rel @p0 .LBB2_1-.Ltmp2, $4  }
0x6c: {  	[hbm:s16], [sflag:s23] =	dma.local [spmem:s31], $0x800  }
0x6d: {  	_ =	swait.ge [sflag:s19], $0x800  }
0x6e: {  	[sflag:s19] =	ssyncset.done $0x0  }
0x6f: {  	[sflag:s19] =	ssyncadd.s32 $0xFFFFF800  }
0x70: {  	_ =	sfence.sel $0x180000  }
0x71: {  	[bflag:$0x0] =	sbarrier.arrive $0xFFFF  }
0x72: {  	p0 =	sne.s32 s0, $0x0;
	_ =	strace $0x9000004D  }
0x73: {  	s0 =	sadd.s32 @!p0 $0x100000, s2;
	[bflag:$0x2] =	sbarrier.arrive $0xFFFF  }
0x74: {  	[sflag:s0] =	ssyncadd.tile.s32 @!p0 $0x1;
	_ =	shalt  }
.Lfunc_end2:
_tile_overlayer_lowered:
.L_overlay_start_2:
0x75: {  	(tag) =	ssettag $0x2  }
0x76: {  	s0 =	rddreg [dreg:$0x0];
	s2 =	stileid.u32  }
0x77: {  	s1 =	rddreg [dreg:$0x1];
	p0 =	sne.s32 s2, $0x0  }
0x78: {  	s3 =	rddreg [dreg:$0x2];
	[bflag:$0x3] =	sbarrier.arrive $0xFFFF;
	s2 =	simm.s32 @!p0 $0x1C02  }
0x79: {  	[timem:s3], [sflag:s2] =	dma.local @!p0 [hbm:s0], s1  }
0x7a: {  	s0 =	simm.s32 @!p0 $0x2  }
0x7b: {  	_ =	swait.ge @!p0 [sflag:s0], s1  }
0x7c: {  	s1 =	ssub.s32 @!p0 $0x0, s1;
	[sflag:s0] =	ssyncset.done @!p0 $0x0  }
0x7d: {  	[sflag:s0] =	ssyncadd.s32 @!p0 s1  }
0x7e: {  	[bflag:$0x3] =	sbarrier.arrive $0xFFFF  }
0x7f: {  	_ =	shalt  }

// kernel: kernel.19.cloned.1.call-start
scs
__scs_entry_jumppad:
0x0: {  	(pc) =	sbr.rel $0x88, $3  }
0x1: {  	(tag) =	ssettag $0x0;
	lr =	simm.s32 $0x1  }
0x2: {  	[smem:$0x3F96] =	sst lr;
	_ =	strace $0xD0000000  }
0x3: {  	_ = 	snop  }
0x4: {  	_ = 	snop  }
0x5: {  	_ = 	snop  }
0x6: {  	_ = 	snop  }
0x7: {  	_ = 	snop  }
__scs_overlays_trampoline_lowered:
0x8: {  	[smem:$0x3FA5] =	sst s0  }
0x9: {  	[smem:$0x3FA6] =	sst s1  }
0xa: {  	[smem:$0x3FA7] =	sst s2  }
0xb: {  	[smem:$0x3FA8] =	sst s3  }
0xc: {  	[smem:$0x3FA9] =	sst s4  }
0xd: {  	[smem:$0x3FAA] =	sst s5  }
0xe: {  	[smem:$0x3FAB] =	sst s6  }
0xf: {  	[smem:$0x3FAC] =	sst s7  }
0x10: {  	[smem:$0x3FAD] =	sst s8  }
0x11: {  	[smem:$0x3FAE] =	sst s9;
	s0 =	simm.s32 @!p0 $0x0  }
0x12: {  	s1 =	sld [smem:$0x3F94];
	s0 =	simm.s32 @p0 $0x1  }
0x13: {  	[smem:$0x3FAF] =	sst s0;
	s0 =	simm.s32 @!p1 $0x0  }
0x14: {  	s2 =	sld [smem:$0x3F93];
	s0 =	simm.s32 @p1 $0x1  }
0x15: {  	[smem:$0x3FB0] =	sst s0;
	s0 =	simm.s32 @!p2 $0x0  }
0x16: {  	s3 =	sld [smem:$0x3FDB];
	s0 =	simm.s32 @p2 $0x1  }
0x17: {  	s4 =	simm.s32 $0x1BF5;
	[smem:$0x3FB2] =	sst s0  }
0x18: {  	s0 =	sld [smem:$0x3F95];
	_ =	swait.ge [sflag:s4], $0x0  }
0x19: {  	s7 =	sld [smem:$0x3F96]  }
0x1a: {  	s8 =	sadd.s32 $0xFFFFE003, lr  }
0x1b: {  	s9 =	sadd.s32 $0xFFFFFEF7, lr;
	s5 =	simm.s32 $0xFFFFFFFF;
	p2 =	slt.u32 s8, $0xFFFFF086  }
0x1c: {  	p1 =	slt.u32 s9, $0xF7A;
	s5 =	simm.s32 @!p2 $0x0  }
0x1d: {  	s5 =	simm.s32 @p1 $0x1;
	p0 =	seq.s32 s7, s2  }
0x1e: {  	s7 =	smul.u32 @!p0 $0xF7A, s2;
	p2 =	seq.s32 @!p0 s5, $0x0  }
0x1f: {  	s9 =	smul.u32 $0xF7A, s1;
	s8 =	simm.s32 @!p0 $0x1BF5;
	p2 =	por !p2, p0  }
0x20: {  	[sflag:s8] =	ssyncset.s32 @!p0 $0xFFFFF086;
	s6 =	sadd.s32 @!p0 s3, s7;
	s7 =	simm.s32 @!p0 $0x108  }
0x21: {  	s3 =	sadd.s32 s3, s9;
	s6 =	sadd.s32 @!p0 $0x88, s6;
	s7 =	simm.s32 @p2 $0x1082  }
0x22: {  	[simem:s7], [sflag:s8] =	dma.local @!p0 [hbm:s6], $0xF7A  }
0x23: {  	s9 =	sor.u32 $0xD0000000, s2;
	s6 =	simm.s32 $0x108;
	_ =	swait.ge @!p0 [sflag:s8], $0x0  }
0x24: {  	s3 =	sadd.s32 $0x88, s3;
	s6 =	simm.s32 @!p1 $0x1082;
	[sflag:s4] =	ssyncset.s32 $0xFFFFF086  }
0x25: {  	[simem:s6], [sflag:s4] =	dma.local [hbm:s3], $0xF7A  }
0x26: {  	[smem:$0x3F96] =	sst s1;
	(tag) =	ssettag s2;
	_ =	strace s9  }
0x27: {  	s1 =	sld [smem:$0x3FA6]  }
0x28: {  	s2 =	sld [smem:$0x3FA7]  }
0x29: {  	s4 =	sld [smem:$0x3FA9]  }
0x2a: {  	p0 =	seq.s32 s5, $0x0;
	s5 =	sld [smem:$0x3FAA]  }
0x2b: {  	s6 =	sld [smem:$0x3FAB]  }
0x2c: {  	s7 =	sld [smem:$0x3FAC]  }
0x2d: {  	s3 =	simm.s32 $0x108;
	s8 =	sld [smem:$0x3FAD]  }
0x2e: {  	s3 =	simm.s32 @!p0 $0x1082;
	s9 =	sld [smem:$0x3FAE]  }
0x2f: {  	lr =	sadd.s32 s0, s3;
	s0 =	sld [smem:$0x3FA5]  }
0x30: {  	s3 =	sld [smem:$0x3FA8]  }
0x31: {  	[smem:$0x3FB1] =	sst s10  }
0x32: {  	s10 =	sld [smem:$0x3FAF];
	_ =	sdelay $0x3  }
0x33: {  	p0 =	seq.s32 s10, $0x1;
	s10 =	sld [smem:$0x3FB1];
	_ =	sdelay $0x3  }
0x34: {  	[smem:$0x3FB1] =	sst s10  }
0x35: {  	s10 =	sld [smem:$0x3FB0];
	_ =	sdelay $0x3  }
0x36: {  	p1 =	seq.s32 s10, $0x1;
	s10 =	sld [smem:$0x3FB1];
	_ =	sdelay $0x3  }
0x37: {  	[smem:$0x3FB1] =	sst s10  }
0x38: {  	s10 =	sld [smem:$0x3FB2]  }
0x39: {  	_ = 	snop;
	(pc) =	sbr.ind lr, $3  }
0x3a: {  	_ = 	snop  }
0x3b: {  	_ = 	snop  }
0x3c: {  	p2 =	seq.s32 s10, $0x1;
	s10 =	sld [smem:$0x3FB1]  }
0x3d: {  	_ =	shalt  }
0x3e: {  	_ =	shalt  }
0x3f: {  	_ =	shalt  }
0x40: {  	_ =	shalt  }
0x41: {  	_ =	shalt  }
0x42: {  	_ =	shalt  }
0x43: {  	_ =	shalt  }
0x44: {  	_ =	shalt  }
0x45: {  	_ =	shalt  }
0x46: {  	_ =	shalt  }
0x47: {  	_ =	shalt  }
0x48: {  	_ =	shalt  }
0x49: {  	_ =	shalt  }
0x4a: {  	_ =	shalt  }
0x4b: {  	_ =	shalt  }
0x4c: {  	_ =	shalt  }
0x4d: {  	_ =	shalt  }
0x4e: {  	_ =	shalt  }
0x4f: {  	_ =	shalt  }
0x50: {  	_ =	shalt  }
0x51: {  	_ =	shalt  }
0x52: {  	_ =	shalt  }
0x53: {  	_ =	shalt  }
0x54: {  	_ =	shalt  }
0x55: {  	_ =	shalt  }
0x56: {  	_ =	shalt  }
0x57: {  	_ =	shalt  }
0x58: {  	_ =	shalt  }
0x59: {  	_ =	shalt  }
0x5a: {  	_ =	shalt  }
0x5b: {  	_ =	shalt  }
0x5c: {  	_ =	shalt  }
0x5d: {  	_ =	shalt  }
0x5e: {  	_ =	shalt  }
0x5f: {  	_ =	shalt  }
0x60: {  	_ =	shalt  }
0x61: {  	_ =	shalt  }
0x62: {  	_ =	shalt  }
0x63: {  	_ =	shalt  }
0x64: {  	_ =	shalt  }
0x65: {  	_ =	shalt  }
0x66: {  	_ =	shalt  }
0x67: {  	_ =	shalt  }
0x68: {  	_ =	shalt  }
0x69: {  	_ =	shalt  }
0x6a: {  	_ =	shalt  }
0x6b: {  	_ =	shalt  }
0x6c: {  	_ =	shalt  }
0x6d: {  	_ =	shalt  }
0x6e: {  	_ =	shalt  }
0x6f: {  	_ =	shalt  }
0x70: {  	_ =	shalt  }
0x71: {  	_ =	shalt  }
0x72: {  	_ =	shalt  }
0x73: {  	_ =	shalt  }
0x74: {  	_ =	shalt  }
0x75: {  	_ =	shalt  }
0x76: {  	_ =	shalt  }
0x77: {  	_ =	shalt  }
0x78: {  	_ =	shalt  }
0x79: {  	_ =	shalt  }
0x7a: {  	_ =	shalt  }
0x7b: {  	_ =	shalt  }
0x7c: {  	_ =	shalt  }
0x7d: {  	_ =	shalt  }
0x7e: {  	_ =	shalt  }
0x7f: {  	_ =	shalt  }
0x80: {  	_ =	shalt  }
0x81: {  	_ =	shalt  }
0x82: {  	_ =	shalt  }
0x83: {  	_ =	shalt  }
0x84: {  	_ =	shalt  }
0x85: {  	_ =	shalt  }
0x86: {  	_ =	shalt  }
0x87: {  	_ =	shalt  }
.Lfunc_end0:
.L_simem_size_0:
called_computation.3_lowered:
.L_overlay_start_0:
0x88: {  	s2 =	sld [smem:$0x3FD9]  }
0x89: {  	s3 =	sld [smem:$0x3FFE];
	_ =	sdelay $0x1  }
0x8a: {  	s1 =	srdreg.scid  }
0x8b: {  	s0 =	sand.u32 $0x1, s1  }
0x8c: {  	s17 =	sshll.u32 s0, $0xA;
	s2 =	sadd.s32 s3, s2  }
0x8d: {  	s2 =	sadd.s32 s2, s17  }
0x8e: {  	[smem:$0x3FBD] =	sst s2  }
0x8f: {  	_ = 	snop  }
0x90: {  	s2 =	sld [smem:$0x3FD0];
	(tm) =	ssettm $0x1  }
0x91: {  	s18 =	sld [smem:$0x3FFB];
	_ =	sdelay $0x3  }
0x92: {  	_ =	strace s18  }
0x93: {  	s3 =	sld [smem:$0x3FFC];
	_ =	sdelay $0x3  }
0x94: {  	_ =	strace s3  }
0x95: {  	s3 =	sld [smem:$0x3FFD];
	_ =	sdelay $0x3  }
0x96: {  	_ =	strace s3  }
0x97: {  	_ =	strace $0x8FFFFFFF  }
0x98: {  	s19 =	sld [smem:$0x3FDB];
	_ =	sdelay $0x1  }
0x99: {  	s4 =	simm.s32 $_scs_section_size  }
0x9a: {  	s5 =	simm.s32 $_size__tile_overlayer_lowered;
	s6 =	simm.s32 $_tile_overlayer_lowered  }
0x9b: {  	s22 =	simm.s32 $0x1BFF;
	s21 =	sshll.u32 s6, $0x1;
	s3 =	sadd.s32 s4, s19  }
0x9c: {  	s7 =	simm.s32 $0x0;
	s20 =	sshll.u32 s5, $0x1;
	s5 =	sadd.s32 s21, s3  }
0x9d: {  	[timem:s7], [sflag:s22] =	dma.local [hbm:s5], s20  }
0x9e: {  	_ =	swait.ge [sflag:s22], s20  }
0x9f: {  	s4 =	ssub.s32 $0x0, s20;
	[sflag:s22] =	ssyncset.done $0x0  }
0xa0: {  	[sflag:s22] =	ssyncadd.s32 s4;
	_ =	sdelay $0x1  }
0xa1: {  	s23 =	simm.s32 $0x1B8B  }
0xa2: {  	_ =	swait.ge [sflag:s23], $0x1  }
0xa3: {  	[sflag:s23] =	ssyncset.done $0x0  }
0xa4: {  	s25 =	simm.s32 $0x1B8E;
	s24 =	sld [smem:$0x3FFE];
	[sflag:s23] =	ssyncadd.s32 $0xFFFFFFFF  }
0xa5: {  	s26 =	simm.s32 $execute0_lowered;
	[smem:$0x3FD2] =	sst s25  }
0xa6: {  	s5 =	sshll.u32 s26, $0x1;
	_ =	strace $0x8000004F;
	[dreg:$0x1] =	wrdreg $0xFFFFFFFF  }
0xa7: {  	s28 =	simm.s32 $_size_execute0_lowered;
	s3 =	sadd.s32 s3, s5;
	[dreg:$0x0] =	wrdreg $0x0  }
0xa8: {  	s5 =	sshll.u32 s28, $0x1;
	[dreg:$0x2] =	wrdreg s3  }
0xa9: {  	[dreg:$0x3] =	wrdreg s5  }
0xaa: {  	[dreg:$0x4] =	wrdreg $0xC0  }
0xab: {  	_ =	task [dreg:s7], $0x5FFFF  }
0xac: {  	[dreg:$0x1] =	wrdreg $0xFFFFFFFF  }
0xad: {  	[dreg:$0x0] =	wrdreg $0x60  }
0xae: {  	[dreg:$0x2] =	wrdreg s2  }
0xaf: {  	[dreg:$0x3] =	wrdreg s24  }
0xb0: {  	[dreg:$0x4] =	wrdreg $0x90000  }
0xb1: {  	[dreg:$0x5] =	wrdreg $0x9  }
0xb2: {  	_ =	task.clear_ibuf [dreg:s7], $0x6FFFF;
	_ =	strace $0x9000004F  }
0xb3: {  	s29 =	simm.s32 $0x9;
	_ =	strace $0x80000051  }
0xb4: {  	_ =	swait.ge [sflag:s29], $0x1  }
0xb5: {  	[sflag:s29] =	ssyncadd.s32 $0xFFFFFFFF  }
0xb6: {  	_ =	strace $0x90000051  }
0xb7: {  	_ =	sfence  }
0xb8: {  	s30 =	sld [smem:$0x0];
	_ =	sdelay $0x2  }
0xb9: {  	s31 =	sshll.u32 s1, $0xD;
	s1 =	sshrl.u32 s1, $0x2  }
0xba: {  	s3 =	sand.u32 $0x4000, s31;
	s1 =	sadd.s32 s1, s30  }
0xbb: {  	s0 =	sor.u32 s3, s0;
	s1 =	sshll.u32 s1, $0x11  }
0xbc: {  	s0 =	sor.u32 s1, s0  }
0xbd: {  	s0 =	sadd.s32 $0x8F2B, s0  }
0xbe: {  	[sflag:s0] =	ssyncadd.remote.s32 $0x1  }
0xbf: {  	_ =	sfence.sel $0xFFFF  }
0xc0: {  	[dreg:$0x0] =	wrdreg $0xFFFFFFFF;
	(pc) =	sbr.abs _section_cstart, $3  }
0xc1: {  	[dreg:$0x1] =	wrdreg $0xFFFFFFFF  }
0xc2: {  	_ =	task.clear_ibuf [dreg:s7], $0x2FFFF;
	_ =	strace $0x9FFFFFFF  }
0xc3: {  	(tm) =	ssettm $0x7FFFFFFF  }
tec
execute0_lowered:
.L_overlay_start_1:
0x0: {  	(tag) =	ssettag $0x1  }
0x1: {  	s1 =	rddreg [dreg:$0x0]  }
0x2: {  	s0 =	srdreg.scid;
	s5 =	rddreg [dreg:$0x1]  }
0x3: {  	s3 =	rddreg [dreg:$0x2];
	s4 =	simm.s32 $0x0;
	s21 =	simm.s32 $0x7D  }
0x4: {  	s22 =	simm.s32 $0x1;
	s7 =	sand.u32 $0x1, s0;
	s0 =	stileid.u32  }
0x5: {  	[smem:$0x7FF] =	sst s4;
	s16 =	sadd.s32 $0x17600, s5;
	s8 =	smul.u32 $0x50000, s0  }
0x6: {  	s2 =	sshll.u32 s7, $0x4;
	s10 =	smul.u32 $0x14000, s0;
	s30 =	ssub.s32 $0x2, s7  }
0x7: {  	s18 =	smul.u32 $0x140000, s7;
	s6 =	sor.u32 s0, s2;
	s2 =	rddreg [dreg:$0x3]  }
0x8: {  	_ =	strace $0x80000050;
	s31 =	sshrl.u32 s30, $0x1;
	s6 =	smul.u32 $0x500, s6  }
0x9: {  	s8 =	sshrl.u32 s8, $0x2;
	s12 =	sadd.s32 $0x4000, s10;
	s17 =	ssub.s32 s30, s31  }
0xa: {  	s14 =	sadd.s32 $0x8000, s10;
	s15 =	sadd.s32 $0xC000, s10;
	s19 =	sadd.s32 $0x10000, s10  }
0xb: {  	s13 =	sadd.s32 s10, s18;
	s7 =	sadd.s32 s14, s3;
	s9 =	sadd.s32 s19, s3  }
0xc: {  	s13 =	sshrl.u32 s13, $0x3;
	s14 =	sadd.s32 s18, s14;
	s17 =	smax.u32 s17, $0x1  }
0xd: {  	s11 =	sadd.s32 s6, s5;
	s5 =	sadd.s32 s8, s3;
	s6 =	sadd.s32 s12, s3  }
0xe: {  	s8 =	sadd.s32 s15, s3;
	s12 =	sadd.s32 s18, s12;
	s15 =	sadd.s32 s18, s15  }
0xf: {  	s18 =	sadd.s32 s18, s19;
	s14 =	sshrl.u32 s14, $0x3;
	s19 =	simm.s32 $0x2  }
0x10: {  	s10 =	sadd.s32 $0xD600, s11;
	s20 =	sshrl.u32 s12, $0x3;
	s11 =	sadd.s32 $0x3600, s11  }
0x11: {  	s12 =	sadd.s32 s16, s13;
	s15 =	sshrl.u32 s15, $0x3;
	s18 =	sshrl.u32 s18, $0x3  }
0x12: {  	s14 =	sadd.s32 s16, s14;
	s13 =	sadd.s32 s16, s20;
	s15 =	sadd.s32 s16, s15  }
0x13: {  	v0 =	vimm.f32 $0.0e+00;
	s16 =	sadd.s32 s16, s18;
	s18 =	simm.s32 $0x5000;
	s20 =	simm.s32 $0x2800  }
.LBB2_1:
0x14: {  	s23 =	simm.s32 $0x0;
	s24 =	simm.s32 $0x200  }
.LBB2_2:
0x15: {  	p0 =	sne.s32 s24, $0xFE00;
	[tilespmem:s23+$0x5070] =	vst v0  }
0x16: {  	[tilespmem:s23+$0x5000] =	vst v0  }
0x17: {  	[tilespmem:s23+$0x5010] =	vst v0  }
.Ltmp0:
0x18: {  	[tilespmem:s23+$0x5020] =	vst v0;
	(pc) =	sbr.rel @p0 .LBB2_2-.Ltmp0, $4  }
0x19: {  	[tilespmem:s23+$0x5030] =	vst v0  }
0x1a: {  	[tilespmem:s23+$0x5040] =	vst v0  }
0x1b: {  	[tilespmem:s23+$0x5050] =	vst v0  }
0x1c: {  	[tilespmem:s23+$0x5060] =	vst v0;
	s23 =	sshra.s32 s24, $0x2;
	s24 =	sadd.s32 $0x200, s24  }
0x1d: {  	[tilespmem:s23+$0x5070] =	vst v0  }
0x1e: {  	[tilespmem:s23+$0x5000] =	vst v0  }
0x1f: {  	[tilespmem:s23+$0x5010] =	vst v0  }
0x20: {  	[tilespmem:s23+$0x5020] =	vst v0  }
0x21: {  	[tilespmem:s23+$0x5030] =	vst v0  }
0x22: {  	[tilespmem:s23+$0x5040] =	vst v0  }
0x23: {  	[tilespmem:s23+$0x5050] =	vst v0  }
0x24: {  	[tilespmem:s23+$0x5060] =	vst v0  }
0x25: {  	[spmem:s5] =	stream.linear.scatter [tilespmem:s18], [sflag:$0x2], $0x4000, $0x38;
	[tilespmem:$0x1D000] =	vst v63  }
0x26: {  	_ =	swait.ge [sflag:s19], $0x4000  }
0x27: {  	[sflag:s19] =	ssyncset.done $0x0  }
0x28: {  	[sflag:s19] =	ssyncadd.s32 $0xFFFFC000  }
0x29: {  	[spmem:s6] =	stream.linear.scatter [tilespmem:s18], [sflag:$0x2], $0x4000, $0x38;
	[tilespmem:$0x1D000] =	vst v63  }
0x2a: {  	_ =	swait.ge [sflag:s19], $0x4000  }
0x2b: {  	[sflag:s19] =	ssyncset.done $0x0  }
0x2c: {  	[sflag:s19] =	ssyncadd.s32 $0xFFFFC000  }
0x2d: {  	[spmem:s7] =	stream.linear.scatter [tilespmem:s18], [sflag:$0x2], $0x4000, $0x38;
	[tilespmem:$0x1D000] =	vst v63  }
0x2e: {  	_ =	swait.ge [sflag:s19], $0x4000  }
0x2f: {  	[sflag:s19] =	ssyncset.done $0x0  }
0x30: {  	[sflag:s19] =	ssyncadd.s32 $0xFFFFC000  }
0x31: {  	[spmem:s8] =	stream.linear.scatter [tilespmem:s18], [sflag:$0x2], $0x4000, $0x38;
	[tilespmem:$0x1D000] =	vst v63  }
0x32: {  	_ =	swait.ge [sflag:s19], $0x4000  }
0x33: {  	[sflag:s19] =	ssyncset.done $0x0  }
0x34: {  	[sflag:s19] =	ssyncadd.s32 $0xFFFFC000  }
0x35: {  	[spmem:s9] =	stream.linear.scatter [tilespmem:s18], [sflag:$0x2], $0x4000, $0x38;
	[tilespmem:$0x1D000] =	vst v63  }
0x36: {  	_ =	swait.ge [sflag:s19], $0x4000  }
0x37: {  	[sflag:s19] =	ssyncset.done $0x0  }
0x38: {  	[sflag:s19] =	ssyncadd.s32 $0xFFFFC000  }
0x39: {  	s29 =	simm.s32 $0x0;
	[bflag:$0x0] =	sbarrier.arrive $0xFFFF  }
0x3a: {  	[tilespmem:s29], [sflag:$0x2] =	stream.linear.gather [hbm4b:s10+s29], $0x2800, $0x38;
	[tilespmem:$0x1D000] =	vst v63  }
0x3b: {  	_ =	swait.ge [sflag:s19], $0x2800  }
0x3c: {  	[sflag:s19] =	ssyncset.done $0x0  }
0x3d: {  	[sflag:s19] =	ssyncadd.s32 $0xFFFFD800  }
0x3e: {  	[tilespmem:s20], [sflag:$0x2] =	stream.linear.gather [hbm4b:s11+s29], $0x2800, $0x38;
	[tilespmem:$0x1D000] =	vst v63  }
0x3f: {  	_ =	swait.ge [sflag:s19], $0x2800  }
0x40: {  	[sflag:s19] =	ssyncset.done $0x0  }
0x41: {  	s30 =	simm.s32 $0x0;
	[sflag:s19] =	ssyncadd.s32 $0xFFFFD800  }
0x42: {  	[tilespmem:s18], [sflag:$0x1] =	stream.indirect.gather [hbm4b:s1+s21], $0x80, s30, s21, $0xb8;
	[tilespmem:$0x1D000] =	vst v63  }
0x43: {  	_ =	swait.ge [sflag:s22], $0x3E80  }
0x44: {  	[sflag:s22] =	ssyncset.done $0x0  }
0x45: {  	s31 =	simm.s32 $0x2800;
	[sflag:s22] =	ssyncadd.s32 $0xFFFFC180  }
0x46: {  	[spmem:s3] =	stream.indirect.scatter.add.f32 [tilespmem:s18], [sflag:$0x2], $0x80, s31, s21, $0xb8;
	[tilespmem:$0x1D000] =	vst v63  }
0x47: {  	_ =	swait.ge [sflag:s19], $0x3E80  }
0x48: {  	s23 =	simm.s32 $0x200;
	s24 =	simm.s32 $0x400;
	[sflag:s19] =	ssyncset.done $0x0  }
.LBB2_4:
0x49: {  	s25 =	sshra.s32 s23, $0x2  }
0x4a: {  	[sflag:s19] =	ssyncadd.s32 $0xFFFFC180;
	s23 =	smov.u32 s24;
	s26 =	sadd.s32 $0x200, s24  }
0x4b: {  	[tilespmem:s18], [sflag:$0x1] =	stream.indirect.gather [hbm4b:s1+s21], $0x80, s25, s21, $0xb8;
	[tilespmem:$0x1D000] =	vst v63  }
0x4c: {  	p0 =	sne.s32 s24, $0x9E00;
	_ =	swait.ge [sflag:s22], $0x3E80  }
.Ltmp1:
0x4d: {  	[sflag:s22] =	ssyncset.done $0x0;
	(pc) =	sbr.rel @p0 .LBB2_4-.Ltmp1, $4  }
0x4e: {  	s24 =	sadd.s32 $0x2800, s25;
	[sflag:s22] =	ssyncadd.s32 $0xFFFFC180  }
0x4f: {  	[spmem:s3] =	stream.indirect.scatter.add.f32 [tilespmem:s18], [sflag:$0x2], $0x80, s24, s21, $0xb8;
	[tilespmem:$0x1D000] =	vst v63  }
0x50: {  	_ =	swait.ge [sflag:s19], $0x3E80  }
0x51: {  	s24 =	smov.u32 s26;
	[sflag:s19] =	ssyncset.done $0x0  }
0x52: {  	s23 =	sshra.s32 s23, $0x2;
	[sflag:s19] =	ssyncadd.s32 $0xFFFFC180  }
0x53: {  	[tilespmem:s18], [sflag:$0x1] =	stream.indirect.gather [hbm4b:s1+s21], $0x80, s23, s21, $0xb8;
	[tilespmem:$0x1D000] =	vst v63  }
0x54: {  	_ =	swait.ge [sflag:s22], $0x3E80  }
0x55: {  	[sflag:s22] =	ssyncset.done $0x0  }
0x56: {  	s23 =	sadd.s32 $0x2800, s23;
	[sflag:s22] =	ssyncadd.s32 $0xFFFFC180  }
0x57: {  	[spmem:s3] =	stream.indirect.scatter.add.f32 [tilespmem:s18], [sflag:$0x2], $0x80, s23, s21, $0xb8;
	[tilespmem:$0x1D000] =	vst v63  }
0x58: {  	_ =	swait.ge [sflag:s19], $0x3E80  }
0x59: {  	[sflag:s19] =	ssyncset.done $0x0  }
0x5a: {  	s26 =	sshll.u32 s0, $0x6;
	[sflag:s19] =	ssyncadd.s32 $0xFFFFC180  }
0x5b: {  	s24 =	sshrl.u32 s5, $0x3;
	s23 =	sor.u32 $0x1C02, s26;
	[bflag:$0x0] =	sbarrier.arrive $0xFFFF  }
0x5c: {  	[hbm:s12], [sflag:s23] =	dma.local [spmem:s24], $0x800  }
0x5d: {  	_ =	swait.ge [sflag:s19], $0x800  }
0x5e: {  	[sflag:s19] =	ssyncset.done $0x0  }
0x5f: {  	s28 =	sshrl.u32 s6, $0x3;
	[sflag:s19] =	ssyncadd.s32 $0xFFFFF800  }
0x60: {  	[hbm:s13], [sflag:s23] =	dma.local [spmem:s28], $0x800  }
0x61: {  	_ =	swait.ge [sflag:s19], $0x800  }
0x62: {  	[sflag:s19] =	ssyncset.done $0x0  }
0x63: {  	s29 =	sshrl.u32 s7, $0x3;
	[sflag:s19] =	ssyncadd.s32 $0xFFFFF800  }
0x64: {  	[hbm:s14], [sflag:s23] =	dma.local [spmem:s29], $0x800  }
0x65: {  	_ =	swait.ge [sflag:s19], $0x800  }
0x66: {  	[sflag:s19] =	ssyncset.done $0x0  }
0x67: {  	s30 =	sshrl.u32 s8, $0x3;
	[sflag:s19] =	ssyncadd.s32 $0xFFFFF800  }
0x68: {  	[hbm:s15], [sflag:s23] =	dma.local [spmem:s30], $0x800  }
0x69: {  	s4 =	sadd.s32 $0x1, s4;
	_ =	swait.ge [sflag:s19], $0x800  }
0x6a: {  	p0 =	sne.s32 s4, s17;
	[sflag:s19] =	ssyncset.done $0x0  }
.Ltmp2:
0x6b: {  	s31 =	sshrl.u32 s9, $0x3;
	[sflag:s19] =	ssyncadd.s32 $0xFFFFF800;
	(pc) =	sbr.rel @p0 .LBB2_1-.Ltmp2, $4  }
0x6c: {  	[hbm:s16], [sflag:s23] =	dma.local [spmem:s31], $0x800  }
0x6d: {  	_ =	swait.ge [sflag:s19], $0x800  }
0x6e: {  	[sflag:s19] =	ssyncset.done $0x0  }
0x6f: {  	[sflag:s19] =	ssyncadd.s32 $0xFFFFF800  }
0x70: {  	_ =	sfence.sel $0x180000  }
0x71: {  	[bflag:$0x0] =	sbarrier.arrive $0xFFFF  }
0x72: {  	p0 =	sne.s32 s0, $0x0;
	_ =	strace $0x90000050  }
0x73: {  	s0 =	sadd.s32 @!p0 $0x100000, s2;
	[bflag:$0x2] =	sbarrier.arrive $0xFFFF  }
0x74: {  	[sflag:s0] =	ssyncadd.tile.s32 @!p0 $0x1;
	_ =	shalt  }
.Lfunc_end2:
_tile_overlayer_lowered:
.L_overlay_start_2:
0x75: {  	(tag) =	ssettag $0x2  }
0x76: {  	s0 =	rddreg [dreg:$0x0];
	s2 =	stileid.u32  }
0x77: {  	s1 =	rddreg [dreg:$0x1];
	p0 =	sne.s32 s2, $0x0  }
0x78: {  	s3 =	rddreg [dreg:$0x2];
	[bflag:$0x3] =	sbarrier.arrive $0xFFFF;
	s2 =	simm.s32 @!p0 $0x1C02  }
0x79: {  	[timem:s3], [sflag:s2] =	dma.local @!p0 [hbm:s0], s1  }
0x7a: {  	s0 =	simm.s32 @!p0 $0x2  }
0x7b: {  	_ =	swait.ge @!p0 [sflag:s0], s1  }
0x7c: {  	s1 =	ssub.s32 @!p0 $0x0, s1;
	[sflag:s0] =	ssyncset.done @!p0 $0x0  }
0x7d: {  	[sflag:s0] =	ssyncadd.s32 @!p0 s1  }
0x7e: {  	[bflag:$0x3] =	sbarrier.arrive $0xFFFF  }
0x7f: {  	_ =	shalt  }

</sc_bundles>
